<compile_context>
chip_gen: v7x
topology: tpu7x:2x2x1
jax: 0.10.2.dev20260603
libtpu: 0.0.44.dev20260713+nightly
codegen_flags: <defaults>
</compile_context>

<pallas_src>
import jax
import jax.numpy as jnp
import numpy as np
from jax import lax
from jax.experimental import pallas as pl
from jax.experimental.pallas import tpu as pltpu
from jax.experimental.pallas import tpu_sc as plsc

N = 100000
B = 8
MR = 655360
HOFF = MR // 2
MAXSP = 512

NT = 16
NC = 2
P = 6272
NP = NT * P
W = MR // NT
CH = 5
CW = W // CH
CNW = CW // 16
SELCAP = 544
TRASH = MR


def _ids_body(x_ref, y_ref, z_ref, o_ref):
    vs = np.float32(0.2)
    vx = (x_ref[...] / vs).astype(jnp.int32)
    vy = (y_ref[...] / vs).astype(jnp.int32)
    vz = (z_ref[...] / vs).astype(jnp.int32)
    raw = vx * 10000 + vy * 100 + vz + HOFF
    o_ref[...] = jnp.clip(raw, 0, MR - 1)


def _compute_bins(coordinates):
    xs = coordinates[:, :, 0].reshape(-1, 128)
    ys = coordinates[:, :, 1].reshape(-1, 128)
    zs = coordinates[:, :, 2].reshape(-1, 128)
    bins = pl.pallas_call(
        _ids_body,
        out_shape=jax.ShapeDtypeStruct(xs.shape, jnp.int32),
    )(xs, ys, zs)
    return bins.reshape(B, N)


def _sc_body(bins_hbm, ones_hbm, out_hbm,
             idsf_v, onesf_v, outf_v, cnt_v, hist_v, hist_v2, histc_v, hall_v,
             tot_v, fsuf_v, selb_v, selc_v, regsb_v, regsc_v,
             listb_v, listc_v, val_v, tgt_v,
             counts_sh, hist_sh, selb_sh, selc_sh, sem, sem2):
    c = lax.axis_index("c")
    t = lax.axis_index("s")
    LANE = lax.iota(jnp.int32, 16)
    zero16 = jnp.zeros((16,), jnp.int32)
    one16 = jnp.ones((16,), jnp.int32)
    laneoff = LANE * 256

    pltpu.sync_copy(ones_hbm.at[pl.ds(t * P, P)], onesf_v)

    def batch_step(k, carry):
        b = c * 4 + k

        ids_dma = pltpu.async_copy(
            bins_hbm.at[pl.ds((b * NT + t) * P, P)], idsf_v, sem2)

        def z_body(j, _):
            cnt_v[pl.ds(j * 16, 16)] = zero16
            return 0
        lax.fori_loop(0, CNW, z_body, 0)

        def z_fire(ch, _):
            pltpu.async_copy(cnt_v, counts_sh.at[pl.ds(t * W + ch * CW, CW)],
                             sem)
            return 0
        lax.fori_loop(0, CH, z_fire, 0)

        def z_drain(ch, _):
            pltpu.make_async_copy(
                cnt_v, counts_sh.at[pl.ds(t * W + ch * CW, CW)], sem).wait()
            return 0
        lax.fori_loop(0, CH, z_drain, 0)
        ids_dma.wait()
        plsc.subcore_barrier()

        pltpu.sync_copy(onesf_v, counts_sh.at[idsf_v], add=True)
        plsc.subcore_barrier()

        def hz_body(j, _):
            hist_v[pl.ds(j * 16, 16)] = zero16
            hist_v2[pl.ds(j * 16, 16)] = zero16
            return 0
        lax.fori_loop(0, 512, hz_body, 0)

        def h_chunk(ch, cmax):
            pltpu.sync_copy(counts_sh.at[pl.ds(t * W + ch * CW, CW)], cnt_v)

            def h_body(j, mv):
                cv0 = cnt_v[pl.ds(j * 64, 16)]
                cv1 = cnt_v[pl.ds(j * 64 + 16, 16)]
                cv2 = cnt_v[pl.ds(j * 64 + 32, 16)]
                cv3 = cnt_v[pl.ds(j * 64 + 48, 16)]
                plsc.addupdate_scatter(
                    hist_v, [jnp.minimum(cv0, 255) + laneoff], one16)
                plsc.addupdate_scatter(
                    hist_v2, [jnp.minimum(cv1, 255) + laneoff], one16)
                plsc.addupdate_scatter(
                    hist_v, [jnp.minimum(cv2, 255) + laneoff + 4096], one16)
                plsc.addupdate_scatter(
                    hist_v2, [jnp.minimum(cv3, 255) + laneoff + 4096], one16)
                m01 = jnp.maximum(cv0, cv1)
                m23 = jnp.maximum(cv2, cv3)
                return jnp.maximum(mv, jnp.maximum(m01, m23))
            mv = lax.fori_loop(0, CNW // 4, h_body, zero16)
            return cmax + jnp.max(mv) * (LANE == ch).astype(jnp.int32)
        cmax16 = lax.fori_loop(0, CH, h_chunk, zero16)

        def hc_body(j, _):
            acc = zero16
            for l in range(16):
                acc = acc + (hist_v[pl.ds(l * 256 + j * 16, 16)]
                             + hist_v2[pl.ds(l * 256 + j * 16, 16)]
                             + hist_v[pl.ds(4096 + l * 256 + j * 16, 16)]
                             + hist_v2[pl.ds(4096 + l * 256 + j * 16, 16)])
            histc_v[pl.ds(j * 16, 16)] = acc
            return 0
        lax.fori_loop(0, 16, hc_body, 0)
        pltpu.sync_copy(histc_v, hist_sh.at[pl.ds(t * 256, 256)])
        plsc.subcore_barrier()

        pltpu.sync_copy(hist_sh, hall_v)

        def tj_body(j, _):
            acc = zero16
            for ss in range(16):
                acc = acc + hall_v[pl.ds(ss * 256 + j * 16, 16)]
            tot_v[pl.ds(j * 16, 16)] = acc
            return 0
        lax.fori_loop(0, 16, tj_body, 0)

        def sj_body(i, S):
            j = 15 - i
            v = tot_v[pl.ds(j * 16, 16)]
            cs = lax.rev(jnp.cumsum(lax.rev(v, (0,))), (0,))
            fsuf_v[pl.ds(j * 16, 16)] = cs + S
            return S + jnp.sum(v)
        lax.fori_loop(0, 16, sj_body, jnp.int32(0))

        def ts_body(j, acc):
            cidx = j * 16 + LANE
            f = fsuf_v[pl.ds(j * 16, 16)]
            m = (f >= MAXSP) & (cidx >= 1)
            return jnp.maximum(acc, jnp.max(jnp.where(m, cidx, 0)))
        T = jnp.maximum(lax.fori_loop(0, 16, ts_body, jnp.int32(0)),
                        jnp.int32(1))

        def ex_body(j, acc):
            cidx = j * 16 + LANE
            f = fsuf_v[pl.ds(j * 16, 16)]
            g = acc[0] + jnp.sum(jnp.where(cidx == T + 1, f, 0))
            no = acc[1] + jnp.sum(jnp.where(cidx == 1, f, 0))
            return (g, no)
        G, numocc = lax.fori_loop(0, 16, ex_body,
                                  (jnp.int32(0), jnp.int32(0)))
        R = MAXSP - G

        def ng_body(ss, carry):
            ngv, mev = carry

            def inner(j, a):
                cidx = j * 16 + LANE
                h = hall_v[pl.ds(ss * 256 + j * 16, 16)]
                pk = jnp.where(cidx > T, h, 0) + jnp.where(
                    cidx == T, h * 262144, 0)
                return a + jnp.sum(pk)
            pk = lax.fori_loop(0, 16, inner, jnp.int32(0))
            e = pk // 262144
            g = pk - e * 262144
            oh = (LANE == ss).astype(jnp.int32)
            return (ngv + g * oh, mev + e * oh)
        n_gt_vec, m_eq_vec = lax.fori_loop(0, 16, ng_body, (zero16, zero16))

        eqpref = jnp.cumsum(m_eq_vec) - m_eq_vec
        m_take = jnp.minimum(jnp.maximum(R - eqpref, 0), m_eq_vec)
        selcnt_vec = n_gt_vec + m_take
        base_vec = jnp.cumsum(selcnt_vec) - selcnt_vec
        M = jnp.sum(selcnt_vec)
        my_eqbudget = jnp.sum(jnp.where(LANE == t, m_take, 0))

        def sz_body(j, _):
            selb_v[pl.ds(j * 16, 16)] = zero16
            selc_v[pl.ds(j * 16, 16)] = zero16
            return 0
        lax.fori_loop(0, SELCAP // 16, sz_body, 0)

        def p4_chunk(ch, carry):
            cmax_ch = jnp.sum(jnp.where(LANE == ch, cmax16, 0))

            def do_chunk(carry):
                pltpu.sync_copy(counts_sh.at[pl.ds(t * W + ch * CW, CW)],
                                cnt_v)

                def p4_body(j, carry):
                    pos, eqc = carry
                    base = t * W + ch * CW + j * 64
                    cvs = [cnt_v[pl.ds(j * 64 + u * 16, 16)]
                           for u in range(4)]
                    meqs = [cv == T for cv in cvs]
                    excls = [jnp.cumsum(m.astype(jnp.int32))
                             - m.astype(jnp.int32) for m in meqs]
                    neqs = [plsc.all_reduce_population_count(m)[0]
                            for m in meqs]
                    eq_run = eqc
                    for u in range(4):
                        take = meqs[u] & ((eq_run + excls[u]) < my_eqbudget)
                        sel = (cvs[u] > T) | take
                        nsel = plsc.all_reduce_population_count(sel)[0]
                        plsc.store_compressed(selb_v.at[pl.ds(pos, 16)],
                                              base + u * 16 + LANE, mask=sel)
                        plsc.store_compressed(selc_v.at[pl.ds(pos, 16)],
                                              cvs[u], mask=sel)
                        pos = pos + nsel
                        eq_run = eq_run + neqs[u]
                    return (pos, eq_run)
                return lax.fori_loop(0, CNW // 4, p4_body, carry)
            return lax.cond(cmax_ch >= T, do_chunk, lambda cc: cc, carry)
        lax.fori_loop(0, CH, p4_chunk, (jnp.int32(0), jnp.int32(0)))

        pltpu.sync_copy(selb_v.at[pl.ds(0, SELCAP)],
                        selb_sh.at[pl.ds(t * SELCAP, SELCAP)])
        pltpu.sync_copy(selc_v.at[pl.ds(0, SELCAP)],
                        selc_sh.at[pl.ds(t * SELCAP, SELCAP)])
        plsc.subcore_barrier()

        pltpu.sync_copy(selb_sh, regsb_v)
        pltpu.sync_copy(selc_sh, regsc_v)

        neg16 = zero16 - 1

        def mi_body(j, _):
            cnt_v[pl.ds(j * 16, 16)] = neg16
            return 0
        lax.fori_loop(0, CNW, mi_body, 0)

        def mi_fire(ch, _):
            pltpu.async_copy(cnt_v, counts_sh.at[pl.ds(t * W + ch * CW, CW)],
                             sem)
            return 0
        lax.fori_loop(0, CH, mi_fire, 0)

        def lz_body(j, _):
            listb_v[pl.ds(j * 16, 16)] = zero16
            listc_v[pl.ds(j * 16, 16)] = zero16
            return 0
        lax.fori_loop(0, SELCAP // 16, lz_body, 0)

        def comp_s(ss, _):
            cnt_s = jnp.sum(jnp.where(LANE == ss, selcnt_vec, 0))
            base_s = jnp.sum(jnp.where(LANE == ss, base_vec, 0))

            def comp_j(j, _):
                mask = (j * 16 + LANE) < cnt_s
                bv = regsb_v[pl.ds(ss * SELCAP + j * 16, 16)]
                cvv = regsc_v[pl.ds(ss * SELCAP + j * 16, 16)]
                off = base_s + j * 16
                plsc.store_compressed(listb_v.at[pl.ds(off, 16)], bv,
                                      mask=mask)
                plsc.store_compressed(listc_v.at[pl.ds(off, 16)], cvv,
                                      mask=mask)
                return 0
            lax.fori_loop(0, SELCAP // 16, comp_j, 0)
            return 0
        lax.fori_loop(0, 16, comp_s, 0)

        def row_body(e, carry):
            v0, t0, v1, t1 = carry
            eg = t * 32 + e
            chv = eg // 16
            cl = eg - chv * 16
            cvec = listc_v[pl.ds(chv * 16, 16)]
            bvec = listb_v[pl.ds(chv * 16, 16)]
            c_e = jnp.sum(jnp.where(LANE == cl, cvec, 0))
            b_e = jnp.sum(jnp.where(LANE == cl, bvec, 0))

            def pair_j(j, acc):
                ck = listc_v[pl.ds(j * 16, 16)]
                bk = listb_v[pl.ds(j * 16, 16)]
                gt = (ck > c_e).astype(jnp.int32)
                eq = ((ck == c_e) & (bk < b_e)).astype(jnp.int32)
                return acc + jnp.sum(gt + eq)
            newid = lax.fori_loop(0, SELCAP // 16, pair_j, jnp.int32(0))

            val = jnp.where(numocc > MAXSP, newid, eg)
            tgt = jnp.where(eg < M, b_e, TRASH + eg)
            oh = (LANE == (e & 15)).astype(jnp.int32)
            lo = e < 16
            v0 = v0 + jnp.where(lo, val * oh, zero16)
            t0 = t0 + jnp.where(lo, tgt * oh, zero16)
            v1 = v1 + jnp.where(lo, zero16, val * oh)
            t1 = t1 + jnp.where(lo, zero16, tgt * oh)
            return (v0, t0, v1, t1)
        v0, t0, v1, t1 = lax.fori_loop(
            0, 32, row_body, (zero16, zero16, zero16, zero16))
        val_v[0, :] = v0
        val_v[1, :] = v1
        tgt_v[0, :] = t0
        tgt_v[1, :] = t1

        def mi_drain(ch, _):
            pltpu.make_async_copy(
                cnt_v, counts_sh.at[pl.ds(t * W + ch * CW, CW)], sem).wait()
            return 0
        lax.fori_loop(0, CH, mi_drain, 0)
        plsc.subcore_barrier()
        pltpu.sync_copy(val_v.at[0], counts_sh.at[tgt_v.at[0]])
        pltpu.sync_copy(val_v.at[1], counts_sh.at[tgt_v.at[1]])
        plsc.subcore_barrier()

        pltpu.sync_copy(counts_sh.at[idsf_v], outf_v)
        pltpu.sync_copy(outf_v, out_hbm.at[pl.ds((b * NT + t) * P, P)])
        plsc.subcore_barrier()
        return carry

    lax.fori_loop(0, B // NC, batch_step, 0)


def _sc_call(binsf, onesf):
    mesh = plsc.VectorSubcoreMesh(
        core_axis_name="c", subcore_axis_name="s",
        num_cores=NC, num_subcores=NT)
    f = pl.kernel(
        _sc_body,
        out_type=jax.ShapeDtypeStruct((B * NP,), jnp.int32),
        mesh=mesh,
        compiler_params=pltpu.CompilerParams(needs_layout_passes=False),
        scratch_types=[
            pltpu.VMEM((P,), jnp.int32),
            pltpu.VMEM((P,), jnp.int32),
            pltpu.VMEM((P,), jnp.int32),
            pltpu.VMEM((CW,), jnp.int32),
            pltpu.VMEM((8192,), jnp.int32),
            pltpu.VMEM((8192,), jnp.int32),
            pltpu.VMEM((256,), jnp.int32),
            pltpu.VMEM((4096,), jnp.int32),
            pltpu.VMEM((256,), jnp.int32),
            pltpu.VMEM((256,), jnp.int32),
            pltpu.VMEM((SELCAP + 16,), jnp.int32),
            pltpu.VMEM((SELCAP + 16,), jnp.int32),
            pltpu.VMEM((NT * SELCAP,), jnp.int32),
            pltpu.VMEM((NT * SELCAP,), jnp.int32),
            pltpu.VMEM((SELCAP,), jnp.int32),
            pltpu.VMEM((SELCAP,), jnp.int32),
            pltpu.VMEM((2, 16), jnp.int32),
            pltpu.VMEM((2, 16), jnp.int32),
            pltpu.VMEM_SHARED((MR + 1024,), jnp.int32),
            pltpu.VMEM_SHARED((NT * 256,), jnp.int32),
            pltpu.VMEM_SHARED((NT * SELCAP,), jnp.int32),
            pltpu.VMEM_SHARED((NT * SELCAP,), jnp.int32),
            pltpu.SemaphoreType.DMA,
            pltpu.SemaphoreType.DMA,
        ],
    )
    return f(binsf, onesf)


def kernel(coordinates):
    bins = _compute_bins(coordinates)
    binsf = jnp.pad(bins, ((0, 0), (0, NP - N))).reshape(-1)
    onesf = jnp.concatenate(
        [jnp.ones((N,), jnp.int32), jnp.zeros((NP - N,), jnp.int32)])
    out = _sc_call(binsf, onesf)
    return out.reshape(B, NP)[:, :N]

# --- scband reference (transcript-rebuilt; emitter-appended) ---
"""Pipeline reference for scband-superpoint-generator-82781199663404 (READ-ONLY COPY).

The authoritative reference and input builder live on the scoring server;
editing this copy changes nothing except your own understanding.
"""

import jax, jax.numpy as jnp
import numpy as np

VOXEL_SIZE = 0.2
MAX_SUPERPOINTS = 512


def setup_inputs(seed: int = 0) -> dict:
    key = jax.random.key(seed)
    coordinates = jax.random.normal(key, (8, 100000, 3), dtype=jnp.float32)
    return {"coordinates": coordinates}


def _forward_single(coords):
    # torch .long() truncates toward zero; float->int convert_element_type does the same
    N = coords.shape[0]
    voxel_coords = (coords / VOXEL_SIZE).astype(jnp.int32)
    voxel_ids = voxel_coords[:, 0] * 10000 + voxel_coords[:, 1] * 100 + voxel_coords[:, 2]
    unique_voxels, inverse_indices = jnp.unique(voxel_ids, return_inverse=True, size=N)
    inverse_indices = inverse_indices.reshape(-1).astype(jnp.int32)
    sorted_ids = jnp.sort(voxel_ids)
    num_unique = jnp.sum(sorted_ids[1:] != sorted_ids[:-1]) + 1
    voxel_counts = jnp.bincount(inverse_indices, length=N)
    # torch.argsort(counts, descending=True)[:max_superpoints]
    large_voxels = jnp.argsort(-voxel_counts)[:MAX_SUPERPOINTS]
    # vectorized equivalent of the per-superpoint relabeling loop:
    # mapping[old_id] = new_id for kept voxels, -1 otherwise
    mapping = jnp.full((N,), -1, dtype=jnp.int32)
    mapping = mapping.at[large_voxels].set(jnp.arange(MAX_SUPERPOINTS, dtype=jnp.int32))
    relabeled = mapping[inverse_indices]
    superpoint_labels = jnp.where(num_unique > MAX_SUPERPOINTS, relabeled, inverse_indices)
    return superpoint_labels


def reference(coordinates):
    B = coordinates.shape[0]
    batch_labels = [_forward_single(coordinates[b]) for b in range(B)]
    return jnp.stack(batch_labels)

if __name__ == "__main__":
    import jax
    _d = setup_inputs()
    print(jax.jit(kernel)(*tuple(_d.values())))

</pallas_src>

<mosaic_0001>
#map = affine_map<(d0, d1) -> (0)>
module attributes {stable_mosaic.version = 14 : i64} {
  func.func @_sc_body(%arg0: i32, %arg1: i32, %arg2: memref<802816xi32, #tpu.memory_space<hbm>>, %arg3: memref<100352xi32, #tpu.memory_space<hbm>>, %arg4: memref<802816xi32, #tpu.memory_space<hbm>>, %arg5: memref<6272xi32, #tpu.memory_space<vmem>>, %arg6: memref<6272xi32, #tpu.memory_space<vmem>>, %arg7: memref<6272xi32, #tpu.memory_space<vmem>>, %arg8: memref<8192xi32, #tpu.memory_space<vmem>>, %arg9: memref<8192xi32, #tpu.memory_space<vmem>>, %arg10: memref<8192xi32, #tpu.memory_space<vmem>>, %arg11: memref<256xi32, #tpu.memory_space<vmem>>, %arg12: memref<4096xi32, #tpu.memory_space<vmem>>, %arg13: memref<256xi32, #tpu.memory_space<vmem>>, %arg14: memref<256xi32, #tpu.memory_space<vmem>>, %arg15: memref<560xi32, #tpu.memory_space<vmem>>, %arg16: memref<560xi32, #tpu.memory_space<vmem>>, %arg17: memref<8704xi32, #tpu.memory_space<vmem>>, %arg18: memref<8704xi32, #tpu.memory_space<vmem>>, %arg19: memref<544xi32, #tpu.memory_space<vmem>>, %arg20: memref<544xi32, #tpu.memory_space<vmem>>, %arg21: memref<2x16xi32, #tpu.memory_space<vmem>>, %arg22: memref<2x16xi32, #tpu.memory_space<vmem>>, %arg23: memref<656384xi32, #tpu.memory_space<vmem_shared>>, %arg24: memref<4096xi32, #tpu.memory_space<vmem_shared>>, %arg25: memref<8704xi32, #tpu.memory_space<vmem_shared>>, %arg26: memref<8704xi32, #tpu.memory_space<vmem_shared>>, %arg27: memref<!tpu.dma_semaphore, #tpu.memory_space<semaphore_mem>>, %arg28: memref<!tpu.dma_semaphore, #tpu.memory_space<semaphore_mem>>) attributes {dimension_semantics = [#tpu.dimension_semantics<core_parallel>, #tpu.dimension_semantics<subcore_parallel>], iteration_bounds = array<i64: 2, 16>, scalar_prefetch = 0 : i64, scratch_operands = 24 : i64, tpu.core_type = #tpu.core_type<sc_vector_subcore>, window_params = [{transform_indices = #map}, {transform_indices = #map}, {transform_indices = #map}]} {
    %iota3A = tpu.iota {dimensions = array<i32: 0>} : vector<16xi32>
    %broadcast_in_dim3A = arith.constant 0 : i32
    %broadcast_in_dim3A_0 = vector.broadcast %broadcast_in_dim3A : i32 to vector<16xi32>
    %broadcast_in_dim3A_1 = arith.constant 1 : i32
    %broadcast_in_dim3A_2 = vector.broadcast %broadcast_in_dim3A_1 : i32 to vector<16xi32>
    %mul3A = arith.constant 256 : i32
    %mul3A_3 = vector.broadcast %mul3A : i32 to vector<16xi32>
    %mul3A_4 = arith.muli %iota3A, %mul3A_3 : vector<16xi32>
    %mul3A_5 = arith.constant 6272 : i32
    %mul3A_6 = arith.muli %arg1, %mul3A_5 : i32
    "tpu.region"() ({
      %run_scoped3A = tpu.sem_alloc : memref<!tpu.dma_semaphore, #tpu.memory_space<semaphore_mem>>
      %dma_start3A = tpu.memref_slice %arg3[%mul3A_6] : memref<100352xi32, #tpu.memory_space<hbm>> -> memref<6272xi32, #tpu.memory_space<hbm>>
      %dma_start3A_12 = tpu.memref_slice %arg3[%mul3A_6] : memref<100352xi32, #tpu.memory_space<hbm>> -> memref<6272xi32, #tpu.memory_space<hbm>>
      tpu.enqueue_dma source(%dma_start3A_12 : memref<6272xi32, #tpu.memory_space<hbm>>) target(%arg6 : memref<6272xi32, #tpu.memory_space<vmem>>) target_semaphore(%run_scoped3A : memref<!tpu.dma_semaphore, #tpu.memory_space<semaphore_mem>>)
      %dma_wait3A = tpu.memref_slice %arg3[%mul3A_6] : memref<100352xi32, #tpu.memory_space<hbm>> -> memref<6272xi32, #tpu.memory_space<hbm>>
      %dma_wait3A_13 = tpu.memref_slice %arg3[%mul3A_6] : memref<100352xi32, #tpu.memory_space<hbm>> -> memref<6272xi32, #tpu.memory_space<hbm>>
      tpu.wait_dma2 semaphore(%run_scoped3A : memref<!tpu.dma_semaphore, #tpu.memory_space<semaphore_mem>>) src(%dma_wait3A_13 : memref<6272xi32, #tpu.memory_space<hbm>>) dst(%arg6 : memref<6272xi32, #tpu.memory_space<vmem>>)
      tpu.yield
    }) : () -> ()
    %scan3A = arith.constant 0 : i32
    %scan3A_7 = arith.constant 0 : i32
    %scan3A_8 = arith.constant 4 : i32
    %scan3A_9 = arith.addi %scan3A_7, %scan3A_8 : i32
    %scan3A_10 = arith.constant 1 : i32
    scf.for %scan3A_12 = %scan3A_7 to %scan3A_9 step %scan3A_10  : i32 {
      %mul3A_13 = arith.constant 4 : i32
      %mul3A_14 = arith.muli %arg0, %mul3A_13 : i32
      %add3A = arith.addi %mul3A_14, %scan3A_12 : i32
      %mul3A_15 = arith.constant 16 : i32
      %mul3A_16 = arith.muli %add3A, %mul3A_15 : i32
      %add3A_17 = arith.addi %mul3A_16, %arg1 : i32
      %mul3A_18 = arith.constant 6272 : i32
      %mul3A_19 = arith.muli %add3A_17, %mul3A_18 : i32
      %dma_start3A = tpu.memref_slice %arg2[%mul3A_19] : memref<802816xi32, #tpu.memory_space<hbm>> -> memref<6272xi32, #tpu.memory_space<hbm>>
      %dma_start3A_20 = tpu.memref_slice %arg2[%mul3A_19] : memref<802816xi32, #tpu.memory_space<hbm>> -> memref<6272xi32, #tpu.memory_space<hbm>>
      tpu.enqueue_dma source(%dma_start3A_20 : memref<6272xi32, #tpu.memory_space<hbm>>) target(%arg5 : memref<6272xi32, #tpu.memory_space<vmem>>) target_semaphore(%arg28 : memref<!tpu.dma_semaphore, #tpu.memory_space<semaphore_mem>>)
      %scan3A_21 = arith.constant 0 : i32
      %scan3A_22 = arith.constant 0 : i32
      %scan3A_23 = arith.constant 512 : i32
      %scan3A_24 = arith.addi %scan3A_22, %scan3A_23 : i32
      %scan3A_25 = arith.constant 1 : i32
      %scan3A_26 = scf.for %scan3A_216 = %scan3A_22 to %scan3A_24 step %scan3A_25 iter_args(%scan3A_217 = %scan3A_21) -> (i32)  : i32 {
        %mul3A_218 = arith.constant 16 : i32
        %mul3A_219 = arith.muli %scan3A_216, %mul3A_218 : i32
        %swap3A_220 = arith.index_cast %mul3A_219 : i32 to index
        %swap3A_221 = tpu.vector_load %arg8[%swap3A_220] {strides = array<i32>} : memref<8192xi32, #tpu.memory_space<vmem>>, vector<16xi32>,
        tpu.vector_store %arg8[%swap3A_220], %broadcast_in_dim3A_0 {strides = array<i32>} : memref<8192xi32, #tpu.memory_space<vmem>>, vector<16xi32>,
        %scan3A_222 = arith.constant 0 : i32
        scf.yield %scan3A_222 : i32
      }
      %scan3A_27 = arith.constant 512 : i32
      %scan3A_28 = arith.constant 0 : i32
      %scan3A_29 = arith.constant 0 : i32
      %scan3A_30 = arith.constant 5 : i32
      %scan3A_31 = arith.addi %scan3A_29, %scan3A_30 : i32
      %scan3A_32 = arith.constant 1 : i32
      %scan3A_33 = scf.for %scan3A_216 = %scan3A_29 to %scan3A_31 step %scan3A_32 iter_args(%scan3A_217 = %scan3A_28) -> (i32)  : i32 {
        %mul3A_218 = arith.constant 40960 : i32
        %mul3A_219 = arith.muli %arg1, %mul3A_218 : i32
        %mul3A_220 = arith.constant 8192 : i32
        %mul3A_221 = arith.muli %scan3A_216, %mul3A_220 : i32
        %add3A_222 = arith.addi %mul3A_219, %mul3A_221 : i32
        %dma_start3A_223 = tpu.memref_slice %arg23[%add3A_222] : memref<656384xi32, #tpu.memory_space<vmem_shared>> -> memref<8192xi32, #tpu.memory_space<vmem_shared>>
        %dma_start3A_224 = tpu.memref_slice %arg23[%add3A_222] : memref<656384xi32, #tpu.memory_space<vmem_shared>> -> memref<8192xi32, #tpu.memory_space<vmem_shared>>
        tpu.enqueue_dma source(%arg8 : memref<8192xi32, #tpu.memory_space<vmem>>) target(%dma_start3A_224 : memref<8192xi32, #tpu.memory_space<vmem_shared>>) target_semaphore(%arg27 : memref<!tpu.dma_semaphore, #tpu.memory_space<semaphore_mem>>)
        %scan3A_225 = arith.constant 0 : i32
        scf.yield %scan3A_225 : i32
      }
      %scan3A_34 = arith.constant 5 : i32
      %scan3A_35 = arith.constant 0 : i32
      %scan3A_36 = arith.constant 0 : i32
      %scan3A_37 = arith.constant 5 : i32
      %scan3A_38 = arith.addi %scan3A_36, %scan3A_37 : i32
      %scan3A_39 = arith.constant 1 : i32
      %scan3A_40 = scf.for %scan3A_216 = %scan3A_36 to %scan3A_38 step %scan3A_39 iter_args(%scan3A_217 = %scan3A_35) -> (i32)  : i32 {
        %mul3A_218 = arith.constant 40960 : i32
        %mul3A_219 = arith.muli %arg1, %mul3A_218 : i32
        %mul3A_220 = arith.constant 8192 : i32
        %mul3A_221 = arith.muli %scan3A_216, %mul3A_220 : i32
        %add3A_222 = arith.addi %mul3A_219, %mul3A_221 : i32
        %dma_wait3A_223 = tpu.memref_slice %arg23[%add3A_222] : memref<656384xi32, #tpu.memory_space<vmem_shared>> -> memref<8192xi32, #tpu.memory_space<vmem_shared>>
        %dma_wait3A_224 = tpu.memref_slice %arg23[%add3A_222] : memref<656384xi32, #tpu.memory_space<vmem_shared>> -> memref<8192xi32, #tpu.memory_space<vmem_shared>>
        tpu.wait_dma2 semaphore(%arg27 : memref<!tpu.dma_semaphore, #tpu.memory_space<semaphore_mem>>) src(%arg8 : memref<8192xi32, #tpu.memory_space<vmem>>) dst(%dma_wait3A_224 : memref<8192xi32, #tpu.memory_space<vmem_shared>>)
        %scan3A_225 = arith.constant 0 : i32
        scf.yield %scan3A_225 : i32
      }
      %scan3A_41 = arith.constant 5 : i32
      %dma_wait3A = tpu.memref_slice %arg2[%mul3A_19] : memref<802816xi32, #tpu.memory_space<hbm>> -> memref<6272xi32, #tpu.memory_space<hbm>>
      %dma_wait3A_42 = tpu.memref_slice %arg2[%mul3A_19] : memref<802816xi32, #tpu.memory_space<hbm>> -> memref<6272xi32, #tpu.memory_space<hbm>>
      tpu.wait_dma2 semaphore(%arg28 : memref<!tpu.dma_semaphore, #tpu.memory_space<semaphore_mem>>) src(%dma_wait3A_42 : memref<6272xi32, #tpu.memory_space<hbm>>) dst(%arg5 : memref<6272xi32, #tpu.memory_space<vmem>>)
      %barrier3A = arith.constant 0 : index
      tpu.barrier barrier_id(%barrier3A)
      "tpu.region"() ({
        %run_scoped3A_216 = tpu.sem_alloc : memref<!tpu.dma_semaphore, #tpu.memory_space<semaphore_mem>>
        %dma_start3A_217 = arith.constant 0 : i32
        %dma_start3A_218 = tpu.memref_slice %arg23[%dma_start3A_217] : memref<656384xi32, #tpu.memory_space<vmem_shared>> -> memref<656384xi32, #tpu.memory_space<vmem_shared>>
        tpu.enqueue_indirect_dma source(%arg6 : memref<6272xi32, #tpu.memory_space<vmem>>) target(%dma_start3A_218 : memref<656384xi32, #tpu.memory_space<vmem_shared>>) offsets(%arg5 : memref<6272xi32, #tpu.memory_space<vmem>>) semaphore(%run_scoped3A_216 : memref<!tpu.dma_semaphore, #tpu.memory_space<semaphore_mem>>) {add = true}
        %dma_wait3A_219 = arith.constant 0 : i32
        %dma_wait3A_220 = tpu.memref_slice %arg23[%dma_wait3A_219] : memref<656384xi32, #tpu.memory_space<vmem_shared>> -> memref<656384xi32, #tpu.memory_space<vmem_shared>>
        tpu.wait_indirect_dma semaphore(%run_scoped3A_216 : memref<!tpu.dma_semaphore, #tpu.memory_space<semaphore_mem>>) src(%arg6 : memref<6272xi32, #tpu.memory_space<vmem>>) dst(%dma_wait3A_220 : memref<656384xi32, #tpu.memory_space<vmem_shared>>)
        tpu.yield
      }) : () -> ()
      %barrier3A_43 = arith.constant 0 : index
      tpu.barrier barrier_id(%barrier3A_43)
      %scan3A_44 = arith.constant 0 : i32
      %scan3A_45 = arith.constant 0 : i32
      %scan3A_46 = arith.constant 512 : i32
      %scan3A_47 = arith.addi %scan3A_45, %scan3A_46 : i32
      %scan3A_48 = arith.constant 1 : i32
      %scan3A_49 = scf.for %scan3A_216 = %scan3A_45 to %scan3A_47 step %scan3A_48 iter_args(%scan3A_217 = %scan3A_44) -> (i32)  : i32 {
        %mul3A_218 = arith.constant 16 : i32
        %mul3A_219 = arith.muli %scan3A_216, %mul3A_218 : i32
        %swap3A_220 = arith.index_cast %mul3A_219 : i32 to index
        %swap3A_221 = tpu.vector_load %arg9[%swap3A_220] {strides = array<i32>} : memref<8192xi32, #tpu.memory_space<vmem>>, vector<16xi32>,
        tpu.vector_store %arg9[%swap3A_220], %broadcast_in_dim3A_0 {strides = array<i32>} : memref<8192xi32, #tpu.memory_space<vmem>>, vector<16xi32>,
        %mul3A_222 = arith.constant 16 : i32
        %mul3A_223 = arith.muli %scan3A_216, %mul3A_222 : i32
        %swap3A_224 = arith.index_cast %mul3A_223 : i32 to index
        %swap3A_225 = tpu.vector_load %arg10[%swap3A_224] {strides = array<i32>} : memref<8192xi32, #tpu.memory_space<vmem>>, vector<16xi32>,
        tpu.vector_store %arg10[%swap3A_224], %broadcast_in_dim3A_0 {strides = array<i32>} : memref<8192xi32, #tpu.memory_space<vmem>>, vector<16xi32>,
        %scan3A_226 = arith.constant 0 : i32
        scf.yield %scan3A_226 : i32
      }
      %scan3A_50 = arith.constant 512 : i32
      %scan3A_51 = arith.constant 0 : i32
      %scan3A_52 = arith.constant 5 : i32
      %scan3A_53 = arith.addi %scan3A_51, %scan3A_52 : i32
      %scan3A_54 = arith.constant 1 : i32
      %scan3A_55 = scf.for %scan3A_216 = %scan3A_51 to %scan3A_53 step %scan3A_54 iter_args(%scan3A_217 = %broadcast_in_dim3A_0) -> (vector<16xi32>)  : i32 {
        %mul3A_218 = arith.constant 40960 : i32
        %mul3A_219 = arith.muli %arg1, %mul3A_218 : i32
        %mul3A_220 = arith.constant 8192 : i32
        %mul3A_221 = arith.muli %scan3A_216, %mul3A_220 : i32
        %add3A_222 = arith.addi %mul3A_219, %mul3A_221 : i32
        "tpu.region"() ({
          %run_scoped3A_241 = tpu.sem_alloc : memref<!tpu.dma_semaphore, #tpu.memory_space<semaphore_mem>>
          %dma_start3A_242 = tpu.memref_slice %arg23[%add3A_222] : memref<656384xi32, #tpu.memory_space<vmem_shared>> -> memref<8192xi32, #tpu.memory_space<vmem_shared>>
          %dma_start3A_243 = tpu.memref_slice %arg23[%add3A_222] : memref<656384xi32, #tpu.memory_space<vmem_shared>> -> memref<8192xi32, #tpu.memory_space<vmem_shared>>
          tpu.enqueue_dma source(%dma_start3A_243 : memref<8192xi32, #tpu.memory_space<vmem_shared>>) target(%arg8 : memref<8192xi32, #tpu.memory_space<vmem>>) target_semaphore(%run_scoped3A_241 : memref<!tpu.dma_semaphore, #tpu.memory_space<semaphore_mem>>)
          %dma_wait3A_244 = tpu.memref_slice %arg23[%add3A_222] : memref<656384xi32, #tpu.memory_space<vmem_shared>> -> memref<8192xi32, #tpu.memory_space<vmem_shared>>
          %dma_wait3A_245 = tpu.memref_slice %arg23[%add3A_222] : memref<656384xi32, #tpu.memory_space<vmem_shared>> -> memref<8192xi32, #tpu.memory_space<vmem_shared>>
          tpu.wait_dma2 semaphore(%run_scoped3A_241 : memref<!tpu.dma_semaphore, #tpu.memory_space<semaphore_mem>>) src(%dma_wait3A_245 : memref<8192xi32, #tpu.memory_space<vmem_shared>>) dst(%arg8 : memref<8192xi32, #tpu.memory_space<vmem>>)
          tpu.yield
        }) : () -> ()
        %scan3A_223 = arith.constant 0 : i32
        %scan3A_224 = arith.constant 128 : i32
        %scan3A_225 = arith.addi %scan3A_223, %scan3A_224 : i32
        %scan3A_226 = arith.constant 1 : i32
        %scan3A_227 = scf.for %scan3A_241 = %scan3A_223 to %scan3A_225 step %scan3A_226 iter_args(%scan3A_242 = %broadcast_in_dim3A_0) -> (vector<16xi32>)  : i32 {
          %mul3A_243 = arith.constant 64 : i32
          %mul3A_244 = arith.muli %scan3A_241, %mul3A_243 : i32
          %get3A = arith.index_cast %mul3A_244 : i32 to index
          %get3A_245 = tpu.vector_load %arg8[%get3A] {strides = array<i32>} : memref<8192xi32, #tpu.memory_space<vmem>>, vector<16xi32>,
          %mul3A_246 = arith.constant 64 : i32
          %mul3A_247 = arith.muli %scan3A_241, %mul3A_246 : i32
          %add3A_248 = arith.constant 16 : i32
          %add3A_249 = arith.addi %mul3A_247, %add3A_248 : i32
          %get3A_250 = arith.index_cast %add3A_249 : i32 to index
          %get3A_251 = tpu.vector_load %arg8[%get3A_250] {strides = array<i32>} : memref<8192xi32, #tpu.memory_space<vmem>>, vector<16xi32>,
          %mul3A_252 = arith.constant 64 : i32
          %mul3A_253 = arith.muli %scan3A_241, %mul3A_252 : i32
          %add3A_254 = arith.constant 32 : i32
          %add3A_255 = arith.addi %mul3A_253, %add3A_254 : i32
          %get3A_256 = arith.index_cast %add3A_255 : i32 to index
          %get3A_257 = tpu.vector_load %arg8[%get3A_256] {strides = array<i32>} : memref<8192xi32, #tpu.memory_space<vmem>>, vector<16xi32>,
          %mul3A_258 = arith.constant 64 : i32
          %mul3A_259 = arith.muli %scan3A_241, %mul3A_258 : i32
          %add3A_260 = arith.constant 48 : i32
          %add3A_261 = arith.addi %mul3A_259, %add3A_260 : i32
          %get3A_262 = arith.index_cast %add3A_261 : i32 to index
          %get3A_263 = tpu.vector_load %arg8[%get3A_262] {strides = array<i32>} : memref<8192xi32, #tpu.memory_space<vmem>>, vector<16xi32>,
          %min3A_264 = arith.constant 255 : i32
          %min3A_265 = vector.broadcast %min3A_264 : i32 to vector<16xi32>
          %min3A_266 = arith.minsi %get3A_245, %min3A_265 : vector<16xi32>
          %add3A_267 = arith.addi %min3A_266, %mul3A_4 : vector<16xi32>
          tpu.vector_store_idx %arg9[%add3A_267], %broadcast_in_dim3A_2 {add = true} : memref<8192xi32, #tpu.memory_space<vmem>>[vector<16xi32>], vector<16xi32>,
          %min3A_268 = arith.constant 255 : i32
          %min3A_269 = vector.broadcast %min3A_268 : i32 to vector<16xi32>
          %min3A_270 = arith.minsi %get3A_251, %min3A_269 : vector<16xi32>
          %add3A_271 = arith.addi %min3A_270, %mul3A_4 : vector<16xi32>
          tpu.vector_store_idx %arg10[%add3A_271], %broadcast_in_dim3A_2 {add = true} : memref<8192xi32, #tpu.memory_space<vmem>>[vector<16xi32>], vector<16xi32>,
          %min3A_272 = arith.constant 255 : i32
          %min3A_273 = vector.broadcast %min3A_272 : i32 to vector<16xi32>
          %min3A_274 = arith.minsi %get3A_257, %min3A_273 : vector<16xi32>
          %add3A_275 = arith.addi %min3A_274, %mul3A_4 : vector<16xi32>
          %add3A_276 = arith.constant 4096 : i32
          %add3A_277 = vector.broadcast %add3A_276 : i32 to vector<16xi32>
          %add3A_278 = arith.addi %add3A_275, %add3A_277 : vector<16xi32>
          tpu.vector_store_idx %arg9[%add3A_278], %broadcast_in_dim3A_2 {add = true} : memref<8192xi32, #tpu.memory_space<vmem>>[vector<16xi32>], vector<16xi32>,
          %min3A_279 = arith.constant 255 : i32
          %min3A_280 = vector.broadcast %min3A_279 : i32 to vector<16xi32>
          %min3A_281 = arith.minsi %get3A_263, %min3A_280 : vector<16xi32>
          %add3A_282 = arith.addi %min3A_281, %mul3A_4 : vector<16xi32>
          %add3A_283 = arith.constant 4096 : i32
          %add3A_284 = vector.broadcast %add3A_283 : i32 to vector<16xi32>
          %add3A_285 = arith.addi %add3A_282, %add3A_284 : vector<16xi32>
          tpu.vector_store_idx %arg10[%add3A_285], %broadcast_in_dim3A_2 {add = true} : memref<8192xi32, #tpu.memory_space<vmem>>[vector<16xi32>], vector<16xi32>,
          %max3A_286 = arith.maxsi %get3A_245, %get3A_251 : vector<16xi32>
          %max3A_287 = arith.maxsi %get3A_257, %get3A_263 : vector<16xi32>
          %max3A_288 = arith.maxsi %max3A_286, %max3A_287 : vector<16xi32>
          %max3A_289 = arith.maxsi %scan3A_242, %max3A_288 : vector<16xi32>
          scf.yield %max3A_289 : vector<16xi32>
        }
        %scan3A_228 = arith.constant 128 : i32
        %reduce_max3A = arith.constant true
        %reduce_max3A_229 = vector.broadcast %reduce_max3A : i1 to vector<16xi1>
        %reduce_max3A_230 = arith.constant -2147483648 : i32
        %reduce_max3A_231 = vector.broadcast %reduce_max3A_230 : i32 to vector<16xi32>
        %reduce_max3A_232 = arith.xori %scan3A_227, %reduce_max3A_231 : vector<16xi32>
        %reduce_max3A_233 = tpu.scan <max>, %reduce_max3A_232 masked %reduce_max3A_229 : vector<16xi32>, vector<16xi1> -> vector<16xi32>
        %reduce_max3A_234 = arith.xori %reduce_max3A_233, %reduce_max3A_231 : vector<16xi32>
        %reduce_max3A_235 = vector.extract %reduce_max3A_234[15] : i32 from vector<16xi32>
        %eq3A_236 = vector.broadcast %scan3A_216 : i32 to vector<16xi32>
        %eq3A_237 = arith.cmpi eq, %iota3A, %eq3A_236 : vector<16xi32>
        %convert_element_type3A = arith.extui %eq3A_237 : vector<16xi1> to vector<16xi32>
        %mul3A_238 = vector.broadcast %reduce_max3A_235 : i32 to vector<16xi32>
        %mul3A_239 = arith.muli %mul3A_238, %convert_element_type3A : vector<16xi32>
        %add3A_240 = arith.addi %scan3A_217, %mul3A_239 : vector<16xi32>
        scf.yield %add3A_240 : vector<16xi32>
      }
      %scan3A_56 = arith.constant 5 : i32
      %scan3A_57 = arith.constant 0 : i32
      %scan3A_58 = arith.constant 0 : i32
      %scan3A_59 = arith.constant 16 : i32
      %scan3A_60 = arith.addi %scan3A_58, %scan3A_59 : i32
      %scan3A_61 = arith.constant 1 : i32
      %scan3A_62 = scf.for %scan3A_216 = %scan3A_58 to %scan3A_60 step %scan3A_61 iter_args(%scan3A_217 = %scan3A_57) -> (i32)  : i32 {
        %mul3A_218 = arith.constant 16 : i32
        %mul3A_219 = arith.muli %scan3A_216, %mul3A_218 : i32
        %add3A_220 = arith.constant 0 : i32
        %add3A_221 = arith.addi %add3A_220, %mul3A_219 : i32
        %get3A = arith.index_cast %add3A_221 : i32 to index
        %get3A_222 = tpu.vector_load %arg9[%get3A] {strides = array<i32>} : memref<8192xi32, #tpu.memory_space<vmem>>, vector<16xi32>,
        %mul3A_223 = arith.constant 16 : i32
        %mul3A_224 = arith.muli %scan3A_216, %mul3A_223 : i32
        %add3A_225 = arith.constant 0 : i32
        %add3A_226 = arith.addi %add3A_225, %mul3A_224 : i32
        %get3A_227 = arith.index_cast %add3A_226 : i32 to index
        %get3A_228 = tpu.vector_load %arg10[%get3A_227] {strides = array<i32>} : memref<8192xi32, #tpu.memory_space<vmem>>, vector<16xi32>,
        %add3A_229 = arith.addi %get3A_222, %get3A_228 : vector<16xi32>
        %mul3A_230 = arith.constant 16 : i32
        %mul3A_231 = arith.muli %scan3A_216, %mul3A_230 : i32
        %add3A_232 = arith.constant 4096 : i32
        %add3A_233 = arith.addi %add3A_232, %mul3A_231 : i32
        %get3A_234 = arith.index_cast %add3A_233 : i32 to index
        %get3A_235 = tpu.vector_load %arg9[%get3A_234] {strides = array<i32>} : memref<8192xi32, #tpu.memory_space<vmem>>, vector<16xi32>,
        %add3A_236 = arith.addi %add3A_229, %get3A_235 : vector<16xi32>
        %mul3A_237 = arith.constant 16 : i32
        %mul3A_238 = arith.muli %scan3A_216, %mul3A_237 : i32
        %add3A_239 = arith.constant 4096 : i32
        %add3A_240 = arith.addi %add3A_239, %mul3A_238 : i32
        %get3A_241 = arith.index_cast %add3A_240 : i32 to index
        %get3A_242 = tpu.vector_load %arg10[%get3A_241] {strides = array<i32>} : memref<8192xi32, #tpu.memory_space<vmem>>, vector<16xi32>,
        %add3A_243 = arith.addi %add3A_236, %get3A_242 : vector<16xi32>
        %add3A_244 = arith.addi %broadcast_in_dim3A_0, %add3A_243 : vector<16xi32>
        %mul3A_245 = arith.constant 16 : i32
        %mul3A_246 = arith.muli %scan3A_216, %mul3A_245 : i32
        %add3A_247 = arith.constant 256 : i32
        %add3A_248 = arith.addi %add3A_247, %mul3A_246 : i32
        %get3A_249 = arith.index_cast %add3A_248 : i32 to index
        %get3A_250 = tpu.vector_load %arg9[%get3A_249] {strides = array<i32>} : memref<8192xi32, #tpu.memory_space<vmem>>, vector<16xi32>,
        %mul3A_251 = arith.constant 16 : i32
        %mul3A_252 = arith.muli %scan3A_216, %mul3A_251 : i32
        %add3A_253 = arith.constant 256 : i32
        %add3A_254 = arith.addi %add3A_253, %mul3A_252 : i32
        %get3A_255 = arith.index_cast %add3A_254 : i32 to index
        %get3A_256 = tpu.vector_load %arg10[%get3A_255] {strides = array<i32>} : memref<8192xi32, #tpu.memory_space<vmem>>, vector<16xi32>,
        %add3A_257 = arith.addi %get3A_250, %get3A_256 : vector<16xi32>
        %mul3A_258 = arith.constant 16 : i32
        %mul3A_259 = arith.muli %scan3A_216, %mul3A_258 : i32
        %add3A_260 = arith.constant 4352 : i32
        %add3A_261 = arith.addi %add3A_260, %mul3A_259 : i32
        %get3A_262 = arith.index_cast %add3A_261 : i32 to index
        %get3A_263 = tpu.vector_load %arg9[%get3A_262] {strides = array<i32>} : memref<8192xi32, #tpu.memory_space<vmem>>, vector<16xi32>,
        %add3A_264 = arith.addi %add3A_257, %get3A_263 : vector<16xi32>
        %mul3A_265 = arith.constant 16 : i32
        %mul3A_266 = arith.muli %scan3A_216, %mul3A_265 : i32
        %add3A_267 = arith.constant 4352 : i32
        %add3A_268 = arith.addi %add3A_267, %mul3A_266 : i32
        %get3A_269 = arith.index_cast %add3A_268 : i32 to index
        %get3A_270 = tpu.vector_load %arg10[%get3A_269] {strides = array<i32>} : memref<8192xi32, #tpu.memory_space<vmem>>, vector<16xi32>,
        %add3A_271 = arith.addi %add3A_264, %get3A_270 : vector<16xi32>
        %add3A_272 = arith.addi %add3A_244, %add3A_271 : vector<16xi32>
        %mul3A_273 = arith.constant 16 : i32
        %mul3A_274 = arith.muli %scan3A_216, %mul3A_273 : i32
        %add3A_275 = arith.constant 512 : i32
        %add3A_276 = arith.addi %add3A_275, %mul3A_274 : i32
        %get3A_277 = arith.index_cast %add3A_276 : i32 to index
        %get3A_278 = tpu.vector_load %arg9[%get3A_277] {strides = array<i32>} : memref<8192xi32, #tpu.memory_space<vmem>>, vector<16xi32>,
        %mul3A_279 = arith.constant 16 : i32
        %mul3A_280 = arith.muli %scan3A_216, %mul3A_279 : i32
        %add3A_281 = arith.constant 512 : i32
        %add3A_282 = arith.addi %add3A_281, %mul3A_280 : i32
        %get3A_283 = arith.index_cast %add3A_282 : i32 to index
        %get3A_284 = tpu.vector_load %arg10[%get3A_283] {strides = array<i32>} : memref<8192xi32, #tpu.memory_space<vmem>>, vector<16xi32>,
        %add3A_285 = arith.addi %get3A_278, %get3A_284 : vector<16xi32>
        %mul3A_286 = arith.constant 16 : i32
        %mul3A_287 = arith.muli %scan3A_216, %mul3A_286 : i32
        %add3A_288 = arith.constant 4608 : i32
        %add3A_289 = arith.addi %add3A_288, %mul3A_287 : i32
        %get3A_290 = arith.index_cast %add3A_289 : i32 to index
        %get3A_291 = tpu.vector_load %arg9[%get3A_290] {strides = array<i32>} : memref<8192xi32, #tpu.memory_space<vmem>>, vector<16xi32>,
        %add3A_292 = arith.addi %add3A_285, %get3A_291 : vector<16xi32>
        %mul3A_293 = arith.constant 16 : i32
        %mul3A_294 = arith.muli %scan3A_216, %mul3A_293 : i32
        %add3A_295 = arith.constant 4608 : i32
        %add3A_296 = arith.addi %add3A_295, %mul3A_294 : i32
        %get3A_297 = arith.index_cast %add3A_296 : i32 to index
        %get3A_298 = tpu.vector_load %arg10[%get3A_297] {strides = array<i32>} : memref<8192xi32, #tpu.memory_space<vmem>>, vector<16xi32>,
        %add3A_299 = arith.addi %add3A_292, %get3A_298 : vector<16xi32>
        %add3A_300 = arith.addi %add3A_272, %add3A_299 : vector<16xi32>
        %mul3A_301 = arith.constant 16 : i32
        %mul3A_302 = arith.muli %scan3A_216, %mul3A_301 : i32
        %add3A_303 = arith.constant 768 : i32
        %add3A_304 = arith.addi %add3A_303, %mul3A_302 : i32
        %get3A_305 = arith.index_cast %add3A_304 : i32 to index
        %get3A_306 = tpu.vector_load %arg9[%get3A_305] {strides = array<i32>} : memref<8192xi32, #tpu.memory_space<vmem>>, vector<16xi32>,
        %mul3A_307 = arith.constant 16 : i32
        %mul3A_308 = arith.muli %scan3A_216, %mul3A_307 : i32
        %add3A_309 = arith.constant 768 : i32
        %add3A_310 = arith.addi %add3A_309, %mul3A_308 : i32
        %get3A_311 = arith.index_cast %add3A_310 : i32 to index
        %get3A_312 = tpu.vector_load %arg10[%get3A_311] {strides = array<i32>} : memref<8192xi32, #tpu.memory_space<vmem>>, vector<16xi32>,
        %add3A_313 = arith.addi %get3A_306, %get3A_312 : vector<16xi32>
        %mul3A_314 = arith.constant 16 : i32
        %mul3A_315 = arith.muli %scan3A_216, %mul3A_314 : i32
        %add3A_316 = arith.constant 4864 : i32
        %add3A_317 = arith.addi %add3A_316, %mul3A_315 : i32
        %get3A_318 = arith.index_cast %add3A_317 : i32 to index
        %get3A_319 = tpu.vector_load %arg9[%get3A_318] {strides = array<i32>} : memref<8192xi32, #tpu.memory_space<vmem>>, vector<16xi32>,
        %add3A_320 = arith.addi %add3A_313, %get3A_319 : vector<16xi32>
        %mul3A_321 = arith.constant 16 : i32
        %mul3A_322 = arith.muli %scan3A_216, %mul3A_321 : i32
        %add3A_323 = arith.constant 4864 : i32
        %add3A_324 = arith.addi %add3A_323, %mul3A_322 : i32
        %get3A_325 = arith.index_cast %add3A_324 : i32 to index
        %get3A_326 = tpu.vector_load %arg10[%get3A_325] {strides = array<i32>} : memref<8192xi32, #tpu.memory_space<vmem>>, vector<16xi32>,
        %add3A_327 = arith.addi %add3A_320, %get3A_326 : vector<16xi32>
        %add3A_328 = arith.addi %add3A_300, %add3A_327 : vector<16xi32>
        %mul3A_329 = arith.constant 16 : i32
        %mul3A_330 = arith.muli %scan3A_216, %mul3A_329 : i32
        %add3A_331 = arith.constant 1024 : i32
        %add3A_332 = arith.addi %add3A_331, %mul3A_330 : i32
        %get3A_333 = arith.index_cast %add3A_332 : i32 to index
        %get3A_334 = tpu.vector_load %arg9[%get3A_333] {strides = array<i32>} : memref<8192xi32, #tpu.memory_space<vmem>>, vector<16xi32>,
        %mul3A_335 = arith.constant 16 : i32
        %mul3A_336 = arith.muli %scan3A_216, %mul3A_335 : i32
        %add3A_337 = arith.constant 1024 : i32
        %add3A_338 = arith.addi %add3A_337, %mul3A_336 : i32
        %get3A_339 = arith.index_cast %add3A_338 : i32 to index
        %get3A_340 = tpu.vector_load %arg10[%get3A_339] {strides = array<i32>} : memref<8192xi32, #tpu.memory_space<vmem>>, vector<16xi32>,
        %add3A_341 = arith.addi %get3A_334, %get3A_340 : vector<16xi32>
        %mul3A_342 = arith.constant 16 : i32
        %mul3A_343 = arith.muli %scan3A_216, %mul3A_342 : i32
        %add3A_344 = arith.constant 5120 : i32
        %add3A_345 = arith.addi %add3A_344, %mul3A_343 : i32
        %get3A_346 = arith.index_cast %add3A_345 : i32 to index
        %get3A_347 = tpu.vector_load %arg9[%get3A_346] {strides = array<i32>} : memref<8192xi32, #tpu.memory_space<vmem>>, vector<16xi32>,
        %add3A_348 = arith.addi %add3A_341, %get3A_347 : vector<16xi32>
        %mul3A_349 = arith.constant 16 : i32
        %mul3A_350 = arith.muli %scan3A_216, %mul3A_349 : i32
        %add3A_351 = arith.constant 5120 : i32
        %add3A_352 = arith.addi %add3A_351, %mul3A_350 : i32
        %get3A_353 = arith.index_cast %add3A_352 : i32 to index
        %get3A_354 = tpu.vector_load %arg10[%get3A_353] {strides = array<i32>} : memref<8192xi32, #tpu.memory_space<vmem>>, vector<16xi32>,
        %add3A_355 = arith.addi %add3A_348, %get3A_354 : vector<16xi32>
        %add3A_356 = arith.addi %add3A_328, %add3A_355 : vector<16xi32>
        %mul3A_357 = arith.constant 16 : i32
        %mul3A_358 = arith.muli %scan3A_216, %mul3A_357 : i32
        %add3A_359 = arith.constant 1280 : i32
        %add3A_360 = arith.addi %add3A_359, %mul3A_358 : i32
        %get3A_361 = arith.index_cast %add3A_360 : i32 to index
        %get3A_362 = tpu.vector_load %arg9[%get3A_361] {strides = array<i32>} : memref<8192xi32, #tpu.memory_space<vmem>>, vector<16xi32>,
        %mul3A_363 = arith.constant 16 : i32
        %mul3A_364 = arith.muli %scan3A_216, %mul3A_363 : i32
        %add3A_365 = arith.constant 1280 : i32
        %add3A_366 = arith.addi %add3A_365, %mul3A_364 : i32
        %get3A_367 = arith.index_cast %add3A_366 : i32 to index
        %get3A_368 = tpu.vector_load %arg10[%get3A_367] {strides = array<i32>} : memref<8192xi32, #tpu.memory_space<vmem>>, vector<16xi32>,
        %add3A_369 = arith.addi %get3A_362, %get3A_368 : vector<16xi32>
        %mul3A_370 = arith.constant 16 : i32
        %mul3A_371 = arith.muli %scan3A_216, %mul3A_370 : i32
        %add3A_372 = arith.constant 5376 : i32
        %add3A_373 = arith.addi %add3A_372, %mul3A_371 : i32
        %get3A_374 = arith.index_cast %add3A_373 : i32 to index
        %get3A_375 = tpu.vector_load %arg9[%get3A_374] {strides = array<i32>} : memref<8192xi32, #tpu.memory_space<vmem>>, vector<16xi32>,
        %add3A_376 = arith.addi %add3A_369, %get3A_375 : vector<16xi32>
        %mul3A_377 = arith.constant 16 : i32
        %mul3A_378 = arith.muli %scan3A_216, %mul3A_377 : i32
        %add3A_379 = arith.constant 5376 : i32
        %add3A_380 = arith.addi %add3A_379, %mul3A_378 : i32
        %get3A_381 = arith.index_cast %add3A_380 : i32 to index
        %get3A_382 = tpu.vector_load %arg10[%get3A_381] {strides = array<i32>} : memref<8192xi32, #tpu.memory_space<vmem>>, vector<16xi32>,
        %add3A_383 = arith.addi %add3A_376, %get3A_382 : vector<16xi32>
        %add3A_384 = arith.addi %add3A_356, %add3A_383 : vector<16xi32>
        %mul3A_385 = arith.constant 16 : i32
        %mul3A_386 = arith.muli %scan3A_216, %mul3A_385 : i32
        %add3A_387 = arith.constant 1536 : i32
        %add3A_388 = arith.addi %add3A_387, %mul3A_386 : i32
        %get3A_389 = arith.index_cast %add3A_388 : i32 to index
        %get3A_390 = tpu.vector_load %arg9[%get3A_389] {strides = array<i32>} : memref<8192xi32, #tpu.memory_space<vmem>>, vector<16xi32>,
        %mul3A_391 = arith.constant 16 : i32
        %mul3A_392 = arith.muli %scan3A_216, %mul3A_391 : i32
        %add3A_393 = arith.constant 1536 : i32
        %add3A_394 = arith.addi %add3A_393, %mul3A_392 : i32
        %get3A_395 = arith.index_cast %add3A_394 : i32 to index
        %get3A_396 = tpu.vector_load %arg10[%get3A_395] {strides = array<i32>} : memref<8192xi32, #tpu.memory_space<vmem>>, vector<16xi32>,
        %add3A_397 = arith.addi %get3A_390, %get3A_396 : vector<16xi32>
        %mul3A_398 = arith.constant 16 : i32
        %mul3A_399 = arith.muli %scan3A_216, %mul3A_398 : i32
        %add3A_400 = arith.constant 5632 : i32
        %add3A_401 = arith.addi %add3A_400, %mul3A_399 : i32
        %get3A_402 = arith.index_cast %add3A_401 : i32 to index
        %get3A_403 = tpu.vector_load %arg9[%get3A_402] {strides = array<i32>} : memref<8192xi32, #tpu.memory_space<vmem>>, vector<16xi32>,
        %add3A_404 = arith.addi %add3A_397, %get3A_403 : vector<16xi32>
        %mul3A_405 = arith.constant 16 : i32
        %mul3A_406 = arith.muli %scan3A_216, %mul3A_405 : i32
        %add3A_407 = arith.constant 5632 : i32
        %add3A_408 = arith.addi %add3A_407, %mul3A_406 : i32
        %get3A_409 = arith.index_cast %add3A_408 : i32 to index
        %get3A_410 = tpu.vector_load %arg10[%get3A_409] {strides = array<i32>} : memref<8192xi32, #tpu.memory_space<vmem>>, vector<16xi32>,
        %add3A_411 = arith.addi %add3A_404, %get3A_410 : vector<16xi32>
        %add3A_412 = arith.addi %add3A_384, %add3A_411 : vector<16xi32>
        %mul3A_413 = arith.constant 16 : i32
        %mul3A_414 = arith.muli %scan3A_216, %mul3A_413 : i32
        %add3A_415 = arith.constant 1792 : i32
        %add3A_416 = arith.addi %add3A_415, %mul3A_414 : i32
        %get3A_417 = arith.index_cast %add3A_416 : i32 to index
        %get3A_418 = tpu.vector_load %arg9[%get3A_417] {strides = array<i32>} : memref<8192xi32, #tpu.memory_space<vmem>>, vector<16xi32>,
        %mul3A_419 = arith.constant 16 : i32
        %mul3A_420 = arith.muli %scan3A_216, %mul3A_419 : i32
        %add3A_421 = arith.constant 1792 : i32
        %add3A_422 = arith.addi %add3A_421, %mul3A_420 : i32
        %get3A_423 = arith.index_cast %add3A_422 : i32 to index
        %get3A_424 = tpu.vector_load %arg10[%get3A_423] {strides = array<i32>} : memref<8192xi32, #tpu.memory_space<vmem>>, vector<16xi32>,
        %add3A_425 = arith.addi %get3A_418, %get3A_424 : vector<16xi32>
        %mul3A_426 = arith.constant 16 : i32
        %mul3A_427 = arith.muli %scan3A_216, %mul3A_426 : i32
        %add3A_428 = arith.constant 5888 : i32
        %add3A_429 = arith.addi %add3A_428, %mul3A_427 : i32
        %get3A_430 = arith.index_cast %add3A_429 : i32 to index
        %get3A_431 = tpu.vector_load %arg9[%get3A_430] {strides = array<i32>} : memref<8192xi32, #tpu.memory_space<vmem>>, vector<16xi32>,
        %add3A_432 = arith.addi %add3A_425, %get3A_431 : vector<16xi32>
        %mul3A_433 = arith.constant 16 : i32
        %mul3A_434 = arith.muli %scan3A_216, %mul3A_433 : i32
        %add3A_435 = arith.constant 5888 : i32
        %add3A_436 = arith.addi %add3A_435, %mul3A_434 : i32
        %get3A_437 = arith.index_cast %add3A_436 : i32 to index
        %get3A_438 = tpu.vector_load %arg10[%get3A_437] {strides = array<i32>} : memref<8192xi32, #tpu.memory_space<vmem>>, vector<16xi32>,
        %add3A_439 = arith.addi %add3A_432, %get3A_438 : vector<16xi32>
        %add3A_440 = arith.addi %add3A_412, %add3A_439 : vector<16xi32>
        %mul3A_441 = arith.constant 16 : i32
        %mul3A_442 = arith.muli %scan3A_216, %mul3A_441 : i32
        %add3A_443 = arith.constant 2048 : i32
        %add3A_444 = arith.addi %add3A_443, %mul3A_442 : i32
        %get3A_445 = arith.index_cast %add3A_444 : i32 to index
        %get3A_446 = tpu.vector_load %arg9[%get3A_445] {strides = array<i32>} : memref<8192xi32, #tpu.memory_space<vmem>>, vector<16xi32>,
        %mul3A_447 = arith.constant 16 : i32
        %mul3A_448 = arith.muli %scan3A_216, %mul3A_447 : i32
        %add3A_449 = arith.constant 2048 : i32
        %add3A_450 = arith.addi %add3A_449, %mul3A_448 : i32
        %get3A_451 = arith.index_cast %add3A_450 : i32 to index
        %get3A_452 = tpu.vector_load %arg10[%get3A_451] {strides = array<i32>} : memref<8192xi32, #tpu.memory_space<vmem>>, vector<16xi32>,
        %add3A_453 = arith.addi %get3A_446, %get3A_452 : vector<16xi32>
        %mul3A_454 = arith.constant 16 : i32
        %mul3A_455 = arith.muli %scan3A_216, %mul3A_454 : i32
        %add3A_456 = arith.constant 6144 : i32
        %add3A_457 = arith.addi %add3A_456, %mul3A_455 : i32
        %get3A_458 = arith.index_cast %add3A_457 : i32 to index
        %get3A_459 = tpu.vector_load %arg9[%get3A_458] {strides = array<i32>} : memref<8192xi32, #tpu.memory_space<vmem>>, vector<16xi32>,
        %add3A_460 = arith.addi %add3A_453, %get3A_459 : vector<16xi32>
        %mul3A_461 = arith.constant 16 : i32
        %mul3A_462 = arith.muli %scan3A_216, %mul3A_461 : i32
        %add3A_463 = arith.constant 6144 : i32
        %add3A_464 = arith.addi %add3A_463, %mul3A_462 : i32
        %get3A_465 = arith.index_cast %add3A_464 : i32 to index
        %get3A_466 = tpu.vector_load %arg10[%get3A_465] {strides = array<i32>} : memref<8192xi32, #tpu.memory_space<vmem>>, vector<16xi32>,
        %add3A_467 = arith.addi %add3A_460, %get3A_466 : vector<16xi32>
        %add3A_468 = arith.addi %add3A_440, %add3A_467 : vector<16xi32>
        %mul3A_469 = arith.constant 16 : i32
        %mul3A_470 = arith.muli %scan3A_216, %mul3A_469 : i32
        %add3A_471 = arith.constant 2304 : i32
        %add3A_472 = arith.addi %add3A_471, %mul3A_470 : i32
        %get3A_473 = arith.index_cast %add3A_472 : i32 to index
        %get3A_474 = tpu.vector_load %arg9[%get3A_473] {strides = array<i32>} : memref<8192xi32, #tpu.memory_space<vmem>>, vector<16xi32>,
        %mul3A_475 = arith.constant 16 : i32
        %mul3A_476 = arith.muli %scan3A_216, %mul3A_475 : i32
        %add3A_477 = arith.constant 2304 : i32
        %add3A_478 = arith.addi %add3A_477, %mul3A_476 : i32
        %get3A_479 = arith.index_cast %add3A_478 : i32 to index
        %get3A_480 = tpu.vector_load %arg10[%get3A_479] {strides = array<i32>} : memref<8192xi32, #tpu.memory_space<vmem>>, vector<16xi32>,
        %add3A_481 = arith.addi %get3A_474, %get3A_480 : vector<16xi32>
        %mul3A_482 = arith.constant 16 : i32
        %mul3A_483 = arith.muli %scan3A_216, %mul3A_482 : i32
        %add3A_484 = arith.constant 6400 : i32
        %add3A_485 = arith.addi %add3A_484, %mul3A_483 : i32
        %get3A_486 = arith.index_cast %add3A_485 : i32 to index
        %get3A_487 = tpu.vector_load %arg9[%get3A_486] {strides = array<i32>} : memref<8192xi32, #tpu.memory_space<vmem>>, vector<16xi32>,
        %add3A_488 = arith.addi %add3A_481, %get3A_487 : vector<16xi32>
        %mul3A_489 = arith.constant 16 : i32
        %mul3A_490 = arith.muli %scan3A_216, %mul3A_489 : i32
        %add3A_491 = arith.constant 6400 : i32
        %add3A_492 = arith.addi %add3A_491, %mul3A_490 : i32
        %get3A_493 = arith.index_cast %add3A_492 : i32 to index
        %get3A_494 = tpu.vector_load %arg10[%get3A_493] {strides = array<i32>} : memref<8192xi32, #tpu.memory_space<vmem>>, vector<16xi32>,
        %add3A_495 = arith.addi %add3A_488, %get3A_494 : vector<16xi32>
        %add3A_496 = arith.addi %add3A_468, %add3A_495 : vector<16xi32>
        %mul3A_497 = arith.constant 16 : i32
        %mul3A_498 = arith.muli %scan3A_216, %mul3A_497 : i32
        %add3A_499 = arith.constant 2560 : i32
        %add3A_500 = arith.addi %add3A_499, %mul3A_498 : i32
        %get3A_501 = arith.index_cast %add3A_500 : i32 to index
        %get3A_502 = tpu.vector_load %arg9[%get3A_501] {strides = array<i32>} : memref<8192xi32, #tpu.memory_space<vmem>>, vector<16xi32>,
        %mul3A_503 = arith.constant 16 : i32
        %mul3A_504 = arith.muli %scan3A_216, %mul3A_503 : i32
        %add3A_505 = arith.constant 2560 : i32
        %add3A_506 = arith.addi %add3A_505, %mul3A_504 : i32
        %get3A_507 = arith.index_cast %add3A_506 : i32 to index
        %get3A_508 = tpu.vector_load %arg10[%get3A_507] {strides = array<i32>} : memref<8192xi32, #tpu.memory_space<vmem>>, vector<16xi32>,
        %add3A_509 = arith.addi %get3A_502, %get3A_508 : vector<16xi32>
        %mul3A_510 = arith.constant 16 : i32
        %mul3A_511 = arith.muli %scan3A_216, %mul3A_510 : i32
        %add3A_512 = arith.constant 6656 : i32
        %add3A_513 = arith.addi %add3A_512, %mul3A_511 : i32
        %get3A_514 = arith.index_cast %add3A_513 : i32 to index
        %get3A_515 = tpu.vector_load %arg9[%get3A_514] {strides = array<i32>} : memref<8192xi32, #tpu.memory_space<vmem>>, vector<16xi32>,
        %add3A_516 = arith.addi %add3A_509, %get3A_515 : vector<16xi32>
        %mul3A_517 = arith.constant 16 : i32
        %mul3A_518 = arith.muli %scan3A_216, %mul3A_517 : i32
        %add3A_519 = arith.constant 6656 : i32
        %add3A_520 = arith.addi %add3A_519, %mul3A_518 : i32
        %get3A_521 = arith.index_cast %add3A_520 : i32 to index
        %get3A_522 = tpu.vector_load %arg10[%get3A_521] {strides = array<i32>} : memref<8192xi32, #tpu.memory_space<vmem>>, vector<16xi32>,
        %add3A_523 = arith.addi %add3A_516, %get3A_522 : vector<16xi32>
        %add3A_524 = arith.addi %add3A_496, %add3A_523 : vector<16xi32>
        %mul3A_525 = arith.constant 16 : i32
        %mul3A_526 = arith.muli %scan3A_216, %mul3A_525 : i32
        %add3A_527 = arith.constant 2816 : i32
        %add3A_528 = arith.addi %add3A_527, %mul3A_526 : i32
        %get3A_529 = arith.index_cast %add3A_528 : i32 to index
        %get3A_530 = tpu.vector_load %arg9[%get3A_529] {strides = array<i32>} : memref<8192xi32, #tpu.memory_space<vmem>>, vector<16xi32>,
        %mul3A_531 = arith.constant 16 : i32
        %mul3A_532 = arith.muli %scan3A_216, %mul3A_531 : i32
        %add3A_533 = arith.constant 2816 : i32
        %add3A_534 = arith.addi %add3A_533, %mul3A_532 : i32
        %get3A_535 = arith.index_cast %add3A_534 : i32 to index
        %get3A_536 = tpu.vector_load %arg10[%get3A_535] {strides = array<i32>} : memref<8192xi32, #tpu.memory_space<vmem>>, vector<16xi32>,
        %add3A_537 = arith.addi %get3A_530, %get3A_536 : vector<16xi32>
        %mul3A_538 = arith.constant 16 : i32
        %mul3A_539 = arith.muli %scan3A_216, %mul3A_538 : i32
        %add3A_540 = arith.constant 6912 : i32
        %add3A_541 = arith.addi %add3A_540, %mul3A_539 : i32
        %get3A_542 = arith.index_cast %add3A_541 : i32 to index
        %get3A_543 = tpu.vector_load %arg9[%get3A_542] {strides = array<i32>} : memref<8192xi32, #tpu.memory_space<vmem>>, vector<16xi32>,
        %add3A_544 = arith.addi %add3A_537, %get3A_543 : vector<16xi32>
        %mul3A_545 = arith.constant 16 : i32
        %mul3A_546 = arith.muli %scan3A_216, %mul3A_545 : i32
        %add3A_547 = arith.constant 6912 : i32
        %add3A_548 = arith.addi %add3A_547, %mul3A_546 : i32
        %get3A_549 = arith.index_cast %add3A_548 : i32 to index
        %get3A_550 = tpu.vector_load %arg10[%get3A_549] {strides = array<i32>} : memref<8192xi32, #tpu.memory_space<vmem>>, vector<16xi32>,
        %add3A_551 = arith.addi %add3A_544, %get3A_550 : vector<16xi32>
        %add3A_552 = arith.addi %add3A_524, %add3A_551 : vector<16xi32>
        %mul3A_553 = arith.constant 16 : i32
        %mul3A_554 = arith.muli %scan3A_216, %mul3A_553 : i32
        %add3A_555 = arith.constant 3072 : i32
        %add3A_556 = arith.addi %add3A_555, %mul3A_554 : i32
        %get3A_557 = arith.index_cast %add3A_556 : i32 to index
        %get3A_558 = tpu.vector_load %arg9[%get3A_557] {strides = array<i32>} : memref<8192xi32, #tpu.memory_space<vmem>>, vector<16xi32>,
        %mul3A_559 = arith.constant 16 : i32
        %mul3A_560 = arith.muli %scan3A_216, %mul3A_559 : i32
        %add3A_561 = arith.constant 3072 : i32
        %add3A_562 = arith.addi %add3A_561, %mul3A_560 : i32
        %get3A_563 = arith.index_cast %add3A_562 : i32 to index
        %get3A_564 = tpu.vector_load %arg10[%get3A_563] {strides = array<i32>} : memref<8192xi32, #tpu.memory_space<vmem>>, vector<16xi32>,
        %add3A_565 = arith.addi %get3A_558, %get3A_564 : vector<16xi32>
        %mul3A_566 = arith.constant 16 : i32
        %mul3A_567 = arith.muli %scan3A_216, %mul3A_566 : i32
        %add3A_568 = arith.constant 7168 : i32
        %add3A_569 = arith.addi %add3A_568, %mul3A_567 : i32
        %get3A_570 = arith.index_cast %add3A_569 : i32 to index
        %get3A_571 = tpu.vector_load %arg9[%get3A_570] {strides = array<i32>} : memref<8192xi32, #tpu.memory_space<vmem>>, vector<16xi32>,
        %add3A_572 = arith.addi %add3A_565, %get3A_571 : vector<16xi32>
        %mul3A_573 = arith.constant 16 : i32
        %mul3A_574 = arith.muli %scan3A_216, %mul3A_573 : i32
        %add3A_575 = arith.constant 7168 : i32
        %add3A_576 = arith.addi %add3A_575, %mul3A_574 : i32
        %get3A_577 = arith.index_cast %add3A_576 : i32 to index
        %get3A_578 = tpu.vector_load %arg10[%get3A_577] {strides = array<i32>} : memref<8192xi32, #tpu.memory_space<vmem>>, vector<16xi32>,
        %add3A_579 = arith.addi %add3A_572, %get3A_578 : vector<16xi32>
        %add3A_580 = arith.addi %add3A_552, %add3A_579 : vector<16xi32>
        %mul3A_581 = arith.constant 16 : i32
        %mul3A_582 = arith.muli %scan3A_216, %mul3A_581 : i32
        %add3A_583 = arith.constant 3328 : i32
        %add3A_584 = arith.addi %add3A_583, %mul3A_582 : i32
        %get3A_585 = arith.index_cast %add3A_584 : i32 to index
        %get3A_586 = tpu.vector_load %arg9[%get3A_585] {strides = array<i32>} : memref<8192xi32, #tpu.memory_space<vmem>>, vector<16xi32>,
        %mul3A_587 = arith.constant 16 : i32
        %mul3A_588 = arith.muli %scan3A_216, %mul3A_587 : i32
        %add3A_589 = arith.constant 3328 : i32
        %add3A_590 = arith.addi %add3A_589, %mul3A_588 : i32
        %get3A_591 = arith.index_cast %add3A_590 : i32 to index
        %get3A_592 = tpu.vector_load %arg10[%get3A_591] {strides = array<i32>} : memref<8192xi32, #tpu.memory_space<vmem>>, vector<16xi32>,
        %add3A_593 = arith.addi %get3A_586, %get3A_592 : vector<16xi32>
        %mul3A_594 = arith.constant 16 : i32
        %mul3A_595 = arith.muli %scan3A_216, %mul3A_594 : i32
        %add3A_596 = arith.constant 7424 : i32
        %add3A_597 = arith.addi %add3A_596, %mul3A_595 : i32
        %get3A_598 = arith.index_cast %add3A_597 : i32 to index
        %get3A_599 = tpu.vector_load %arg9[%get3A_598] {strides = array<i32>} : memref<8192xi32, #tpu.memory_space<vmem>>, vector<16xi32>,
        %add3A_600 = arith.addi %add3A_593, %get3A_599 : vector<16xi32>
        %mul3A_601 = arith.constant 16 : i32
        %mul3A_602 = arith.muli %scan3A_216, %mul3A_601 : i32
        %add3A_603 = arith.constant 7424 : i32
        %add3A_604 = arith.addi %add3A_603, %mul3A_602 : i32
        %get3A_605 = arith.index_cast %add3A_604 : i32 to index
        %get3A_606 = tpu.vector_load %arg10[%get3A_605] {strides = array<i32>} : memref<8192xi32, #tpu.memory_space<vmem>>, vector<16xi32>,
        %add3A_607 = arith.addi %add3A_600, %get3A_606 : vector<16xi32>
        %add3A_608 = arith.addi %add3A_580, %add3A_607 : vector<16xi32>
        %mul3A_609 = arith.constant 16 : i32
        %mul3A_610 = arith.muli %scan3A_216, %mul3A_609 : i32
        %add3A_611 = arith.constant 3584 : i32
        %add3A_612 = arith.addi %add3A_611, %mul3A_610 : i32
        %get3A_613 = arith.index_cast %add3A_612 : i32 to index
        %get3A_614 = tpu.vector_load %arg9[%get3A_613] {strides = array<i32>} : memref<8192xi32, #tpu.memory_space<vmem>>, vector<16xi32>,
        %mul3A_615 = arith.constant 16 : i32
        %mul3A_616 = arith.muli %scan3A_216, %mul3A_615 : i32
        %add3A_617 = arith.constant 3584 : i32
        %add3A_618 = arith.addi %add3A_617, %mul3A_616 : i32
        %get3A_619 = arith.index_cast %add3A_618 : i32 to index
        %get3A_620 = tpu.vector_load %arg10[%get3A_619] {strides = array<i32>} : memref<8192xi32, #tpu.memory_space<vmem>>, vector<16xi32>,
        %add3A_621 = arith.addi %get3A_614, %get3A_620 : vector<16xi32>
        %mul3A_622 = arith.constant 16 : i32
        %mul3A_623 = arith.muli %scan3A_216, %mul3A_622 : i32
        %add3A_624 = arith.constant 7680 : i32
        %add3A_625 = arith.addi %add3A_624, %mul3A_623 : i32
        %get3A_626 = arith.index_cast %add3A_625 : i32 to index
        %get3A_627 = tpu.vector_load %arg9[%get3A_626] {strides = array<i32>} : memref<8192xi32, #tpu.memory_space<vmem>>, vector<16xi32>,
        %add3A_628 = arith.addi %add3A_621, %get3A_627 : vector<16xi32>
        %mul3A_629 = arith.constant 16 : i32
        %mul3A_630 = arith.muli %scan3A_216, %mul3A_629 : i32
        %add3A_631 = arith.constant 7680 : i32
        %add3A_632 = arith.addi %add3A_631, %mul3A_630 : i32
        %get3A_633 = arith.index_cast %add3A_632 : i32 to index
        %get3A_634 = tpu.vector_load %arg10[%get3A_633] {strides = array<i32>} : memref<8192xi32, #tpu.memory_space<vmem>>, vector<16xi32>,
        %add3A_635 = arith.addi %add3A_628, %get3A_634 : vector<16xi32>
        %add3A_636 = arith.addi %add3A_608, %add3A_635 : vector<16xi32>
        %mul3A_637 = arith.constant 16 : i32
        %mul3A_638 = arith.muli %scan3A_216, %mul3A_637 : i32
        %add3A_639 = arith.constant 3840 : i32
        %add3A_640 = arith.addi %add3A_639, %mul3A_638 : i32
        %get3A_641 = arith.index_cast %add3A_640 : i32 to index
        %get3A_642 = tpu.vector_load %arg9[%get3A_641] {strides = array<i32>} : memref<8192xi32, #tpu.memory_space<vmem>>, vector<16xi32>,
        %mul3A_643 = arith.constant 16 : i32
        %mul3A_644 = arith.muli %scan3A_216, %mul3A_643 : i32
        %add3A_645 = arith.constant 3840 : i32
        %add3A_646 = arith.addi %add3A_645, %mul3A_644 : i32
        %get3A_647 = arith.index_cast %add3A_646 : i32 to index
        %get3A_648 = tpu.vector_load %arg10[%get3A_647] {strides = array<i32>} : memref<8192xi32, #tpu.memory_space<vmem>>, vector<16xi32>,
        %add3A_649 = arith.addi %get3A_642, %get3A_648 : vector<16xi32>
        %mul3A_650 = arith.constant 16 : i32
        %mul3A_651 = arith.muli %scan3A_216, %mul3A_650 : i32
        %add3A_652 = arith.constant 7936 : i32
        %add3A_653 = arith.addi %add3A_652, %mul3A_651 : i32
        %get3A_654 = arith.index_cast %add3A_653 : i32 to index
        %get3A_655 = tpu.vector_load %arg9[%get3A_654] {strides = array<i32>} : memref<8192xi32, #tpu.memory_space<vmem>>, vector<16xi32>,
        %add3A_656 = arith.addi %add3A_649, %get3A_655 : vector<16xi32>
        %mul3A_657 = arith.constant 16 : i32
        %mul3A_658 = arith.muli %scan3A_216, %mul3A_657 : i32
        %add3A_659 = arith.constant 7936 : i32
        %add3A_660 = arith.addi %add3A_659, %mul3A_658 : i32
        %get3A_661 = arith.index_cast %add3A_660 : i32 to index
        %get3A_662 = tpu.vector_load %arg10[%get3A_661] {strides = array<i32>} : memref<8192xi32, #tpu.memory_space<vmem>>, vector<16xi32>,
        %add3A_663 = arith.addi %add3A_656, %get3A_662 : vector<16xi32>
        %add3A_664 = arith.addi %add3A_636, %add3A_663 : vector<16xi32>
        %mul3A_665 = arith.constant 16 : i32
        %mul3A_666 = arith.muli %scan3A_216, %mul3A_665 : i32
        %swap3A_667 = arith.index_cast %mul3A_666 : i32 to index
        %swap3A_668 = tpu.vector_load %arg11[%swap3A_667] {strides = array<i32>} : memref<256xi32, #tpu.memory_space<vmem>>, vector<16xi32>,
        tpu.vector_store %arg11[%swap3A_667], %add3A_664 {strides = array<i32>} : memref<256xi32, #tpu.memory_space<vmem>>, vector<16xi32>,
        %scan3A_669 = arith.constant 0 : i32
        scf.yield %scan3A_669 : i32
      }
      %scan3A_63 = arith.constant 16 : i32
      %mul3A_64 = arith.constant 256 : i32
      %mul3A_65 = arith.muli %arg1, %mul3A_64 : i32
      "tpu.region"() ({
        %run_scoped3A_216 = tpu.sem_alloc : memref<!tpu.dma_semaphore, #tpu.memory_space<semaphore_mem>>
        %dma_start3A_217 = tpu.memref_slice %arg24[%mul3A_65] : memref<4096xi32, #tpu.memory_space<vmem_shared>> -> memref<256xi32, #tpu.memory_space<vmem_shared>>
        %dma_start3A_218 = tpu.memref_slice %arg24[%mul3A_65] : memref<4096xi32, #tpu.memory_space<vmem_shared>> -> memref<256xi32, #tpu.memory_space<vmem_shared>>
        tpu.enqueue_dma source(%arg11 : memref<256xi32, #tpu.memory_space<vmem>>) target(%dma_start3A_218 : memref<256xi32, #tpu.memory_space<vmem_shared>>) target_semaphore(%run_scoped3A_216 : memref<!tpu.dma_semaphore, #tpu.memory_space<semaphore_mem>>)
        %dma_wait3A_219 = tpu.memref_slice %arg24[%mul3A_65] : memref<4096xi32, #tpu.memory_space<vmem_shared>> -> memref<256xi32, #tpu.memory_space<vmem_shared>>
        %dma_wait3A_220 = tpu.memref_slice %arg24[%mul3A_65] : memref<4096xi32, #tpu.memory_space<vmem_shared>> -> memref<256xi32, #tpu.memory_space<vmem_shared>>
        tpu.wait_dma2 semaphore(%run_scoped3A_216 : memref<!tpu.dma_semaphore, #tpu.memory_space<semaphore_mem>>) src(%arg11 : memref<256xi32, #tpu.memory_space<vmem>>) dst(%dma_wait3A_220 : memref<256xi32, #tpu.memory_space<vmem_shared>>)
        tpu.yield
      }) : () -> ()
      %barrier3A_66 = arith.constant 0 : index
      tpu.barrier barrier_id(%barrier3A_66)
      "tpu.region"() ({
        %run_scoped3A_216 = tpu.sem_alloc : memref<!tpu.dma_semaphore, #tpu.memory_space<semaphore_mem>>
        tpu.enqueue_dma source(%arg24 : memref<4096xi32, #tpu.memory_space<vmem_shared>>) target(%arg12 : memref<4096xi32, #tpu.memory_space<vmem>>) target_semaphore(%run_scoped3A_216 : memref<!tpu.dma_semaphore, #tpu.memory_space<semaphore_mem>>)
        tpu.wait_dma2 semaphore(%run_scoped3A_216 : memref<!tpu.dma_semaphore, #tpu.memory_space<semaphore_mem>>) src(%arg24 : memref<4096xi32, #tpu.memory_space<vmem_shared>>) dst(%arg12 : memref<4096xi32, #tpu.memory_space<vmem>>)
        tpu.yield
      }) : () -> ()
      %scan3A_67 = arith.constant 0 : i32
      %scan3A_68 = arith.constant 0 : i32
      %scan3A_69 = arith.constant 16 : i32
      %scan3A_70 = arith.addi %scan3A_68, %scan3A_69 : i32
      %scan3A_71 = arith.constant 1 : i32
      %scan3A_72 = scf.for %scan3A_216 = %scan3A_68 to %scan3A_70 step %scan3A_71 iter_args(%scan3A_217 = %scan3A_67) -> (i32)  : i32 {
        %mul3A_218 = arith.constant 16 : i32
        %mul3A_219 = arith.muli %scan3A_216, %mul3A_218 : i32
        %add3A_220 = arith.constant 0 : i32
        %add3A_221 = arith.addi %add3A_220, %mul3A_219 : i32
        %get3A = arith.index_cast %add3A_221 : i32 to index
        %get3A_222 = tpu.vector_load %arg12[%get3A] {strides = array<i32>} : memref<4096xi32, #tpu.memory_space<vmem>>, vector<16xi32>,
        %add3A_223 = arith.addi %broadcast_in_dim3A_0, %get3A_222 : vector<16xi32>
        %mul3A_224 = arith.constant 16 : i32
        %mul3A_225 = arith.muli %scan3A_216, %mul3A_224 : i32
        %add3A_226 = arith.constant 256 : i32
        %add3A_227 = arith.addi %add3A_226, %mul3A_225 : i32
        %get3A_228 = arith.index_cast %add3A_227 : i32 to index
        %get3A_229 = tpu.vector_load %arg12[%get3A_228] {strides = array<i32>} : memref<4096xi32, #tpu.memory_space<vmem>>, vector<16xi32>,
        %add3A_230 = arith.addi %add3A_223, %get3A_229 : vector<16xi32>
        %mul3A_231 = arith.constant 16 : i32
        %mul3A_232 = arith.muli %scan3A_216, %mul3A_231 : i32
        %add3A_233 = arith.constant 512 : i32
        %add3A_234 = arith.addi %add3A_233, %mul3A_232 : i32
        %get3A_235 = arith.index_cast %add3A_234 : i32 to index
        %get3A_236 = tpu.vector_load %arg12[%get3A_235] {strides = array<i32>} : memref<4096xi32, #tpu.memory_space<vmem>>, vector<16xi32>,
        %add3A_237 = arith.addi %add3A_230, %get3A_236 : vector<16xi32>
        %mul3A_238 = arith.constant 16 : i32
        %mul3A_239 = arith.muli %scan3A_216, %mul3A_238 : i32
        %add3A_240 = arith.constant 768 : i32
        %add3A_241 = arith.addi %add3A_240, %mul3A_239 : i32
        %get3A_242 = arith.index_cast %add3A_241 : i32 to index
        %get3A_243 = tpu.vector_load %arg12[%get3A_242] {strides = array<i32>} : memref<4096xi32, #tpu.memory_space<vmem>>, vector<16xi32>,
        %add3A_244 = arith.addi %add3A_237, %get3A_243 : vector<16xi32>
        %mul3A_245 = arith.constant 16 : i32
        %mul3A_246 = arith.muli %scan3A_216, %mul3A_245 : i32
        %add3A_247 = arith.constant 1024 : i32
        %add3A_248 = arith.addi %add3A_247, %mul3A_246 : i32
        %get3A_249 = arith.index_cast %add3A_248 : i32 to index
        %get3A_250 = tpu.vector_load %arg12[%get3A_249] {strides = array<i32>} : memref<4096xi32, #tpu.memory_space<vmem>>, vector<16xi32>,
        %add3A_251 = arith.addi %add3A_244, %get3A_250 : vector<16xi32>
        %mul3A_252 = arith.constant 16 : i32
        %mul3A_253 = arith.muli %scan3A_216, %mul3A_252 : i32
        %add3A_254 = arith.constant 1280 : i32
        %add3A_255 = arith.addi %add3A_254, %mul3A_253 : i32
        %get3A_256 = arith.index_cast %add3A_255 : i32 to index
        %get3A_257 = tpu.vector_load %arg12[%get3A_256] {strides = array<i32>} : memref<4096xi32, #tpu.memory_space<vmem>>, vector<16xi32>,
        %add3A_258 = arith.addi %add3A_251, %get3A_257 : vector<16xi32>
        %mul3A_259 = arith.constant 16 : i32
        %mul3A_260 = arith.muli %scan3A_216, %mul3A_259 : i32
        %add3A_261 = arith.constant 1536 : i32
        %add3A_262 = arith.addi %add3A_261, %mul3A_260 : i32
        %get3A_263 = arith.index_cast %add3A_262 : i32 to index
        %get3A_264 = tpu.vector_load %arg12[%get3A_263] {strides = array<i32>} : memref<4096xi32, #tpu.memory_space<vmem>>, vector<16xi32>,
        %add3A_265 = arith.addi %add3A_258, %get3A_264 : vector<16xi32>
        %mul3A_266 = arith.constant 16 : i32
        %mul3A_267 = arith.muli %scan3A_216, %mul3A_266 : i32
        %add3A_268 = arith.constant 1792 : i32
        %add3A_269 = arith.addi %add3A_268, %mul3A_267 : i32
        %get3A_270 = arith.index_cast %add3A_269 : i32 to index
        %get3A_271 = tpu.vector_load %arg12[%get3A_270] {strides = array<i32>} : memref<4096xi32, #tpu.memory_space<vmem>>, vector<16xi32>,
        %add3A_272 = arith.addi %add3A_265, %get3A_271 : vector<16xi32>
        %mul3A_273 = arith.constant 16 : i32
        %mul3A_274 = arith.muli %scan3A_216, %mul3A_273 : i32
        %add3A_275 = arith.constant 2048 : i32
        %add3A_276 = arith.addi %add3A_275, %mul3A_274 : i32
        %get3A_277 = arith.index_cast %add3A_276 : i32 to index
        %get3A_278 = tpu.vector_load %arg12[%get3A_277] {strides = array<i32>} : memref<4096xi32, #tpu.memory_space<vmem>>, vector<16xi32>,
        %add3A_279 = arith.addi %add3A_272, %get3A_278 : vector<16xi32>
        %mul3A_280 = arith.constant 16 : i32
        %mul3A_281 = arith.muli %scan3A_216, %mul3A_280 : i32
        %add3A_282 = arith.constant 2304 : i32
        %add3A_283 = arith.addi %add3A_282, %mul3A_281 : i32
        %get3A_284 = arith.index_cast %add3A_283 : i32 to index
        %get3A_285 = tpu.vector_load %arg12[%get3A_284] {strides = array<i32>} : memref<4096xi32, #tpu.memory_space<vmem>>, vector<16xi32>,
        %add3A_286 = arith.addi %add3A_279, %get3A_285 : vector<16xi32>
        %mul3A_287 = arith.constant 16 : i32
        %mul3A_288 = arith.muli %scan3A_216, %mul3A_287 : i32
        %add3A_289 = arith.constant 2560 : i32
        %add3A_290 = arith.addi %add3A_289, %mul3A_288 : i32
        %get3A_291 = arith.index_cast %add3A_290 : i32 to index
        %get3A_292 = tpu.vector_load %arg12[%get3A_291] {strides = array<i32>} : memref<4096xi32, #tpu.memory_space<vmem>>, vector<16xi32>,
        %add3A_293 = arith.addi %add3A_286, %get3A_292 : vector<16xi32>
        %mul3A_294 = arith.constant 16 : i32
        %mul3A_295 = arith.muli %scan3A_216, %mul3A_294 : i32
        %add3A_296 = arith.constant 2816 : i32
        %add3A_297 = arith.addi %add3A_296, %mul3A_295 : i32
        %get3A_298 = arith.index_cast %add3A_297 : i32 to index
        %get3A_299 = tpu.vector_load %arg12[%get3A_298] {strides = array<i32>} : memref<4096xi32, #tpu.memory_space<vmem>>, vector<16xi32>,
        %add3A_300 = arith.addi %add3A_293, %get3A_299 : vector<16xi32>
        %mul3A_301 = arith.constant 16 : i32
        %mul3A_302 = arith.muli %scan3A_216, %mul3A_301 : i32
        %add3A_303 = arith.constant 3072 : i32
        %add3A_304 = arith.addi %add3A_303, %mul3A_302 : i32
        %get3A_305 = arith.index_cast %add3A_304 : i32 to index
        %get3A_306 = tpu.vector_load %arg12[%get3A_305] {strides = array<i32>} : memref<4096xi32, #tpu.memory_space<vmem>>, vector<16xi32>,
        %add3A_307 = arith.addi %add3A_300, %get3A_306 : vector<16xi32>
        %mul3A_308 = arith.constant 16 : i32
        %mul3A_309 = arith.muli %scan3A_216, %mul3A_308 : i32
        %add3A_310 = arith.constant 3328 : i32
        %add3A_311 = arith.addi %add3A_310, %mul3A_309 : i32
        %get3A_312 = arith.index_cast %add3A_311 : i32 to index
        %get3A_313 = tpu.vector_load %arg12[%get3A_312] {strides = array<i32>} : memref<4096xi32, #tpu.memory_space<vmem>>, vector<16xi32>,
        %add3A_314 = arith.addi %add3A_307, %get3A_313 : vector<16xi32>
        %mul3A_315 = arith.constant 16 : i32
        %mul3A_316 = arith.muli %scan3A_216, %mul3A_315 : i32
        %add3A_317 = arith.constant 3584 : i32
        %add3A_318 = arith.addi %add3A_317, %mul3A_316 : i32
        %get3A_319 = arith.index_cast %add3A_318 : i32 to index
        %get3A_320 = tpu.vector_load %arg12[%get3A_319] {strides = array<i32>} : memref<4096xi32, #tpu.memory_space<vmem>>, vector<16xi32>,
        %add3A_321 = arith.addi %add3A_314, %get3A_320 : vector<16xi32>
        %mul3A_322 = arith.constant 16 : i32
        %mul3A_323 = arith.muli %scan3A_216, %mul3A_322 : i32
        %add3A_324 = arith.constant 3840 : i32
        %add3A_325 = arith.addi %add3A_324, %mul3A_323 : i32
        %get3A_326 = arith.index_cast %add3A_325 : i32 to index
        %get3A_327 = tpu.vector_load %arg12[%get3A_326] {strides = array<i32>} : memref<4096xi32, #tpu.memory_space<vmem>>, vector<16xi32>,
        %add3A_328 = arith.addi %add3A_321, %get3A_327 : vector<16xi32>
        %mul3A_329 = arith.constant 16 : i32
        %mul3A_330 = arith.muli %scan3A_216, %mul3A_329 : i32
        %swap3A_331 = arith.index_cast %mul3A_330 : i32 to index
        %swap3A_332 = tpu.vector_load %arg13[%swap3A_331] {strides = array<i32>} : memref<256xi32, #tpu.memory_space<vmem>>, vector<16xi32>,
        tpu.vector_store %arg13[%swap3A_331], %add3A_328 {strides = array<i32>} : memref<256xi32, #tpu.memory_space<vmem>>, vector<16xi32>,
        %scan3A_333 = arith.constant 0 : i32
        scf.yield %scan3A_333 : i32
      }
      %scan3A_73 = arith.constant 16 : i32
      %scan3A_74 = arith.constant 0 : i32
      %scan3A_75 = arith.constant 0 : i32
      %scan3A_76 = arith.constant 16 : i32
      %scan3A_77 = arith.addi %scan3A_75, %scan3A_76 : i32
      %scan3A_78 = arith.constant 1 : i32
      %scan3A_79 = scf.for %scan3A_216 = %scan3A_75 to %scan3A_77 step %scan3A_78 iter_args(%scan3A_217 = %scan3A_74) -> (i32)  : i32 {
        %sub3A_218 = arith.constant 15 : i32
        %sub3A_219 = arith.subi %sub3A_218, %scan3A_216 : i32
        %mul3A_220 = arith.constant 16 : i32
        %mul3A_221 = arith.muli %sub3A_219, %mul3A_220 : i32
        %get3A = arith.index_cast %mul3A_221 : i32 to index
        %get3A_222 = tpu.vector_load %arg13[%get3A] {strides = array<i32>} : memref<256xi32, #tpu.memory_space<vmem>>, vector<16xi32>,
        %rev3A = arith.constant 15 : i32
        %rev3A_223 = vector.broadcast %rev3A : i32 to vector<16xi32>
        %rev3A_224 = tpu.iota {dimensions = array<i32: 0>} : vector<16xi32>
        %rev3A_225 = arith.subi %rev3A_223, %rev3A_224 : vector<16xi32>
        %rev3A_226 = tpu.dynamic_gather %get3A_222[%rev3A_225] in [0] : vector<16xi32>, vector<16xi32> -> vector<16xi32>
        %cumsum3A_227 = arith.constant true
        %cumsum3A_228 = vector.broadcast %cumsum3A_227 : i1 to vector<16xi1>
        %cumsum3A_229 = tpu.scan <sum>, %rev3A_226 masked %cumsum3A_228 : vector<16xi32>, vector<16xi1> -> vector<16xi32>
        %rev3A_230 = arith.constant 15 : i32
        %rev3A_231 = vector.broadcast %rev3A_230 : i32 to vector<16xi32>
        %rev3A_232 = tpu.iota {dimensions = array<i32: 0>} : vector<16xi32>
        %rev3A_233 = arith.subi %rev3A_231, %rev3A_232 : vector<16xi32>
        %rev3A_234 = tpu.dynamic_gather %cumsum3A_229[%rev3A_233] in [0] : vector<16xi32>, vector<16xi32> -> vector<16xi32>
        %add3A_235 = vector.broadcast %scan3A_217 : i32 to vector<16xi32>
        %add3A_236 = arith.addi %rev3A_234, %add3A_235 : vector<16xi32>
        %mul3A_237 = arith.constant 16 : i32
        %mul3A_238 = arith.muli %sub3A_219, %mul3A_237 : i32
        %swap3A_239 = arith.index_cast %mul3A_238 : i32 to index
        %swap3A_240 = tpu.vector_load %arg14[%swap3A_239] {strides = array<i32>} : memref<256xi32, #tpu.memory_space<vmem>>, vector<16xi32>,
        tpu.vector_store %arg14[%swap3A_239], %add3A_236 {strides = array<i32>} : memref<256xi32, #tpu.memory_space<vmem>>, vector<16xi32>,
        %reduce_sum3A_241 = arith.constant true
        %reduce_sum3A_242 = vector.broadcast %reduce_sum3A_241 : i1 to vector<16xi1>
        %reduce_sum3A_243 = tpu.scan <sum>, %get3A_222 masked %reduce_sum3A_242 : vector<16xi32>, vector<16xi1> -> vector<16xi32>
        %reduce_sum3A_244 = vector.extract %reduce_sum3A_243[15] : i32 from vector<16xi32>
        %add3A_245 = arith.addi %scan3A_217, %reduce_sum3A_244 : i32
        scf.yield %add3A_245 : i32
      }
      %scan3A_80 = arith.constant 16 : i32
      %scan3A_81 = arith.constant 0 : i32
      %scan3A_82 = arith.constant 0 : i32
      %scan3A_83 = arith.constant 16 : i32
      %scan3A_84 = arith.addi %scan3A_82, %scan3A_83 : i32
      %scan3A_85 = arith.constant 1 : i32
      %scan3A_86 = scf.for %scan3A_216 = %scan3A_82 to %scan3A_84 step %scan3A_85 iter_args(%scan3A_217 = %scan3A_81) -> (i32)  : i32 {
        %mul3A_218 = arith.constant 16 : i32
        %mul3A_219 = arith.muli %scan3A_216, %mul3A_218 : i32
        %add3A_220 = vector.broadcast %mul3A_219 : i32 to vector<16xi32>
        %add3A_221 = arith.addi %add3A_220, %iota3A : vector<16xi32>
        %mul3A_222 = arith.constant 16 : i32
        %mul3A_223 = arith.muli %scan3A_216, %mul3A_222 : i32
        %get3A = arith.index_cast %mul3A_223 : i32 to index
        %get3A_224 = tpu.vector_load %arg14[%get3A] {strides = array<i32>} : memref<256xi32, #tpu.memory_space<vmem>>, vector<16xi32>,
        %ge3A = arith.constant 512 : i32
        %ge3A_225 = vector.broadcast %ge3A : i32 to vector<16xi32>
        %ge3A_226 = arith.cmpi sge, %get3A_224, %ge3A_225 : vector<16xi32>
        %ge3A_227 = arith.constant 1 : i32
        %ge3A_228 = vector.broadcast %ge3A_227 : i32 to vector<16xi32>
        %ge3A_229 = arith.cmpi sge, %add3A_221, %ge3A_228 : vector<16xi32>
        %and3A = arith.andi %ge3A_226, %ge3A_229 : vector<16xi1>
        %jit3A_230 = arith.constant 0 : i32
        %broadcast_in_dim3A_231 = vector.broadcast %jit3A_230 : i32 to vector<16xi32>
        %select_n3A_232 = arith.select %and3A, %add3A_221, %broadcast_in_dim3A_231 : vector<16xi1>, vector<16xi32>
        %reduce_max3A = arith.constant true
        %reduce_max3A_233 = vector.broadcast %reduce_max3A : i1 to vector<16xi1>
        %reduce_max3A_234 = arith.constant -2147483648 : i32
        %reduce_max3A_235 = vector.broadcast %reduce_max3A_234 : i32 to vector<16xi32>
        %reduce_max3A_236 = arith.xori %select_n3A_232, %reduce_max3A_235 : vector<16xi32>
        %reduce_max3A_237 = tpu.scan <max>, %reduce_max3A_236 masked %reduce_max3A_233 : vector<16xi32>, vector<16xi1> -> vector<16xi32>
        %reduce_max3A_238 = arith.xori %reduce_max3A_237, %reduce_max3A_235 : vector<16xi32>
        %reduce_max3A_239 = vector.extract %reduce_max3A_238[15] : i32 from vector<16xi32>
        %max3A_240 = arith.maxsi %scan3A_217, %reduce_max3A_239 : i32
        scf.yield %max3A_240 : i32
      }
      %scan3A_87 = arith.constant 16 : i32
      %max3A = arith.constant 1 : i32
      %max3A_88 = arith.maxsi %scan3A_86, %max3A : i32
      %scan3A_89 = arith.constant 0 : i32
      %scan3A_90 = arith.constant 0 : i32
      %scan3A_91 = arith.constant 0 : i32
      %scan3A_92 = arith.constant 16 : i32
      %scan3A_93 = arith.addi %scan3A_91, %scan3A_92 : i32
      %scan3A_94 = arith.constant 1 : i32
      %scan3A_95:2 = scf.for %scan3A_216 = %scan3A_91 to %scan3A_93 step %scan3A_94 iter_args(%scan3A_217 = %scan3A_89, %scan3A_218 = %scan3A_90) -> (i32, i32)  : i32 {
        %mul3A_219 = arith.constant 16 : i32
        %mul3A_220 = arith.muli %scan3A_216, %mul3A_219 : i32
        %add3A_221 = vector.broadcast %mul3A_220 : i32 to vector<16xi32>
        %add3A_222 = arith.addi %add3A_221, %iota3A : vector<16xi32>
        %mul3A_223 = arith.constant 16 : i32
        %mul3A_224 = arith.muli %scan3A_216, %mul3A_223 : i32
        %get3A = arith.index_cast %mul3A_224 : i32 to index
        %get3A_225 = tpu.vector_load %arg14[%get3A] {strides = array<i32>} : memref<256xi32, #tpu.memory_space<vmem>>, vector<16xi32>,
        %add3A_226 = arith.constant 1 : i32
        %add3A_227 = arith.addi %max3A_88, %add3A_226 : i32
        %eq3A_228 = vector.broadcast %add3A_227 : i32 to vector<16xi32>
        %eq3A_229 = arith.cmpi eq, %add3A_222, %eq3A_228 : vector<16xi32>
        %jit3A_230 = arith.constant 0 : i32
        %broadcast_in_dim3A_231 = vector.broadcast %jit3A_230 : i32 to vector<16xi32>
        %select_n3A_232 = arith.select %eq3A_229, %get3A_225, %broadcast_in_dim3A_231 : vector<16xi1>, vector<16xi32>
        %reduce_sum3A_233 = arith.constant true
        %reduce_sum3A_234 = vector.broadcast %reduce_sum3A_233 : i1 to vector<16xi1>
        %reduce_sum3A_235 = tpu.scan <sum>, %select_n3A_232 masked %reduce_sum3A_234 : vector<16xi32>, vector<16xi1> -> vector<16xi32>
        %reduce_sum3A_236 = vector.extract %reduce_sum3A_235[15] : i32 from vector<16xi32>
        %add3A_237 = arith.addi %scan3A_217, %reduce_sum3A_236 : i32
        %eq3A_238 = arith.constant 1 : i32
        %eq3A_239 = vector.broadcast %eq3A_238 : i32 to vector<16xi32>
        %eq3A_240 = arith.cmpi eq, %add3A_222, %eq3A_239 : vector<16xi32>
        %jit3A_241 = arith.constant 0 : i32
        %broadcast_in_dim3A_242 = vector.broadcast %jit3A_241 : i32 to vector<16xi32>
        %select_n3A_243 = arith.select %eq3A_240, %get3A_225, %broadcast_in_dim3A_242 : vector<16xi1>, vector<16xi32>
        %reduce_sum3A_244 = arith.constant true
        %reduce_sum3A_245 = vector.broadcast %reduce_sum3A_244 : i1 to vector<16xi1>
        %reduce_sum3A_246 = tpu.scan <sum>, %select_n3A_243 masked %reduce_sum3A_245 : vector<16xi32>, vector<16xi1> -> vector<16xi32>
        %reduce_sum3A_247 = vector.extract %reduce_sum3A_246[15] : i32 from vector<16xi32>
        %add3A_248 = arith.addi %scan3A_218, %reduce_sum3A_247 : i32
        scf.yield %add3A_237, %add3A_248 : i32, i32
      }
      %scan3A_96 = arith.constant 16 : i32
      %sub3A = arith.constant 512 : i32
      %sub3A_97 = arith.subi %sub3A, %scan3A_95#0 : i32
      %scan3A_98 = arith.constant 0 : i32
      %scan3A_99 = arith.constant 16 : i32
      %scan3A_100 = arith.addi %scan3A_98, %scan3A_99 : i32
      %scan3A_101 = arith.constant 1 : i32
      %scan3A_102:2 = scf.for %scan3A_216 = %scan3A_98 to %scan3A_100 step %scan3A_101 iter_args(%scan3A_217 = %broadcast_in_dim3A_0, %scan3A_218 = %broadcast_in_dim3A_0) -> (vector<16xi32>, vector<16xi32>)  : i32 {
        %scan3A_219 = arith.constant 0 : i32
        %scan3A_220 = arith.constant 0 : i32
        %scan3A_221 = arith.constant 16 : i32
        %scan3A_222 = arith.addi %scan3A_220, %scan3A_221 : i32
        %scan3A_223 = arith.constant 1 : i32
        %scan3A_224 = scf.for %scan3A_256 = %scan3A_220 to %scan3A_222 step %scan3A_223 iter_args(%scan3A_257 = %scan3A_219) -> (i32)  : i32 {
          %mul3A_258 = arith.constant 16 : i32
          %mul3A_259 = arith.muli %scan3A_256, %mul3A_258 : i32
          %add3A_260 = vector.broadcast %mul3A_259 : i32 to vector<16xi32>
          %add3A_261 = arith.addi %add3A_260, %iota3A : vector<16xi32>
          %mul3A_262 = arith.constant 256 : i32
          %mul3A_263 = arith.muli %scan3A_216, %mul3A_262 : i32
          %mul3A_264 = arith.constant 16 : i32
          %mul3A_265 = arith.muli %scan3A_256, %mul3A_264 : i32
          %add3A_266 = arith.addi %mul3A_263, %mul3A_265 : i32
          %get3A = arith.index_cast %add3A_266 : i32 to index
          %get3A_267 = tpu.vector_load %arg12[%get3A] {strides = array<i32>} : memref<4096xi32, #tpu.memory_space<vmem>>, vector<16xi32>,
          %gt3A = vector.broadcast %max3A_88 : i32 to vector<16xi32>
          %gt3A_268 = arith.cmpi sgt, %add3A_261, %gt3A : vector<16xi32>
          %jit3A_269 = arith.constant 0 : i32
          %broadcast_in_dim3A_270 = vector.broadcast %jit3A_269 : i32 to vector<16xi32>
          %select_n3A_271 = arith.select %gt3A_268, %get3A_267, %broadcast_in_dim3A_270 : vector<16xi1>, vector<16xi32>
          %eq3A_272 = vector.broadcast %max3A_88 : i32 to vector<16xi32>
          %eq3A_273 = arith.cmpi eq, %add3A_261, %eq3A_272 : vector<16xi32>
          %mul3A_274 = arith.constant 262144 : i32
          %mul3A_275 = vector.broadcast %mul3A_274 : i32 to vector<16xi32>
          %mul3A_276 = arith.muli %get3A_267, %mul3A_275 : vector<16xi32>
          %jit3A_277 = arith.constant 0 : i32
          %broadcast_in_dim3A_278 = vector.broadcast %jit3A_277 : i32 to vector<16xi32>
          %select_n3A_279 = arith.select %eq3A_273, %mul3A_276, %broadcast_in_dim3A_278 : vector<16xi1>, vector<16xi32>
          %add3A_280 = arith.addi %select_n3A_271, %select_n3A_279 : vector<16xi32>
          %reduce_sum3A_281 = arith.constant true
          %reduce_sum3A_282 = vector.broadcast %reduce_sum3A_281 : i1 to vector<16xi1>
          %reduce_sum3A_283 = tpu.scan <sum>, %add3A_280 masked %reduce_sum3A_282 : vector<16xi32>, vector<16xi1> -> vector<16xi32>
          %reduce_sum3A_284 = vector.extract %reduce_sum3A_283[15] : i32 from vector<16xi32>
          %add3A_285 = arith.addi %scan3A_257, %reduce_sum3A_284 : i32
          scf.yield %add3A_285 : i32
        }
        %scan3A_225 = arith.constant 16 : i32
        %jit3A_226 = arith.constant 262144 : i32
        %div3A = arith.divsi %scan3A_224, %jit3A_226 : i32
        %sign3A = arith.constant 0 : i32
        %sign3A_227 = arith.cmpi sgt, %scan3A_224, %sign3A : i32
        %sign3A_228 = arith.extui %sign3A_227 : i1 to i32
        %sign3A_229 = arith.constant 0 : i32
        %sign3A_230 = arith.cmpi slt, %scan3A_224, %sign3A_229 : i32
        %sign3A_231 = arith.extui %sign3A_230 : i1 to i32
        %sign3A_232 = arith.subi %sign3A_228, %sign3A_231 : i32
        %sign3A_233 = arith.constant 0 : i32
        %sign3A_234 = arith.cmpi sgt, %jit3A_226, %sign3A_233 : i32
        %sign3A_235 = arith.extui %sign3A_234 : i1 to i32
        %sign3A_236 = arith.constant 0 : i32
        %sign3A_237 = arith.cmpi slt, %jit3A_226, %sign3A_236 : i32
        %sign3A_238 = arith.extui %sign3A_237 : i1 to i32
        %sign3A_239 = arith.subi %sign3A_235, %sign3A_238 : i32
        %ne3A = arith.cmpi ne, %sign3A_232, %sign3A_239 : i32
        %rem3A = arith.remsi %scan3A_224, %jit3A_226 : i32
        %ne3A_240 = arith.constant 0 : i32
        %ne3A_241 = arith.cmpi ne, %rem3A, %ne3A_240 : i32
        %and3A = arith.andi %ne3A, %ne3A_241 : i1
        %sub3A_242 = arith.constant 1 : i32
        %sub3A_243 = arith.subi %div3A, %sub3A_242 : i32
        %select_n3A_244 = arith.select %and3A, %sub3A_243, %div3A : i32
        %mul3A_245 = arith.constant 262144 : i32
        %mul3A_246 = arith.muli %select_n3A_244, %mul3A_245 : i32
        %sub3A_247 = arith.subi %scan3A_224, %mul3A_246 : i32
        %eq3A_248 = vector.broadcast %scan3A_216 : i32 to vector<16xi32>
        %eq3A_249 = arith.cmpi eq, %iota3A, %eq3A_248 : vector<16xi32>
        %convert_element_type3A = arith.extui %eq3A_249 : vector<16xi1> to vector<16xi32>
        %mul3A_250 = vector.broadcast %sub3A_247 : i32 to vector<16xi32>
        %mul3A_251 = arith.muli %mul3A_250, %convert_element_type3A : vector<16xi32>
        %add3A_252 = arith.addi %scan3A_217, %mul3A_251 : vector<16xi32>
        %mul3A_253 = vector.broadcast %select_n3A_244 : i32 to vector<16xi32>
        %mul3A_254 = arith.muli %mul3A_253, %convert_element_type3A : vector<16xi32>
        %add3A_255 = arith.addi %scan3A_218, %mul3A_254 : vector<16xi32>
        scf.yield %add3A_252, %add3A_255 : vector<16xi32>, vector<16xi32>
      }
      %scan3A_103 = arith.constant 16 : i32
      %cumsum3A = arith.constant true
      %cumsum3A_104 = vector.broadcast %cumsum3A : i1 to vector<16xi1>
      %cumsum3A_105 = tpu.scan <sum>, %scan3A_102#1 masked %cumsum3A_104 : vector<16xi32>, vector<16xi1> -> vector<16xi32>
      %sub3A_106 = arith.subi %cumsum3A_105, %scan3A_102#1 : vector<16xi32>
      %sub3A_107 = vector.broadcast %sub3A_97 : i32 to vector<16xi32>
      %sub3A_108 = arith.subi %sub3A_107, %sub3A_106 : vector<16xi32>
      %max3A_109 = arith.constant 0 : i32
      %max3A_110 = vector.broadcast %max3A_109 : i32 to vector<16xi32>
      %max3A_111 = arith.maxsi %sub3A_108, %max3A_110 : vector<16xi32>
      %min3A = arith.minsi %max3A_111, %scan3A_102#1 : vector<16xi32>
      %add3A_112 = arith.addi %scan3A_102#0, %min3A : vector<16xi32>
      %cumsum3A_113 = arith.constant true
      %cumsum3A_114 = vector.broadcast %cumsum3A_113 : i1 to vector<16xi1>
      %cumsum3A_115 = tpu.scan <sum>, %add3A_112 masked %cumsum3A_114 : vector<16xi32>, vector<16xi1> -> vector<16xi32>
      %sub3A_116 = arith.subi %cumsum3A_115, %add3A_112 : vector<16xi32>
      %reduce_sum3A = arith.constant true
      %reduce_sum3A_117 = vector.broadcast %reduce_sum3A : i1 to vector<16xi1>
      %reduce_sum3A_118 = tpu.scan <sum>, %add3A_112 masked %reduce_sum3A_117 : vector<16xi32>, vector<16xi1> -> vector<16xi32>
      %reduce_sum3A_119 = vector.extract %reduce_sum3A_118[15] : i32 from vector<16xi32>
      %eq3A = vector.broadcast %arg1 : i32 to vector<16xi32>
      %eq3A_120 = arith.cmpi eq, %iota3A, %eq3A : vector<16xi32>
      %jit3A = arith.constant 0 : i32
      %broadcast_in_dim3A_121 = vector.broadcast %jit3A : i32 to vector<16xi32>
      %select_n3A = arith.select %eq3A_120, %min3A, %broadcast_in_dim3A_121 : vector<16xi1>, vector<16xi32>
      %reduce_sum3A_122 = arith.constant true
      %reduce_sum3A_123 = vector.broadcast %reduce_sum3A_122 : i1 to vector<16xi1>
      %reduce_sum3A_124 = tpu.scan <sum>, %select_n3A masked %reduce_sum3A_123 : vector<16xi32>, vector<16xi1> -> vector<16xi32>
      %reduce_sum3A_125 = vector.extract %reduce_sum3A_124[15] : i32 from vector<16xi32>
      %scan3A_126 = arith.constant 0 : i32
      %scan3A_127 = arith.constant 0 : i32
      %scan3A_128 = arith.constant 34 : i32
      %scan3A_129 = arith.addi %scan3A_127, %scan3A_128 : i32
      %scan3A_130 = arith.constant 1 : i32
      %scan3A_131 = scf.for %scan3A_216 = %scan3A_127 to %scan3A_129 step %scan3A_130 iter_args(%scan3A_217 = %scan3A_126) -> (i32)  : i32 {
        %mul3A_218 = arith.constant 16 : i32
        %mul3A_219 = arith.muli %scan3A_216, %mul3A_218 : i32
        %swap3A_220 = arith.index_cast %mul3A_219 : i32 to index
        %swap3A_221 = tpu.vector_load %arg15[%swap3A_220] {strides = array<i32>} : memref<560xi32, #tpu.memory_space<vmem>>, vector<16xi32>,
        tpu.vector_store %arg15[%swap3A_220], %broadcast_in_dim3A_0 {strides = array<i32>} : memref<560xi32, #tpu.memory_space<vmem>>, vector<16xi32>,
        %mul3A_222 = arith.constant 16 : i32
        %mul3A_223 = arith.muli %scan3A_216, %mul3A_222 : i32
        %swap3A_224 = arith.index_cast %mul3A_223 : i32 to index
        %swap3A_225 = tpu.vector_load %arg16[%swap3A_224] {strides = array<i32>} : memref<560xi32, #tpu.memory_space<vmem>>, vector<16xi32>,
        tpu.vector_store %arg16[%swap3A_224], %broadcast_in_dim3A_0 {strides = array<i32>} : memref<560xi32, #tpu.memory_space<vmem>>, vector<16xi32>,
        %scan3A_226 = arith.constant 0 : i32
        scf.yield %scan3A_226 : i32
      }
      %scan3A_132 = arith.constant 34 : i32
      %scan3A_133 = arith.constant 0 : i32
      %scan3A_134 = arith.constant 0 : i32
      %scan3A_135 = arith.constant 0 : i32
      %scan3A_136 = arith.constant 5 : i32
      %scan3A_137 = arith.addi %scan3A_135, %scan3A_136 : i32
      %scan3A_138 = arith.constant 1 : i32
      %scan3A_139:2 = scf.for %scan3A_216 = %scan3A_135 to %scan3A_137 step %scan3A_138 iter_args(%scan3A_217 = %scan3A_133, %scan3A_218 = %scan3A_134) -> (i32, i32)  : i32 {
        %eq3A_219 = vector.broadcast %scan3A_216 : i32 to vector<16xi32>
        %eq3A_220 = arith.cmpi eq, %iota3A, %eq3A_219 : vector<16xi32>
        %jit3A_221 = arith.constant 0 : i32
        %broadcast_in_dim3A_222 = vector.broadcast %jit3A_221 : i32 to vector<16xi32>
        %select_n3A_223 = arith.select %eq3A_220, %scan3A_55, %broadcast_in_dim3A_222 : vector<16xi1>, vector<16xi32>
        %reduce_sum3A_224 = arith.constant true
        %reduce_sum3A_225 = vector.broadcast %reduce_sum3A_224 : i1 to vector<16xi1>
        %reduce_sum3A_226 = tpu.scan <sum>, %select_n3A_223 masked %reduce_sum3A_225 : vector<16xi32>, vector<16xi1> -> vector<16xi32>
        %reduce_sum3A_227 = vector.extract %reduce_sum3A_226[15] : i32 from vector<16xi32>
        %ge3A = arith.cmpi sge, %reduce_sum3A_227, %max3A_88 : i32
        %convert_element_type3A = arith.extui %ge3A : i1 to i32
        %cond3A = arith.constant 0 : i32
        %cond3A_228 = arith.cmpi ne, %convert_element_type3A, %cond3A : i32
        %cond3A_229:2 = scf.if %cond3A_228 -> (i32, i32) {
          %mul3A_230 = arith.constant 40960 : i32
          %mul3A_231 = arith.muli %arg1, %mul3A_230 : i32
          %mul3A_232 = arith.constant 8192 : i32
          %mul3A_233 = arith.muli %scan3A_216, %mul3A_232 : i32
          %add3A_234 = arith.addi %mul3A_231, %mul3A_233 : i32
          "tpu.region"() ({
            %run_scoped3A_241 = tpu.sem_alloc : memref<!tpu.dma_semaphore, #tpu.memory_space<semaphore_mem>>
            %dma_start3A_242 = tpu.memref_slice %arg23[%add3A_234] : memref<656384xi32, #tpu.memory_space<vmem_shared>> -> memref<8192xi32, #tpu.memory_space<vmem_shared>>
            %dma_start3A_243 = tpu.memref_slice %arg23[%add3A_234] : memref<656384xi32, #tpu.memory_space<vmem_shared>> -> memref<8192xi32, #tpu.memory_space<vmem_shared>>
            tpu.enqueue_dma source(%dma_start3A_243 : memref<8192xi32, #tpu.memory_space<vmem_shared>>) target(%arg8 : memref<8192xi32, #tpu.memory_space<vmem>>) target_semaphore(%run_scoped3A_241 : memref<!tpu.dma_semaphore, #tpu.memory_space<semaphore_mem>>)
            %dma_wait3A_244 = tpu.memref_slice %arg23[%add3A_234] : memref<656384xi32, #tpu.memory_space<vmem_shared>> -> memref<8192xi32, #tpu.memory_space<vmem_shared>>
            %dma_wait3A_245 = tpu.memref_slice %arg23[%add3A_234] : memref<656384xi32, #tpu.memory_space<vmem_shared>> -> memref<8192xi32, #tpu.memory_space<vmem_shared>>
            tpu.wait_dma2 semaphore(%run_scoped3A_241 : memref<!tpu.dma_semaphore, #tpu.memory_space<semaphore_mem>>) src(%dma_wait3A_245 : memref<8192xi32, #tpu.memory_space<vmem_shared>>) dst(%arg8 : memref<8192xi32, #tpu.memory_space<vmem>>)
            tpu.yield
          }) : () -> ()
          %scan3A_235 = arith.constant 0 : i32
          %scan3A_236 = arith.constant 128 : i32
          %scan3A_237 = arith.addi %scan3A_235, %scan3A_236 : i32
          %scan3A_238 = arith.constant 1 : i32
          %scan3A_239:2 = scf.for %scan3A_241 = %scan3A_235 to %scan3A_237 step %scan3A_238 iter_args(%scan3A_242 = %scan3A_217, %scan3A_243 = %scan3A_218) -> (i32, i32)  : i32 {
            %mul3A_244 = arith.constant 40960 : i32
            %mul3A_245 = arith.muli %arg1, %mul3A_244 : i32
            %mul3A_246 = arith.constant 8192 : i32
            %mul3A_247 = arith.muli %scan3A_216, %mul3A_246 : i32
            %add3A_248 = arith.addi %mul3A_245, %mul3A_247 : i32
            %mul3A_249 = arith.constant 64 : i32
            %mul3A_250 = arith.muli %scan3A_241, %mul3A_249 : i32
            %add3A_251 = arith.addi %add3A_248, %mul3A_250 : i32
            %mul3A_252 = arith.constant 64 : i32
            %mul3A_253 = arith.muli %scan3A_241, %mul3A_252 : i32
            %add3A_254 = arith.constant 0 : i32
            %add3A_255 = arith.addi %mul3A_253, %add3A_254 : i32
            %get3A = arith.index_cast %add3A_255 : i32 to index
            %get3A_256 = tpu.vector_load %arg8[%get3A] {strides = array<i32>} : memref<8192xi32, #tpu.memory_space<vmem>>, vector<16xi32>,
            %mul3A_257 = arith.constant 64 : i32
            %mul3A_258 = arith.muli %scan3A_241, %mul3A_257 : i32
            %add3A_259 = arith.constant 16 : i32
            %add3A_260 = arith.addi %mul3A_258, %add3A_259 : i32
            %get3A_261 = arith.index_cast %add3A_260 : i32 to index
            %get3A_262 = tpu.vector_load %arg8[%get3A_261] {strides = array<i32>} : memref<8192xi32, #tpu.memory_space<vmem>>, vector<16xi32>,
            %mul3A_263 = arith.constant 64 : i32
            %mul3A_264 = arith.muli %scan3A_241, %mul3A_263 : i32
            %add3A_265 = arith.constant 32 : i32
            %add3A_266 = arith.addi %mul3A_264, %add3A_265 : i32
            %get3A_267 = arith.index_cast %add3A_266 : i32 to index
            %get3A_268 = tpu.vector_load %arg8[%get3A_267] {strides = array<i32>} : memref<8192xi32, #tpu.memory_space<vmem>>, vector<16xi32>,
            %mul3A_269 = arith.constant 64 : i32
            %mul3A_270 = arith.muli %scan3A_241, %mul3A_269 : i32
            %add3A_271 = arith.constant 48 : i32
            %add3A_272 = arith.addi %mul3A_270, %add3A_271 : i32
            %get3A_273 = arith.index_cast %add3A_272 : i32 to index
            %get3A_274 = tpu.vector_load %arg8[%get3A_273] {strides = array<i32>} : memref<8192xi32, #tpu.memory_space<vmem>>, vector<16xi32>,
            %eq3A_275 = vector.broadcast %max3A_88 : i32 to vector<16xi32>
            %eq3A_276 = arith.cmpi eq, %get3A_256, %eq3A_275 : vector<16xi32>
            %eq3A_277 = vector.broadcast %max3A_88 : i32 to vector<16xi32>
            %eq3A_278 = arith.cmpi eq, %get3A_262, %eq3A_277 : vector<16xi32>
            %eq3A_279 = vector.broadcast %max3A_88 : i32 to vector<16xi32>
            %eq3A_280 = arith.cmpi eq, %get3A_268, %eq3A_279 : vector<16xi32>
            %eq3A_281 = vector.broadcast %max3A_88 : i32 to vector<16xi32>
            %eq3A_282 = arith.cmpi eq, %get3A_274, %eq3A_281 : vector<16xi32>
            %convert_element_type3A_283 = arith.extui %eq3A_276 : vector<16xi1> to vector<16xi32>
            %cumsum3A_284 = arith.constant true
            %cumsum3A_285 = vector.broadcast %cumsum3A_284 : i1 to vector<16xi1>
            %cumsum3A_286 = tpu.scan <sum>, %convert_element_type3A_283 masked %cumsum3A_285 : vector<16xi32>, vector<16xi1> -> vector<16xi32>
            %convert_element_type3A_287 = arith.extui %eq3A_276 : vector<16xi1> to vector<16xi32>
            %sub3A_288 = arith.subi %cumsum3A_286, %convert_element_type3A_287 : vector<16xi32>
            %convert_element_type3A_289 = arith.extui %eq3A_278 : vector<16xi1> to vector<16xi32>
            %cumsum3A_290 = arith.constant true
            %cumsum3A_291 = vector.broadcast %cumsum3A_290 : i1 to vector<16xi1>
            %cumsum3A_292 = tpu.scan <sum>, %convert_element_type3A_289 masked %cumsum3A_291 : vector<16xi32>, vector<16xi1> -> vector<16xi32>
            %convert_element_type3A_293 = arith.extui %eq3A_278 : vector<16xi1> to vector<16xi32>
            %sub3A_294 = arith.subi %cumsum3A_292, %convert_element_type3A_293 : vector<16xi32>
            %convert_element_type3A_295 = arith.extui %eq3A_280 : vector<16xi1> to vector<16xi32>
            %cumsum3A_296 = arith.constant true
            %cumsum3A_297 = vector.broadcast %cumsum3A_296 : i1 to vector<16xi1>
            %cumsum3A_298 = tpu.scan <sum>, %convert_element_type3A_295 masked %cumsum3A_297 : vector<16xi32>, vector<16xi1> -> vector<16xi32>
            %convert_element_type3A_299 = arith.extui %eq3A_280 : vector<16xi1> to vector<16xi32>
            %sub3A_300 = arith.subi %cumsum3A_298, %convert_element_type3A_299 : vector<16xi32>
            %convert_element_type3A_301 = arith.extui %eq3A_282 : vector<16xi1> to vector<16xi32>
            %cumsum3A_302 = arith.constant true
            %cumsum3A_303 = vector.broadcast %cumsum3A_302 : i1 to vector<16xi1>
            %cumsum3A_304 = tpu.scan <sum>, %convert_element_type3A_301 masked %cumsum3A_303 : vector<16xi32>, vector<16xi1> -> vector<16xi32>
            %convert_element_type3A_305 = arith.extui %eq3A_282 : vector<16xi1> to vector<16xi32>
            %sub3A_306 = arith.subi %cumsum3A_304, %convert_element_type3A_305 : vector<16xi32>
            %all_reduce_population_count3A = tpu.all_reduce %eq3A_276 {dim = 0 : i64, kind = #tpu.reduction_kind<sum>} : vector<16xi1> -> vector<16xi32>
            %slice3A = vector.extract_strided_slice %all_reduce_population_count3A {offsets = [0], sizes = [1], strides = [1]} : vector<16xi32> to vector<1xi32>
            %squeeze3A = vector.extract %slice3A[0] : i32 from vector<1xi32>
            %all_reduce_population_count3A_307 = tpu.all_reduce %eq3A_278 {dim = 0 : i64, kind = #tpu.reduction_kind<sum>} : vector<16xi1> -> vector<16xi32>
            %slice3A_308 = vector.extract_strided_slice %all_reduce_population_count3A_307 {offsets = [0], sizes = [1], strides = [1]} : vector<16xi32> to vector<1xi32>
            %squeeze3A_309 = vector.extract %slice3A_308[0] : i32 from vector<1xi32>
            %all_reduce_population_count3A_310 = tpu.all_reduce %eq3A_280 {dim = 0 : i64, kind = #tpu.reduction_kind<sum>} : vector<16xi1> -> vector<16xi32>
            %slice3A_311 = vector.extract_strided_slice %all_reduce_population_count3A_310 {offsets = [0], sizes = [1], strides = [1]} : vector<16xi32> to vector<1xi32>
            %squeeze3A_312 = vector.extract %slice3A_311[0] : i32 from vector<1xi32>
            %all_reduce_population_count3A_313 = tpu.all_reduce %eq3A_282 {dim = 0 : i64, kind = #tpu.reduction_kind<sum>} : vector<16xi1> -> vector<16xi32>
            %slice3A_314 = vector.extract_strided_slice %all_reduce_population_count3A_313 {offsets = [0], sizes = [1], strides = [1]} : vector<16xi32> to vector<1xi32>
            %squeeze3A_315 = vector.extract %slice3A_314[0] : i32 from vector<1xi32>
            %add3A_316 = vector.broadcast %scan3A_243 : i32 to vector<16xi32>
            %add3A_317 = arith.addi %add3A_316, %sub3A_288 : vector<16xi32>
            %lt3A = vector.broadcast %reduce_sum3A_125 : i32 to vector<16xi32>
            %lt3A_318 = arith.cmpi slt, %add3A_317, %lt3A : vector<16xi32>
            %and3A = arith.andi %eq3A_276, %lt3A_318 : vector<16xi1>
            %gt3A = vector.broadcast %max3A_88 : i32 to vector<16xi32>
            %gt3A_319 = arith.cmpi sgt, %get3A_256, %gt3A : vector<16xi32>
            %or3A = arith.ori %gt3A_319, %and3A : vector<16xi1>
            %all_reduce_population_count3A_320 = tpu.all_reduce %or3A {dim = 0 : i64, kind = #tpu.reduction_kind<sum>} : vector<16xi1> -> vector<16xi32>
            %slice3A_321 = vector.extract_strided_slice %all_reduce_population_count3A_320 {offsets = [0], sizes = [1], strides = [1]} : vector<16xi32> to vector<1xi32>
            %squeeze3A_322 = vector.extract %slice3A_321[0] : i32 from vector<1xi32>
            %add3A_323 = arith.constant 0 : i32
            %add3A_324 = arith.addi %add3A_251, %add3A_323 : i32
            %add3A_325 = vector.broadcast %add3A_324 : i32 to vector<16xi32>
            %add3A_326 = arith.addi %add3A_325, %iota3A : vector<16xi32>
            %swap3A_327 = arith.index_cast %scan3A_242 : i32 to index
            %swap3A_328 = tpu.vector_load %arg15[%swap3A_327] masked %or3A {strides = array<i32>} : memref<560xi32, #tpu.memory_space<vmem>>, vector<16xi32>, vector<16xi1>
            tpu.vector_store %arg15[%swap3A_327], %add3A_326 masked %or3A {strides = array<i32>} : memref<560xi32, #tpu.memory_space<vmem>>, vector<16xi32>, vector<16xi1>
            %swap3A_329 = arith.index_cast %scan3A_242 : i32 to index
            %swap3A_330 = tpu.vector_load %arg16[%swap3A_329] masked %or3A {strides = array<i32>} : memref<560xi32, #tpu.memory_space<vmem>>, vector<16xi32>, vector<16xi1>
            tpu.vector_store %arg16[%swap3A_329], %get3A_256 masked %or3A {strides = array<i32>} : memref<560xi32, #tpu.memory_space<vmem>>, vector<16xi32>, vector<16xi1>
            %add3A_331 = arith.addi %scan3A_242, %squeeze3A_322 : i32
            %add3A_332 = arith.addi %scan3A_243, %squeeze3A : i32
            %add3A_333 = vector.broadcast %add3A_332 : i32 to vector<16xi32>
            %add3A_334 = arith.addi %add3A_333, %sub3A_294 : vector<16xi32>
            %lt3A_335 = vector.broadcast %reduce_sum3A_125 : i32 to vector<16xi32>
            %lt3A_336 = arith.cmpi slt, %add3A_334, %lt3A_335 : vector<16xi32>
            %and3A_337 = arith.andi %eq3A_278, %lt3A_336 : vector<16xi1>
            %gt3A_338 = vector.broadcast %max3A_88 : i32 to vector<16xi32>
            %gt3A_339 = arith.cmpi sgt, %get3A_262, %gt3A_338 : vector<16xi32>
            %or3A_340 = arith.ori %gt3A_339, %and3A_337 : vector<16xi1>
            %all_reduce_population_count3A_341 = tpu.all_reduce %or3A_340 {dim = 0 : i64, kind = #tpu.reduction_kind<sum>} : vector<16xi1> -> vector<16xi32>
            %slice3A_342 = vector.extract_strided_slice %all_reduce_population_count3A_341 {offsets = [0], sizes = [1], strides = [1]} : vector<16xi32> to vector<1xi32>
            %squeeze3A_343 = vector.extract %slice3A_342[0] : i32 from vector<1xi32>
            %add3A_344 = arith.constant 16 : i32
            %add3A_345 = arith.addi %add3A_251, %add3A_344 : i32
            %add3A_346 = vector.broadcast %add3A_345 : i32 to vector<16xi32>
            %add3A_347 = arith.addi %add3A_346, %iota3A : vector<16xi32>
            %swap3A_348 = arith.index_cast %add3A_331 : i32 to index
            %swap3A_349 = tpu.vector_load %arg15[%swap3A_348] masked %or3A_340 {strides = array<i32>} : memref<560xi32, #tpu.memory_space<vmem>>, vector<16xi32>, vector<16xi1>
            tpu.vector_store %arg15[%swap3A_348], %add3A_347 masked %or3A_340 {strides = array<i32>} : memref<560xi32, #tpu.memory_space<vmem>>, vector<16xi32>, vector<16xi1>
            %swap3A_350 = arith.index_cast %add3A_331 : i32 to index
            %swap3A_351 = tpu.vector_load %arg16[%swap3A_350] masked %or3A_340 {strides = array<i32>} : memref<560xi32, #tpu.memory_space<vmem>>, vector<16xi32>, vector<16xi1>
            tpu.vector_store %arg16[%swap3A_350], %get3A_262 masked %or3A_340 {strides = array<i32>} : memref<560xi32, #tpu.memory_space<vmem>>, vector<16xi32>, vector<16xi1>
            %add3A_352 = arith.addi %add3A_331, %squeeze3A_343 : i32
            %add3A_353 = arith.addi %add3A_332, %squeeze3A_309 : i32
            %add3A_354 = vector.broadcast %add3A_353 : i32 to vector<16xi32>
            %add3A_355 = arith.addi %add3A_354, %sub3A_300 : vector<16xi32>
            %lt3A_356 = vector.broadcast %reduce_sum3A_125 : i32 to vector<16xi32>
            %lt3A_357 = arith.cmpi slt, %add3A_355, %lt3A_356 : vector<16xi32>
            %and3A_358 = arith.andi %eq3A_280, %lt3A_357 : vector<16xi1>
            %gt3A_359 = vector.broadcast %max3A_88 : i32 to vector<16xi32>
            %gt3A_360 = arith.cmpi sgt, %get3A_268, %gt3A_359 : vector<16xi32>
            %or3A_361 = arith.ori %gt3A_360, %and3A_358 : vector<16xi1>
            %all_reduce_population_count3A_362 = tpu.all_reduce %or3A_361 {dim = 0 : i64, kind = #tpu.reduction_kind<sum>} : vector<16xi1> -> vector<16xi32>
            %slice3A_363 = vector.extract_strided_slice %all_reduce_population_count3A_362 {offsets = [0], sizes = [1], strides = [1]} : vector<16xi32> to vector<1xi32>
            %squeeze3A_364 = vector.extract %slice3A_363[0] : i32 from vector<1xi32>
            %add3A_365 = arith.constant 32 : i32
            %add3A_366 = arith.addi %add3A_251, %add3A_365 : i32
            %add3A_367 = vector.broadcast %add3A_366 : i32 to vector<16xi32>
            %add3A_368 = arith.addi %add3A_367, %iota3A : vector<16xi32>
            %swap3A_369 = arith.index_cast %add3A_352 : i32 to index
            %swap3A_370 = tpu.vector_load %arg15[%swap3A_369] masked %or3A_361 {strides = array<i32>} : memref<560xi32, #tpu.memory_space<vmem>>, vector<16xi32>, vector<16xi1>
            tpu.vector_store %arg15[%swap3A_369], %add3A_368 masked %or3A_361 {strides = array<i32>} : memref<560xi32, #tpu.memory_space<vmem>>, vector<16xi32>, vector<16xi1>
            %swap3A_371 = arith.index_cast %add3A_352 : i32 to index
            %swap3A_372 = tpu.vector_load %arg16[%swap3A_371] masked %or3A_361 {strides = array<i32>} : memref<560xi32, #tpu.memory_space<vmem>>, vector<16xi32>, vector<16xi1>
            tpu.vector_store %arg16[%swap3A_371], %get3A_268 masked %or3A_361 {strides = array<i32>} : memref<560xi32, #tpu.memory_space<vmem>>, vector<16xi32>, vector<16xi1>
            %add3A_373 = arith.addi %add3A_352, %squeeze3A_364 : i32
            %add3A_374 = arith.addi %add3A_353, %squeeze3A_312 : i32
            %add3A_375 = vector.broadcast %add3A_374 : i32 to vector<16xi32>
            %add3A_376 = arith.addi %add3A_375, %sub3A_306 : vector<16xi32>
            %lt3A_377 = vector.broadcast %reduce_sum3A_125 : i32 to vector<16xi32>
            %lt3A_378 = arith.cmpi slt, %add3A_376, %lt3A_377 : vector<16xi32>
            %and3A_379 = arith.andi %eq3A_282, %lt3A_378 : vector<16xi1>
            %gt3A_380 = vector.broadcast %max3A_88 : i32 to vector<16xi32>
            %gt3A_381 = arith.cmpi sgt, %get3A_274, %gt3A_380 : vector<16xi32>
            %or3A_382 = arith.ori %gt3A_381, %and3A_379 : vector<16xi1>
            %all_reduce_population_count3A_383 = tpu.all_reduce %or3A_382 {dim = 0 : i64, kind = #tpu.reduction_kind<sum>} : vector<16xi1> -> vector<16xi32>
            %slice3A_384 = vector.extract_strided_slice %all_reduce_population_count3A_383 {offsets = [0], sizes = [1], strides = [1]} : vector<16xi32> to vector<1xi32>
            %squeeze3A_385 = vector.extract %slice3A_384[0] : i32 from vector<1xi32>
            %add3A_386 = arith.constant 48 : i32
            %add3A_387 = arith.addi %add3A_251, %add3A_386 : i32
            %add3A_388 = vector.broadcast %add3A_387 : i32 to vector<16xi32>
            %add3A_389 = arith.addi %add3A_388, %iota3A : vector<16xi32>
            %swap3A_390 = arith.index_cast %add3A_373 : i32 to index
            %swap3A_391 = tpu.vector_load %arg15[%swap3A_390] masked %or3A_382 {strides = array<i32>} : memref<560xi32, #tpu.memory_space<vmem>>, vector<16xi32>, vector<16xi1>
            tpu.vector_store %arg15[%swap3A_390], %add3A_389 masked %or3A_382 {strides = array<i32>} : memref<560xi32, #tpu.memory_space<vmem>>, vector<16xi32>, vector<16xi1>
            %swap3A_392 = arith.index_cast %add3A_373 : i32 to index
            %swap3A_393 = tpu.vector_load %arg16[%swap3A_392] masked %or3A_382 {strides = array<i32>} : memref<560xi32, #tpu.memory_space<vmem>>, vector<16xi32>, vector<16xi1>
            tpu.vector_store %arg16[%swap3A_392], %get3A_274 masked %or3A_382 {strides = array<i32>} : memref<560xi32, #tpu.memory_space<vmem>>, vector<16xi32>, vector<16xi1>
            %add3A_394 = arith.addi %add3A_373, %squeeze3A_385 : i32
            %add3A_395 = arith.addi %add3A_374, %squeeze3A_315 : i32
            scf.yield %add3A_394, %add3A_395 : i32, i32
          }
          %scan3A_240 = arith.constant 128 : i32
          scf.yield %scan3A_239#0, %scan3A_239#1 : i32, i32
        } else {
          scf.yield %scan3A_217, %scan3A_218 : i32, i32
        }
        scf.yield %cond3A_229#0, %cond3A_229#1 : i32, i32
      }
      %scan3A_140 = arith.constant 5 : i32
      %mul3A_141 = arith.constant 544 : i32
      %mul3A_142 = arith.muli %arg1, %mul3A_141 : i32
      "tpu.region"() ({
        %run_scoped3A_216 = tpu.sem_alloc : memref<!tpu.dma_semaphore, #tpu.memory_space<semaphore_mem>>
        %dma_start3A_217 = arith.constant 0 : i32
        %dma_start3A_218 = tpu.memref_slice %arg15[%dma_start3A_217] : memref<560xi32, #tpu.memory_space<vmem>> -> memref<544xi32, #tpu.memory_space<vmem>>
        %dma_start3A_219 = tpu.memref_slice %arg25[%mul3A_142] : memref<8704xi32, #tpu.memory_space<vmem_shared>> -> memref<544xi32, #tpu.memory_space<vmem_shared>>
        %dma_start3A_220 = tpu.memref_slice %arg25[%mul3A_142] : memref<8704xi32, #tpu.memory_space<vmem_shared>> -> memref<544xi32, #tpu.memory_space<vmem_shared>>
        %dma_start3A_221 = arith.constant 0 : i32
        %dma_start3A_222 = tpu.memref_slice %arg15[%dma_start3A_221] : memref<560xi32, #tpu.memory_space<vmem>> -> memref<544xi32, #tpu.memory_space<vmem>>
        tpu.enqueue_dma source(%dma_start3A_222 : memref<544xi32, #tpu.memory_space<vmem>>) target(%dma_start3A_220 : memref<544xi32, #tpu.memory_space<vmem_shared>>) target_semaphore(%run_scoped3A_216 : memref<!tpu.dma_semaphore, #tpu.memory_space<semaphore_mem>>)
        %dma_wait3A_223 = arith.constant 0 : i32
        %dma_wait3A_224 = tpu.memref_slice %arg15[%dma_wait3A_223] : memref<560xi32, #tpu.memory_space<vmem>> -> memref<544xi32, #tpu.memory_space<vmem>>
        %dma_wait3A_225 = tpu.memref_slice %arg25[%mul3A_142] : memref<8704xi32, #tpu.memory_space<vmem_shared>> -> memref<544xi32, #tpu.memory_space<vmem_shared>>
        %dma_wait3A_226 = tpu.memref_slice %arg25[%mul3A_142] : memref<8704xi32, #tpu.memory_space<vmem_shared>> -> memref<544xi32, #tpu.memory_space<vmem_shared>>
        %dma_wait3A_227 = arith.constant 0 : i32
        %dma_wait3A_228 = tpu.memref_slice %arg15[%dma_wait3A_227] : memref<560xi32, #tpu.memory_space<vmem>> -> memref<544xi32, #tpu.memory_space<vmem>>
        tpu.wait_dma2 semaphore(%run_scoped3A_216 : memref<!tpu.dma_semaphore, #tpu.memory_space<semaphore_mem>>) src(%dma_wait3A_228 : memref<544xi32, #tpu.memory_space<vmem>>) dst(%dma_wait3A_226 : memref<544xi32, #tpu.memory_space<vmem_shared>>)
        tpu.yield
      }) : () -> ()
      %mul3A_143 = arith.constant 544 : i32
      %mul3A_144 = arith.muli %arg1, %mul3A_143 : i32
      "tpu.region"() ({
        %run_scoped3A_216 = tpu.sem_alloc : memref<!tpu.dma_semaphore, #tpu.memory_space<semaphore_mem>>
        %dma_start3A_217 = arith.constant 0 : i32
        %dma_start3A_218 = tpu.memref_slice %arg16[%dma_start3A_217] : memref<560xi32, #tpu.memory_space<vmem>> -> memref<544xi32, #tpu.memory_space<vmem>>
        %dma_start3A_219 = tpu.memref_slice %arg26[%mul3A_144] : memref<8704xi32, #tpu.memory_space<vmem_shared>> -> memref<544xi32, #tpu.memory_space<vmem_shared>>
        %dma_start3A_220 = tpu.memref_slice %arg26[%mul3A_144] : memref<8704xi32, #tpu.memory_space<vmem_shared>> -> memref<544xi32, #tpu.memory_space<vmem_shared>>
        %dma_start3A_221 = arith.constant 0 : i32
        %dma_start3A_222 = tpu.memref_slice %arg16[%dma_start3A_221] : memref<560xi32, #tpu.memory_space<vmem>> -> memref<544xi32, #tpu.memory_space<vmem>>
        tpu.enqueue_dma source(%dma_start3A_222 : memref<544xi32, #tpu.memory_space<vmem>>) target(%dma_start3A_220 : memref<544xi32, #tpu.memory_space<vmem_shared>>) target_semaphore(%run_scoped3A_216 : memref<!tpu.dma_semaphore, #tpu.memory_space<semaphore_mem>>)
        %dma_wait3A_223 = arith.constant 0 : i32
        %dma_wait3A_224 = tpu.memref_slice %arg16[%dma_wait3A_223] : memref<560xi32, #tpu.memory_space<vmem>> -> memref<544xi32, #tpu.memory_space<vmem>>
        %dma_wait3A_225 = tpu.memref_slice %arg26[%mul3A_144] : memref<8704xi32, #tpu.memory_space<vmem_shared>> -> memref<544xi32, #tpu.memory_space<vmem_shared>>
        %dma_wait3A_226 = tpu.memref_slice %arg26[%mul3A_144] : memref<8704xi32, #tpu.memory_space<vmem_shared>> -> memref<544xi32, #tpu.memory_space<vmem_shared>>
        %dma_wait3A_227 = arith.constant 0 : i32
        %dma_wait3A_228 = tpu.memref_slice %arg16[%dma_wait3A_227] : memref<560xi32, #tpu.memory_space<vmem>> -> memref<544xi32, #tpu.memory_space<vmem>>
        tpu.wait_dma2 semaphore(%run_scoped3A_216 : memref<!tpu.dma_semaphore, #tpu.memory_space<semaphore_mem>>) src(%dma_wait3A_228 : memref<544xi32, #tpu.memory_space<vmem>>) dst(%dma_wait3A_226 : memref<544xi32, #tpu.memory_space<vmem_shared>>)
        tpu.yield
      }) : () -> ()
      %barrier3A_145 = arith.constant 0 : index
      tpu.barrier barrier_id(%barrier3A_145)
      "tpu.region"() ({
        %run_scoped3A_216 = tpu.sem_alloc : memref<!tpu.dma_semaphore, #tpu.memory_space<semaphore_mem>>
        tpu.enqueue_dma source(%arg25 : memref<8704xi32, #tpu.memory_space<vmem_shared>>) target(%arg17 : memref<8704xi32, #tpu.memory_space<vmem>>) target_semaphore(%run_scoped3A_216 : memref<!tpu.dma_semaphore, #tpu.memory_space<semaphore_mem>>)
        tpu.wait_dma2 semaphore(%run_scoped3A_216 : memref<!tpu.dma_semaphore, #tpu.memory_space<semaphore_mem>>) src(%arg25 : memref<8704xi32, #tpu.memory_space<vmem_shared>>) dst(%arg17 : memref<8704xi32, #tpu.memory_space<vmem>>)
        tpu.yield
      }) : () -> ()
      "tpu.region"() ({
        %run_scoped3A_216 = tpu.sem_alloc : memref<!tpu.dma_semaphore, #tpu.memory_space<semaphore_mem>>
        tpu.enqueue_dma source(%arg26 : memref<8704xi32, #tpu.memory_space<vmem_shared>>) target(%arg18 : memref<8704xi32, #tpu.memory_space<vmem>>) target_semaphore(%run_scoped3A_216 : memref<!tpu.dma_semaphore, #tpu.memory_space<semaphore_mem>>)
        tpu.wait_dma2 semaphore(%run_scoped3A_216 : memref<!tpu.dma_semaphore, #tpu.memory_space<semaphore_mem>>) src(%arg26 : memref<8704xi32, #tpu.memory_space<vmem_shared>>) dst(%arg18 : memref<8704xi32, #tpu.memory_space<vmem>>)
        tpu.yield
      }) : () -> ()
      %sub3A_146 = arith.constant 1 : i32
      %sub3A_147 = vector.broadcast %sub3A_146 : i32 to vector<16xi32>
      %sub3A_148 = arith.subi %broadcast_in_dim3A_0, %sub3A_147 : vector<16xi32>
      %scan3A_149 = arith.constant 0 : i32
      %scan3A_150 = arith.constant 0 : i32
      %scan3A_151 = arith.constant 512 : i32
      %scan3A_152 = arith.addi %scan3A_150, %scan3A_151 : i32
      %scan3A_153 = arith.constant 1 : i32
      %scan3A_154 = scf.for %scan3A_216 = %scan3A_150 to %scan3A_152 step %scan3A_153 iter_args(%scan3A_217 = %scan3A_149) -> (i32)  : i32 {
        %mul3A_218 = arith.constant 16 : i32
        %mul3A_219 = arith.muli %scan3A_216, %mul3A_218 : i32
        %swap3A_220 = arith.index_cast %mul3A_219 : i32 to index
        %swap3A_221 = tpu.vector_load %arg8[%swap3A_220] {strides = array<i32>} : memref<8192xi32, #tpu.memory_space<vmem>>, vector<16xi32>,
        tpu.vector_store %arg8[%swap3A_220], %sub3A_148 {strides = array<i32>} : memref<8192xi32, #tpu.memory_space<vmem>>, vector<16xi32>,
        %scan3A_222 = arith.constant 0 : i32
        scf.yield %scan3A_222 : i32
      }
      %scan3A_155 = arith.constant 512 : i32
      %scan3A_156 = arith.constant 0 : i32
      %scan3A_157 = arith.constant 0 : i32
      %scan3A_158 = arith.constant 5 : i32
      %scan3A_159 = arith.addi %scan3A_157, %scan3A_158 : i32
      %scan3A_160 = arith.constant 1 : i32
      %scan3A_161 = scf.for %scan3A_216 = %scan3A_157 to %scan3A_159 step %scan3A_160 iter_args(%scan3A_217 = %scan3A_156) -> (i32)  : i32 {
        %mul3A_218 = arith.constant 40960 : i32
        %mul3A_219 = arith.muli %arg1, %mul3A_218 : i32
        %mul3A_220 = arith.constant 8192 : i32
        %mul3A_221 = arith.muli %scan3A_216, %mul3A_220 : i32
        %add3A_222 = arith.addi %mul3A_219, %mul3A_221 : i32
        %dma_start3A_223 = tpu.memref_slice %arg23[%add3A_222] : memref<656384xi32, #tpu.memory_space<vmem_shared>> -> memref<8192xi32, #tpu.memory_space<vmem_shared>>
        %dma_start3A_224 = tpu.memref_slice %arg23[%add3A_222] : memref<656384xi32, #tpu.memory_space<vmem_shared>> -> memref<8192xi32, #tpu.memory_space<vmem_shared>>
        tpu.enqueue_dma source(%arg8 : memref<8192xi32, #tpu.memory_space<vmem>>) target(%dma_start3A_224 : memref<8192xi32, #tpu.memory_space<vmem_shared>>) target_semaphore(%arg27 : memref<!tpu.dma_semaphore, #tpu.memory_space<semaphore_mem>>)
        %scan3A_225 = arith.constant 0 : i32
        scf.yield %scan3A_225 : i32
      }
      %scan3A_162 = arith.constant 5 : i32
      %scan3A_163 = arith.constant 0 : i32
      %scan3A_164 = arith.constant 0 : i32
      %scan3A_165 = arith.constant 34 : i32
      %scan3A_166 = arith.addi %scan3A_164, %scan3A_165 : i32
      %scan3A_167 = arith.constant 1 : i32
      %scan3A_168 = scf.for %scan3A_216 = %scan3A_164 to %scan3A_166 step %scan3A_167 iter_args(%scan3A_217 = %scan3A_163) -> (i32)  : i32 {
        %mul3A_218 = arith.constant 16 : i32
        %mul3A_219 = arith.muli %scan3A_216, %mul3A_218 : i32
        %swap3A_220 = arith.index_cast %mul3A_219 : i32 to index
        %swap3A_221 = tpu.vector_load %arg19[%swap3A_220] {strides = array<i32>} : memref<544xi32, #tpu.memory_space<vmem>>, vector<16xi32>,
        tpu.vector_store %arg19[%swap3A_220], %broadcast_in_dim3A_0 {strides = array<i32>} : memref<544xi32, #tpu.memory_space<vmem>>, vector<16xi32>,
        %mul3A_222 = arith.constant 16 : i32
        %mul3A_223 = arith.muli %scan3A_216, %mul3A_222 : i32
        %swap3A_224 = arith.index_cast %mul3A_223 : i32 to index
        %swap3A_225 = tpu.vector_load %arg20[%swap3A_224] {strides = array<i32>} : memref<544xi32, #tpu.memory_space<vmem>>, vector<16xi32>,
        tpu.vector_store %arg20[%swap3A_224], %broadcast_in_dim3A_0 {strides = array<i32>} : memref<544xi32, #tpu.memory_space<vmem>>, vector<16xi32>,
        %scan3A_226 = arith.constant 0 : i32
        scf.yield %scan3A_226 : i32
      }
      %scan3A_169 = arith.constant 34 : i32
      %scan3A_170 = arith.constant 0 : i32
      %scan3A_171 = arith.constant 0 : i32
      %scan3A_172 = arith.constant 16 : i32
      %scan3A_173 = arith.addi %scan3A_171, %scan3A_172 : i32
      %scan3A_174 = arith.constant 1 : i32
      %scan3A_175 = scf.for %scan3A_216 = %scan3A_171 to %scan3A_173 step %scan3A_174 iter_args(%scan3A_217 = %scan3A_170) -> (i32)  : i32 {
        %eq3A_218 = vector.broadcast %scan3A_216 : i32 to vector<16xi32>
        %eq3A_219 = arith.cmpi eq, %iota3A, %eq3A_218 : vector<16xi32>
        %jit3A_220 = arith.constant 0 : i32
        %broadcast_in_dim3A_221 = vector.broadcast %jit3A_220 : i32 to vector<16xi32>
        %select_n3A_222 = arith.select %eq3A_219, %add3A_112, %broadcast_in_dim3A_221 : vector<16xi1>, vector<16xi32>
        %reduce_sum3A_223 = arith.constant true
        %reduce_sum3A_224 = vector.broadcast %reduce_sum3A_223 : i1 to vector<16xi1>
        %reduce_sum3A_225 = tpu.scan <sum>, %select_n3A_222 masked %reduce_sum3A_224 : vector<16xi32>, vector<16xi1> -> vector<16xi32>
        %reduce_sum3A_226 = vector.extract %reduce_sum3A_225[15] : i32 from vector<16xi32>
        %eq3A_227 = vector.broadcast %scan3A_216 : i32 to vector<16xi32>
        %eq3A_228 = arith.cmpi eq, %iota3A, %eq3A_227 : vector<16xi32>
        %jit3A_229 = arith.constant 0 : i32
        %broadcast_in_dim3A_230 = vector.broadcast %jit3A_229 : i32 to vector<16xi32>
        %select_n3A_231 = arith.select %eq3A_228, %sub3A_116, %broadcast_in_dim3A_230 : vector<16xi1>, vector<16xi32>
        %reduce_sum3A_232 = arith.constant true
        %reduce_sum3A_233 = vector.broadcast %reduce_sum3A_232 : i1 to vector<16xi1>
        %reduce_sum3A_234 = tpu.scan <sum>, %select_n3A_231 masked %reduce_sum3A_233 : vector<16xi32>, vector<16xi1> -> vector<16xi32>
        %reduce_sum3A_235 = vector.extract %reduce_sum3A_234[15] : i32 from vector<16xi32>
        %scan3A_236 = arith.constant 0 : i32
        %scan3A_237 = arith.constant 0 : i32
        %scan3A_238 = arith.constant 34 : i32
        %scan3A_239 = arith.addi %scan3A_237, %scan3A_238 : i32
        %scan3A_240 = arith.constant 1 : i32
        %scan3A_241 = scf.for %scan3A_244 = %scan3A_237 to %scan3A_239 step %scan3A_240 iter_args(%scan3A_245 = %scan3A_236) -> (i32)  : i32 {
          %mul3A_246 = arith.constant 16 : i32
          %mul3A_247 = arith.muli %scan3A_244, %mul3A_246 : i32
          %add3A_248 = vector.broadcast %mul3A_247 : i32 to vector<16xi32>
          %add3A_249 = arith.addi %add3A_248, %iota3A : vector<16xi32>
          %lt3A = vector.broadcast %reduce_sum3A_226 : i32 to vector<16xi32>
          %lt3A_250 = arith.cmpi slt, %add3A_249, %lt3A : vector<16xi32>
          %mul3A_251 = arith.constant 544 : i32
          %mul3A_252 = arith.muli %scan3A_216, %mul3A_251 : i32
          %mul3A_253 = arith.constant 16 : i32
          %mul3A_254 = arith.muli %scan3A_244, %mul3A_253 : i32
          %add3A_255 = arith.addi %mul3A_252, %mul3A_254 : i32
          %get3A = arith.index_cast %add3A_255 : i32 to index
          %get3A_256 = tpu.vector_load %arg17[%get3A] {strides = array<i32>} : memref<8704xi32, #tpu.memory_space<vmem>>, vector<16xi32>,
          %mul3A_257 = arith.constant 544 : i32
          %mul3A_258 = arith.muli %scan3A_216, %mul3A_257 : i32
          %mul3A_259 = arith.constant 16 : i32
          %mul3A_260 = arith.muli %scan3A_244, %mul3A_259 : i32
          %add3A_261 = arith.addi %mul3A_258, %mul3A_260 : i32
          %get3A_262 = arith.index_cast %add3A_261 : i32 to index
          %get3A_263 = tpu.vector_load %arg18[%get3A_262] {strides = array<i32>} : memref<8704xi32, #tpu.memory_space<vmem>>, vector<16xi32>,
          %mul3A_264 = arith.constant 16 : i32
          %mul3A_265 = arith.muli %scan3A_244, %mul3A_264 : i32
          %add3A_266 = arith.addi %reduce_sum3A_235, %mul3A_265 : i32
          %swap3A_267 = arith.index_cast %add3A_266 : i32 to index
          %swap3A_268 = tpu.vector_load %arg19[%swap3A_267] masked %lt3A_250 {strides = array<i32>} : memref<544xi32, #tpu.memory_space<vmem>>, vector<16xi32>, vector<16xi1>
          tpu.vector_store %arg19[%swap3A_267], %get3A_256 masked %lt3A_250 {strides = array<i32>} : memref<544xi32, #tpu.memory_space<vmem>>, vector<16xi32>, vector<16xi1>
          %swap3A_269 = arith.index_cast %add3A_266 : i32 to index
          %swap3A_270 = tpu.vector_load %arg20[%swap3A_269] masked %lt3A_250 {strides = array<i32>} : memref<544xi32, #tpu.memory_space<vmem>>, vector<16xi32>, vector<16xi1>
          tpu.vector_store %arg20[%swap3A_269], %get3A_263 masked %lt3A_250 {strides = array<i32>} : memref<544xi32, #tpu.memory_space<vmem>>, vector<16xi32>, vector<16xi1>
          %scan3A_271 = arith.constant 0 : i32
          scf.yield %scan3A_271 : i32
        }
        %scan3A_242 = arith.constant 34 : i32
        %scan3A_243 = arith.constant 0 : i32
        scf.yield %scan3A_243 : i32
      }
      %scan3A_176 = arith.constant 16 : i32
      %scan3A_177 = arith.constant 0 : i32
      %scan3A_178 = arith.constant 32 : i32
      %scan3A_179 = arith.addi %scan3A_177, %scan3A_178 : i32
      %scan3A_180 = arith.constant 1 : i32
      %scan3A_181:4 = scf.for %scan3A_216 = %scan3A_177 to %scan3A_179 step %scan3A_180 iter_args(%scan3A_217 = %broadcast_in_dim3A_0, %scan3A_218 = %broadcast_in_dim3A_0, %scan3A_219 = %broadcast_in_dim3A_0, %scan3A_220 = %broadcast_in_dim3A_0) -> (vector<16xi32>, vector<16xi32>, vector<16xi32>, vector<16xi32>)  : i32 {
        %mul3A_221 = arith.constant 32 : i32
        %mul3A_222 = arith.muli %arg1, %mul3A_221 : i32
        %add3A_223 = arith.addi %mul3A_222, %scan3A_216 : i32
        %jit3A_224 = arith.constant 16 : i32
        %div3A = arith.divsi %add3A_223, %jit3A_224 : i32
        %sign3A = arith.constant 0 : i32
        %sign3A_225 = arith.cmpi sgt, %add3A_223, %sign3A : i32
        %sign3A_226 = arith.extui %sign3A_225 : i1 to i32
        %sign3A_227 = arith.constant 0 : i32
        %sign3A_228 = arith.cmpi slt, %add3A_223, %sign3A_227 : i32
        %sign3A_229 = arith.extui %sign3A_228 : i1 to i32
        %sign3A_230 = arith.subi %sign3A_226, %sign3A_229 : i32
        %sign3A_231 = arith.constant 0 : i32
        %sign3A_232 = arith.cmpi sgt, %jit3A_224, %sign3A_231 : i32
        %sign3A_233 = arith.extui %sign3A_232 : i1 to i32
        %sign3A_234 = arith.constant 0 : i32
        %sign3A_235 = arith.cmpi slt, %jit3A_224, %sign3A_234 : i32
        %sign3A_236 = arith.extui %sign3A_235 : i1 to i32
        %sign3A_237 = arith.subi %sign3A_233, %sign3A_236 : i32
        %ne3A = arith.cmpi ne, %sign3A_230, %sign3A_237 : i32
        %rem3A = arith.remsi %add3A_223, %jit3A_224 : i32
        %ne3A_238 = arith.constant 0 : i32
        %ne3A_239 = arith.cmpi ne, %rem3A, %ne3A_238 : i32
        %and3A = arith.andi %ne3A, %ne3A_239 : i1
        %sub3A_240 = arith.constant 1 : i32
        %sub3A_241 = arith.subi %div3A, %sub3A_240 : i32
        %select_n3A_242 = arith.select %and3A, %sub3A_241, %div3A : i32
        %mul3A_243 = arith.constant 16 : i32
        %mul3A_244 = arith.muli %select_n3A_242, %mul3A_243 : i32
        %sub3A_245 = arith.subi %add3A_223, %mul3A_244 : i32
        %mul3A_246 = arith.constant 16 : i32
        %mul3A_247 = arith.muli %select_n3A_242, %mul3A_246 : i32
        %get3A = arith.index_cast %mul3A_247 : i32 to index
        %get3A_248 = tpu.vector_load %arg20[%get3A] {strides = array<i32>} : memref<544xi32, #tpu.memory_space<vmem>>, vector<16xi32>,
        %mul3A_249 = arith.constant 16 : i32
        %mul3A_250 = arith.muli %select_n3A_242, %mul3A_249 : i32
        %get3A_251 = arith.index_cast %mul3A_250 : i32 to index
        %get3A_252 = tpu.vector_load %arg19[%get3A_251] {strides = array<i32>} : memref<544xi32, #tpu.memory_space<vmem>>, vector<16xi32>,
        %eq3A_253 = vector.broadcast %sub3A_245 : i32 to vector<16xi32>
        %eq3A_254 = arith.cmpi eq, %iota3A, %eq3A_253 : vector<16xi32>
        %jit3A_255 = arith.constant 0 : i32
        %broadcast_in_dim3A_256 = vector.broadcast %jit3A_255 : i32 to vector<16xi32>
        %select_n3A_257 = arith.select %eq3A_254, %get3A_248, %broadcast_in_dim3A_256 : vector<16xi1>, vector<16xi32>
        %reduce_sum3A_258 = arith.constant true
        %reduce_sum3A_259 = vector.broadcast %reduce_sum3A_258 : i1 to vector<16xi1>
        %reduce_sum3A_260 = tpu.scan <sum>, %select_n3A_257 masked %reduce_sum3A_259 : vector<16xi32>, vector<16xi1> -> vector<16xi32>
        %reduce_sum3A_261 = vector.extract %reduce_sum3A_260[15] : i32 from vector<16xi32>
        %eq3A_262 = vector.broadcast %sub3A_245 : i32 to vector<16xi32>
        %eq3A_263 = arith.cmpi eq, %iota3A, %eq3A_262 : vector<16xi32>
        %jit3A_264 = arith.constant 0 : i32
        %broadcast_in_dim3A_265 = vector.broadcast %jit3A_264 : i32 to vector<16xi32>
        %select_n3A_266 = arith.select %eq3A_263, %get3A_252, %broadcast_in_dim3A_265 : vector<16xi1>, vector<16xi32>
        %reduce_sum3A_267 = arith.constant true
        %reduce_sum3A_268 = vector.broadcast %reduce_sum3A_267 : i1 to vector<16xi1>
        %reduce_sum3A_269 = tpu.scan <sum>, %select_n3A_266 masked %reduce_sum3A_268 : vector<16xi32>, vector<16xi1> -> vector<16xi32>
        %reduce_sum3A_270 = vector.extract %reduce_sum3A_269[15] : i32 from vector<16xi32>
        %scan3A_271 = arith.constant 0 : i32
        %scan3A_272 = arith.constant 0 : i32
        %scan3A_273 = arith.constant 34 : i32
        %scan3A_274 = arith.addi %scan3A_272, %scan3A_273 : i32
        %scan3A_275 = arith.constant 1 : i32
        %scan3A_276 = scf.for %scan3A_305 = %scan3A_272 to %scan3A_274 step %scan3A_275 iter_args(%scan3A_306 = %scan3A_271) -> (i32)  : i32 {
          %mul3A_307 = arith.constant 16 : i32
          %mul3A_308 = arith.muli %scan3A_305, %mul3A_307 : i32
          %get3A_309 = arith.index_cast %mul3A_308 : i32 to index
          %get3A_310 = tpu.vector_load %arg20[%get3A_309] {strides = array<i32>} : memref<544xi32, #tpu.memory_space<vmem>>, vector<16xi32>,
          %mul3A_311 = arith.constant 16 : i32
          %mul3A_312 = arith.muli %scan3A_305, %mul3A_311 : i32
          %get3A_313 = arith.index_cast %mul3A_312 : i32 to index
          %get3A_314 = tpu.vector_load %arg19[%get3A_313] {strides = array<i32>} : memref<544xi32, #tpu.memory_space<vmem>>, vector<16xi32>,
          %gt3A_315 = vector.broadcast %reduce_sum3A_261 : i32 to vector<16xi32>
          %gt3A_316 = arith.cmpi sgt, %get3A_310, %gt3A_315 : vector<16xi32>
          %convert_element_type3A_317 = arith.extui %gt3A_316 : vector<16xi1> to vector<16xi32>
          %eq3A_318 = vector.broadcast %reduce_sum3A_261 : i32 to vector<16xi32>
          %eq3A_319 = arith.cmpi eq, %get3A_310, %eq3A_318 : vector<16xi32>
          %lt3A_320 = vector.broadcast %reduce_sum3A_270 : i32 to vector<16xi32>
          %lt3A_321 = arith.cmpi slt, %get3A_314, %lt3A_320 : vector<16xi32>
          %and3A_322 = arith.andi %eq3A_319, %lt3A_321 : vector<16xi1>
          %convert_element_type3A_323 = arith.extui %and3A_322 : vector<16xi1> to vector<16xi32>
          %add3A_324 = arith.addi %convert_element_type3A_317, %convert_element_type3A_323 : vector<16xi32>
          %reduce_sum3A_325 = arith.constant true
          %reduce_sum3A_326 = vector.broadcast %reduce_sum3A_325 : i1 to vector<16xi1>
          %reduce_sum3A_327 = tpu.scan <sum>, %add3A_324 masked %reduce_sum3A_326 : vector<16xi32>, vector<16xi1> -> vector<16xi32>
          %reduce_sum3A_328 = vector.extract %reduce_sum3A_327[15] : i32 from vector<16xi32>
          %add3A_329 = arith.addi %scan3A_306, %reduce_sum3A_328 : i32
          scf.yield %add3A_329 : i32
        }
        %scan3A_277 = arith.constant 34 : i32
        %gt3A = arith.constant 512 : i32
        %gt3A_278 = arith.cmpi sgt, %scan3A_95#1, %gt3A : i32
        %select_n3A_279 = arith.select %gt3A_278, %scan3A_276, %add3A_223 : i32
        %lt3A = arith.cmpi slt, %add3A_223, %reduce_sum3A_119 : i32
        %add3A_280 = arith.constant 655360 : i32
        %add3A_281 = arith.addi %add3A_280, %add3A_223 : i32
        %select_n3A_282 = arith.select %lt3A, %reduce_sum3A_270, %add3A_281 : i32
        %and3A_283 = arith.constant 15 : i32
        %and3A_284 = arith.andi %scan3A_216, %and3A_283 : i32
        %eq3A_285 = vector.broadcast %and3A_284 : i32 to vector<16xi32>
        %eq3A_286 = arith.cmpi eq, %iota3A, %eq3A_285 : vector<16xi32>
        %convert_element_type3A = arith.extui %eq3A_286 : vector<16xi1> to vector<16xi32>
        %lt3A_287 = arith.constant 16 : i32
        %lt3A_288 = arith.cmpi slt, %scan3A_216, %lt3A_287 : i32
        %mul3A_289 = vector.broadcast %select_n3A_279 : i32 to vector<16xi32>
        %mul3A_290 = arith.muli %mul3A_289, %convert_element_type3A : vector<16xi32>
        %select_n3A_291 = arith.select %lt3A_288, %mul3A_290, %broadcast_in_dim3A_0 : vector<16xi32>
        %add3A_292 = arith.addi %scan3A_217, %select_n3A_291 : vector<16xi32>
        %mul3A_293 = vector.broadcast %select_n3A_282 : i32 to vector<16xi32>
        %mul3A_294 = arith.muli %mul3A_293, %convert_element_type3A : vector<16xi32>
        %select_n3A_295 = arith.select %lt3A_288, %mul3A_294, %broadcast_in_dim3A_0 : vector<16xi32>
        %add3A_296 = arith.addi %scan3A_218, %select_n3A_295 : vector<16xi32>
        %mul3A_297 = vector.broadcast %select_n3A_279 : i32 to vector<16xi32>
        %mul3A_298 = arith.muli %mul3A_297, %convert_element_type3A : vector<16xi32>
        %select_n3A_299 = arith.select %lt3A_288, %broadcast_in_dim3A_0, %mul3A_298 : vector<16xi32>
        %add3A_300 = arith.addi %scan3A_219, %select_n3A_299 : vector<16xi32>
        %mul3A_301 = vector.broadcast %select_n3A_282 : i32 to vector<16xi32>
        %mul3A_302 = arith.muli %mul3A_301, %convert_element_type3A : vector<16xi32>
        %select_n3A_303 = arith.select %lt3A_288, %broadcast_in_dim3A_0, %mul3A_302 : vector<16xi32>
        %add3A_304 = arith.addi %scan3A_220, %select_n3A_303 : vector<16xi32>
        scf.yield %add3A_292, %add3A_296, %add3A_300, %add3A_304 : vector<16xi32>, vector<16xi32>, vector<16xi32>, vector<16xi32>
      }
      %scan3A_182 = arith.constant 32 : i32
      %swap3A = arith.constant 0 : i32
      %swap3A_183 = arith.index_cast %swap3A : i32 to index
      %swap3A_184 = arith.constant 0 : index
      %swap3A_185 = tpu.vector_load %arg21[%swap3A_183, %swap3A_184] {strides = array<i32>} : memref<2x16xi32, #tpu.memory_space<vmem>>, vector<16xi32>,
      tpu.vector_store %arg21[%swap3A_183, %swap3A_184], %scan3A_181#0 {strides = array<i32>} : memref<2x16xi32, #tpu.memory_space<vmem>>, vector<16xi32>,
      %swap3A_186 = arith.constant 1 : i32
      %swap3A_187 = arith.index_cast %swap3A_186 : i32 to index
      %swap3A_188 = arith.constant 0 : index
      %swap3A_189 = tpu.vector_load %arg21[%swap3A_187, %swap3A_188] {strides = array<i32>} : memref<2x16xi32, #tpu.memory_space<vmem>>, vector<16xi32>,
      tpu.vector_store %arg21[%swap3A_187, %swap3A_188], %scan3A_181#2 {strides = array<i32>} : memref<2x16xi32, #tpu.memory_space<vmem>>, vector<16xi32>,
      %swap3A_190 = arith.constant 0 : i32
      %swap3A_191 = arith.index_cast %swap3A_190 : i32 to index
      %swap3A_192 = arith.constant 0 : index
      %swap3A_193 = tpu.vector_load %arg22[%swap3A_191, %swap3A_192] {strides = array<i32>} : memref<2x16xi32, #tpu.memory_space<vmem>>, vector<16xi32>,
      tpu.vector_store %arg22[%swap3A_191, %swap3A_192], %scan3A_181#1 {strides = array<i32>} : memref<2x16xi32, #tpu.memory_space<vmem>>, vector<16xi32>,
      %swap3A_194 = arith.constant 1 : i32
      %swap3A_195 = arith.index_cast %swap3A_194 : i32 to index
      %swap3A_196 = arith.constant 0 : index
      %swap3A_197 = tpu.vector_load %arg22[%swap3A_195, %swap3A_196] {strides = array<i32>} : memref<2x16xi32, #tpu.memory_space<vmem>>, vector<16xi32>,
      tpu.vector_store %arg22[%swap3A_195, %swap3A_196], %scan3A_181#3 {strides = array<i32>} : memref<2x16xi32, #tpu.memory_space<vmem>>, vector<16xi32>,
      %scan3A_198 = arith.constant 0 : i32
      %scan3A_199 = arith.constant 0 : i32
      %scan3A_200 = arith.constant 5 : i32
      %scan3A_201 = arith.addi %scan3A_199, %scan3A_200 : i32
      %scan3A_202 = arith.constant 1 : i32
      %scan3A_203 = scf.for %scan3A_216 = %scan3A_199 to %scan3A_201 step %scan3A_202 iter_args(%scan3A_217 = %scan3A_198) -> (i32)  : i32 {
        %mul3A_218 = arith.constant 40960 : i32
        %mul3A_219 = arith.muli %arg1, %mul3A_218 : i32
        %mul3A_220 = arith.constant 8192 : i32
        %mul3A_221 = arith.muli %scan3A_216, %mul3A_220 : i32
        %add3A_222 = arith.addi %mul3A_219, %mul3A_221 : i32
        %dma_wait3A_223 = tpu.memref_slice %arg23[%add3A_222] : memref<656384xi32, #tpu.memory_space<vmem_shared>> -> memref<8192xi32, #tpu.memory_space<vmem_shared>>
        %dma_wait3A_224 = tpu.memref_slice %arg23[%add3A_222] : memref<656384xi32, #tpu.memory_space<vmem_shared>> -> memref<8192xi32, #tpu.memory_space<vmem_shared>>
        tpu.wait_dma2 semaphore(%arg27 : memref<!tpu.dma_semaphore, #tpu.memory_space<semaphore_mem>>) src(%arg8 : memref<8192xi32, #tpu.memory_space<vmem>>) dst(%dma_wait3A_224 : memref<8192xi32, #tpu.memory_space<vmem_shared>>)
        %scan3A_225 = arith.constant 0 : i32
        scf.yield %scan3A_225 : i32
      }
      %scan3A_204 = arith.constant 5 : i32
      %barrier3A_205 = arith.constant 0 : index
      tpu.barrier barrier_id(%barrier3A_205)
      %run_scoped3A = arith.constant 0 : i32
      %run_scoped3A_206 = arith.constant 0 : i32
      "tpu.region"() ({
        %run_scoped3A_216 = tpu.sem_alloc : memref<!tpu.dma_semaphore, #tpu.memory_space<semaphore_mem>>
        %dma_start3A_217 = arith.constant 0 : i32
        %dma_start3A_218 = tpu.memref_slice %arg21[%run_scoped3A, %dma_start3A_217] : memref<2x16xi32, #tpu.memory_space<vmem>> -> memref<1x16xi32, #tpu.memory_space<vmem>>
        %dma_start3A_219 = tpu.memref_squeeze %dma_start3A_218 : memref<1x16xi32, #tpu.memory_space<vmem>> -> memref<16xi32, #tpu.memory_space<vmem>>
        %dma_start3A_220 = arith.constant 0 : i32
        %dma_start3A_221 = tpu.memref_slice %arg22[%run_scoped3A_206, %dma_start3A_220] : memref<2x16xi32, #tpu.memory_space<vmem>> -> memref<1x16xi32, #tpu.memory_space<vmem>>
        %dma_start3A_222 = tpu.memref_squeeze %dma_start3A_221 : memref<1x16xi32, #tpu.memory_space<vmem>> -> memref<16xi32, #tpu.memory_space<vmem>>
        %dma_start3A_223 = arith.constant 0 : i32
        %dma_start3A_224 = tpu.memref_slice %arg23[%dma_start3A_223] : memref<656384xi32, #tpu.memory_space<vmem_shared>> -> memref<656384xi32, #tpu.memory_space<vmem_shared>>
        tpu.enqueue_indirect_dma source(%dma_start3A_219 : memref<16xi32, #tpu.memory_space<vmem>>) target(%dma_start3A_224 : memref<656384xi32, #tpu.memory_space<vmem_shared>>) offsets(%dma_start3A_222 : memref<16xi32, #tpu.memory_space<vmem>>) semaphore(%run_scoped3A_216 : memref<!tpu.dma_semaphore, #tpu.memory_space<semaphore_mem>>)
        %dma_wait3A_225 = arith.constant 0 : i32
        %dma_wait3A_226 = tpu.memref_slice %arg21[%run_scoped3A, %dma_wait3A_225] : memref<2x16xi32, #tpu.memory_space<vmem>> -> memref<1x16xi32, #tpu.memory_space<vmem>>
        %dma_wait3A_227 = tpu.memref_squeeze %dma_wait3A_226 : memref<1x16xi32, #tpu.memory_space<vmem>> -> memref<16xi32, #tpu.memory_space<vmem>>
        %dma_wait3A_228 = arith.constant 0 : i32
        %dma_wait3A_229 = tpu.memref_slice %arg22[%run_scoped3A_206, %dma_wait3A_228] : memref<2x16xi32, #tpu.memory_space<vmem>> -> memref<1x16xi32, #tpu.memory_space<vmem>>
        %dma_wait3A_230 = tpu.memref_squeeze %dma_wait3A_229 : memref<1x16xi32, #tpu.memory_space<vmem>> -> memref<16xi32, #tpu.memory_space<vmem>>
        %dma_wait3A_231 = arith.constant 0 : i32
        %dma_wait3A_232 = tpu.memref_slice %arg23[%dma_wait3A_231] : memref<656384xi32, #tpu.memory_space<vmem_shared>> -> memref<656384xi32, #tpu.memory_space<vmem_shared>>
        tpu.wait_indirect_dma semaphore(%run_scoped3A_216 : memref<!tpu.dma_semaphore, #tpu.memory_space<semaphore_mem>>) src(%dma_wait3A_227 : memref<16xi32, #tpu.memory_space<vmem>>) dst(%dma_wait3A_232 : memref<656384xi32, #tpu.memory_space<vmem_shared>>)
        tpu.yield
      }) : () -> ()
      %run_scoped3A_207 = arith.constant 1 : i32
      %run_scoped3A_208 = arith.constant 1 : i32
      "tpu.region"() ({
        %run_scoped3A_216 = tpu.sem_alloc : memref<!tpu.dma_semaphore, #tpu.memory_space<semaphore_mem>>
        %dma_start3A_217 = arith.constant 0 : i32
        %dma_start3A_218 = tpu.memref_slice %arg21[%run_scoped3A_207, %dma_start3A_217] : memref<2x16xi32, #tpu.memory_space<vmem>> -> memref<1x16xi32, #tpu.memory_space<vmem>>
        %dma_start3A_219 = tpu.memref_squeeze %dma_start3A_218 : memref<1x16xi32, #tpu.memory_space<vmem>> -> memref<16xi32, #tpu.memory_space<vmem>>
        %dma_start3A_220 = arith.constant 0 : i32
        %dma_start3A_221 = tpu.memref_slice %arg22[%run_scoped3A_208, %dma_start3A_220] : memref<2x16xi32, #tpu.memory_space<vmem>> -> memref<1x16xi32, #tpu.memory_space<vmem>>
        %dma_start3A_222 = tpu.memref_squeeze %dma_start3A_221 : memref<1x16xi32, #tpu.memory_space<vmem>> -> memref<16xi32, #tpu.memory_space<vmem>>
        %dma_start3A_223 = arith.constant 0 : i32
        %dma_start3A_224 = tpu.memref_slice %arg23[%dma_start3A_223] : memref<656384xi32, #tpu.memory_space<vmem_shared>> -> memref<656384xi32, #tpu.memory_space<vmem_shared>>
        tpu.enqueue_indirect_dma source(%dma_start3A_219 : memref<16xi32, #tpu.memory_space<vmem>>) target(%dma_start3A_224 : memref<656384xi32, #tpu.memory_space<vmem_shared>>) offsets(%dma_start3A_222 : memref<16xi32, #tpu.memory_space<vmem>>) semaphore(%run_scoped3A_216 : memref<!tpu.dma_semaphore, #tpu.memory_space<semaphore_mem>>)
        %dma_wait3A_225 = arith.constant 0 : i32
        %dma_wait3A_226 = tpu.memref_slice %arg21[%run_scoped3A_207, %dma_wait3A_225] : memref<2x16xi32, #tpu.memory_space<vmem>> -> memref<1x16xi32, #tpu.memory_space<vmem>>
        %dma_wait3A_227 = tpu.memref_squeeze %dma_wait3A_226 : memref<1x16xi32, #tpu.memory_space<vmem>> -> memref<16xi32, #tpu.memory_space<vmem>>
        %dma_wait3A_228 = arith.constant 0 : i32
        %dma_wait3A_229 = tpu.memref_slice %arg22[%run_scoped3A_208, %dma_wait3A_228] : memref<2x16xi32, #tpu.memory_space<vmem>> -> memref<1x16xi32, #tpu.memory_space<vmem>>
        %dma_wait3A_230 = tpu.memref_squeeze %dma_wait3A_229 : memref<1x16xi32, #tpu.memory_space<vmem>> -> memref<16xi32, #tpu.memory_space<vmem>>
        %dma_wait3A_231 = arith.constant 0 : i32
        %dma_wait3A_232 = tpu.memref_slice %arg23[%dma_wait3A_231] : memref<656384xi32, #tpu.memory_space<vmem_shared>> -> memref<656384xi32, #tpu.memory_space<vmem_shared>>
        tpu.wait_indirect_dma semaphore(%run_scoped3A_216 : memref<!tpu.dma_semaphore, #tpu.memory_space<semaphore_mem>>) src(%dma_wait3A_227 : memref<16xi32, #tpu.memory_space<vmem>>) dst(%dma_wait3A_232 : memref<656384xi32, #tpu.memory_space<vmem_shared>>)
        tpu.yield
      }) : () -> ()
      %barrier3A_209 = arith.constant 0 : index
      tpu.barrier barrier_id(%barrier3A_209)
      "tpu.region"() ({
        %run_scoped3A_216 = tpu.sem_alloc : memref<!tpu.dma_semaphore, #tpu.memory_space<semaphore_mem>>
        %dma_start3A_217 = arith.constant 0 : i32
        %dma_start3A_218 = tpu.memref_slice %arg23[%dma_start3A_217] : memref<656384xi32, #tpu.memory_space<vmem_shared>> -> memref<656384xi32, #tpu.memory_space<vmem_shared>>
        tpu.enqueue_indirect_dma source(%dma_start3A_218 : memref<656384xi32, #tpu.memory_space<vmem_shared>>) target(%arg7 : memref<6272xi32, #tpu.memory_space<vmem>>) offsets(%arg5 : memref<6272xi32, #tpu.memory_space<vmem>>) semaphore(%run_scoped3A_216 : memref<!tpu.dma_semaphore, #tpu.memory_space<semaphore_mem>>)
        %dma_wait3A_219 = arith.constant 0 : i32
        %dma_wait3A_220 = tpu.memref_slice %arg23[%dma_wait3A_219] : memref<656384xi32, #tpu.memory_space<vmem_shared>> -> memref<656384xi32, #tpu.memory_space<vmem_shared>>
        tpu.wait_indirect_dma semaphore(%run_scoped3A_216 : memref<!tpu.dma_semaphore, #tpu.memory_space<semaphore_mem>>) src(%dma_wait3A_220 : memref<656384xi32, #tpu.memory_space<vmem_shared>>) dst(%arg7 : memref<6272xi32, #tpu.memory_space<vmem>>)
        tpu.yield
      }) : () -> ()
      %mul3A_210 = arith.constant 16 : i32
      %mul3A_211 = arith.muli %add3A, %mul3A_210 : i32
      %add3A_212 = arith.addi %mul3A_211, %arg1 : i32
      %mul3A_213 = arith.constant 6272 : i32
      %mul3A_214 = arith.muli %add3A_212, %mul3A_213 : i32
      "tpu.region"() ({
        %run_scoped3A_216 = tpu.sem_alloc : memref<!tpu.dma_semaphore, #tpu.memory_space<semaphore_mem>>
        %dma_start3A_217 = tpu.memref_slice %arg4[%mul3A_214] : memref<802816xi32, #tpu.memory_space<hbm>> -> memref<6272xi32, #tpu.memory_space<hbm>>
        %dma_start3A_218 = tpu.memref_slice %arg4[%mul3A_214] : memref<802816xi32, #tpu.memory_space<hbm>> -> memref<6272xi32, #tpu.memory_space<hbm>>
        tpu.enqueue_dma source(%arg7 : memref<6272xi32, #tpu.memory_space<vmem>>) target(%dma_start3A_218 : memref<6272xi32, #tpu.memory_space<hbm>>) target_semaphore(%run_scoped3A_216 : memref<!tpu.dma_semaphore, #tpu.memory_space<semaphore_mem>>)
        %dma_wait3A_219 = tpu.memref_slice %arg4[%mul3A_214] : memref<802816xi32, #tpu.memory_space<hbm>> -> memref<6272xi32, #tpu.memory_space<hbm>>
        %dma_wait3A_220 = tpu.memref_slice %arg4[%mul3A_214] : memref<802816xi32, #tpu.memory_space<hbm>> -> memref<6272xi32, #tpu.memory_space<hbm>>
        tpu.wait_dma2 semaphore(%run_scoped3A_216 : memref<!tpu.dma_semaphore, #tpu.memory_space<semaphore_mem>>) src(%arg7 : memref<6272xi32, #tpu.memory_space<vmem>>) dst(%dma_wait3A_220 : memref<6272xi32, #tpu.memory_space<hbm>>)
        tpu.yield
      }) : () -> ()
      %barrier3A_215 = arith.constant 0 : index
      tpu.barrier barrier_id(%barrier3A_215)
    }
    %scan3A_11 = arith.constant 4 : i32
    return
  }
}

module attributes {stable_mosaic.version = 14 : i64} {
  func.func @_ids_body(%arg0: memref<6250x128xf32, #tpu.memory_space<vmem>>, %arg1: memref<6250x128xf32, #tpu.memory_space<vmem>>, %arg2: memref<6250x128xf32, #tpu.memory_space<vmem>>, %arg3: memref<6250x128xi32, #tpu.memory_space<vmem>>) attributes {dimension_semantics = [], scalar_prefetch = 0 : i64, scratch_operands = 0 : i64, tpu.core_type = #tpu.core_type<tc>} {
    %get3A = arith.constant 0 : index
    %get3A_0 = arith.constant 0 : index
    %get3A_1 = vector.load %arg0[%get3A, %get3A_0] : memref<6250x128xf32, #tpu.memory_space<vmem>>, vector<6250x128xf32>
    %div3A = arith.constant 2.000000e-01 : f32
    %div3A_2 = vector.broadcast %div3A : f32 to vector<6250x128xf32>
    %div3A_3 = arith.divf %get3A_1, %div3A_2 : vector<6250x128xf32>
    %convert_element_type3A = arith.fptosi %div3A_3 : vector<6250x128xf32> to vector<6250x128xi32>
    %get3A_4 = arith.constant 0 : index
    %get3A_5 = arith.constant 0 : index
    %get3A_6 = vector.load %arg1[%get3A_4, %get3A_5] : memref<6250x128xf32, #tpu.memory_space<vmem>>, vector<6250x128xf32>
    %div3A_7 = arith.constant 2.000000e-01 : f32
    %div3A_8 = vector.broadcast %div3A_7 : f32 to vector<6250x128xf32>
    %div3A_9 = arith.divf %get3A_6, %div3A_8 : vector<6250x128xf32>
    %convert_element_type3A_10 = arith.fptosi %div3A_9 : vector<6250x128xf32> to vector<6250x128xi32>
    %get3A_11 = arith.constant 0 : index
    %get3A_12 = arith.constant 0 : index
    %get3A_13 = vector.load %arg2[%get3A_11, %get3A_12] : memref<6250x128xf32, #tpu.memory_space<vmem>>, vector<6250x128xf32>
    %div3A_14 = arith.constant 2.000000e-01 : f32
    %div3A_15 = vector.broadcast %div3A_14 : f32 to vector<6250x128xf32>
    %div3A_16 = arith.divf %get3A_13, %div3A_15 : vector<6250x128xf32>
    %convert_element_type3A_17 = arith.fptosi %div3A_16 : vector<6250x128xf32> to vector<6250x128xi32>
    %mul3A = arith.constant 10000 : i32
    %mul3A_18 = vector.broadcast %mul3A : i32 to vector<6250x128xi32>
    %mul3A_19 = arith.muli %convert_element_type3A, %mul3A_18 : vector<6250x128xi32>
    %mul3A_20 = arith.constant 100 : i32
    %mul3A_21 = vector.broadcast %mul3A_20 : i32 to vector<6250x128xi32>
    %mul3A_22 = arith.muli %convert_element_type3A_10, %mul3A_21 : vector<6250x128xi32>
    %add3A = arith.addi %mul3A_19, %mul3A_22 : vector<6250x128xi32>
    %add3A_23 = arith.addi %add3A, %convert_element_type3A_17 : vector<6250x128xi32>
    %add3A_24 = arith.constant 327680 : i32
    %add3A_25 = vector.broadcast %add3A_24 : i32 to vector<6250x128xi32>
    %add3A_26 = arith.addi %add3A_23, %add3A_25 : vector<6250x128xi32>
    %jit3A = arith.constant 0 : i32
    %jit3A_27 = arith.constant 655359 : i32
    %max3A = vector.broadcast %jit3A : i32 to vector<6250x128xi32>
    %max3A_28 = arith.maxsi %max3A, %add3A_26 : vector<6250x128xi32>
    %min3A = vector.broadcast %jit3A_27 : i32 to vector<6250x128xi32>
    %min3A_29 = arith.minsi %min3A, %max3A_28 : vector<6250x128xi32>
    %swap3A = arith.constant 0 : index
    %swap3A_30 = arith.constant 0 : index
    %swap3A_31 = vector.load %arg3[%swap3A, %swap3A_30] : memref<6250x128xi32, #tpu.memory_space<vmem>>, vector<6250x128xi32>
    tpu.vector_store %arg3[%swap3A, %swap3A_30], %min3A_29 {strides = array<i32>} : memref<6250x128xi32, #tpu.memory_space<vmem>>, vector<6250x128xi32>,
    return
  }
}

</mosaic_0001>

<sc_bundles>
// kernel: kernel.4.cloned.1.call-start
scs
__scs_entry_jumppad:
0x0: {  	(pc) =	sbr.rel $0x88, $3  }
0x1: {  	(tag) =	ssettag $0x0;
	lr =	simm.s32 $0x1  }
0x2: {  	[smem:$0x3FA0] =	sst lr;
	_ =	strace $0xD0000000  }
0x3: {  	_ = 	snop  }
0x4: {  	_ = 	snop  }
0x5: {  	_ = 	snop  }
0x6: {  	_ = 	snop  }
0x7: {  	_ = 	snop  }
__scs_overlays_trampoline_lowered:
0x8: {  	[smem:$0x3FAF] =	sst s0  }
0x9: {  	[smem:$0x3FB0] =	sst s1  }
0xa: {  	[smem:$0x3FB1] =	sst s2  }
0xb: {  	[smem:$0x3FB2] =	sst s3  }
0xc: {  	[smem:$0x3FB3] =	sst s4  }
0xd: {  	[smem:$0x3FB4] =	sst s5  }
0xe: {  	[smem:$0x3FB5] =	sst s6  }
0xf: {  	[smem:$0x3FB6] =	sst s7  }
0x10: {  	[smem:$0x3FB7] =	sst s8  }
0x11: {  	[smem:$0x3FB8] =	sst s9;
	s0 =	simm.s32 @!p0 $0x0  }
0x12: {  	s1 =	sld [smem:$0x3F9E];
	s0 =	simm.s32 @p0 $0x1  }
0x13: {  	[smem:$0x3FB9] =	sst s0;
	s0 =	simm.s32 @!p1 $0x0  }
0x14: {  	s2 =	sld [smem:$0x3F9D];
	s0 =	simm.s32 @p1 $0x1  }
0x15: {  	[smem:$0x3FBA] =	sst s0;
	s0 =	simm.s32 @!p2 $0x0  }
0x16: {  	s3 =	sld [smem:$0x3FDB];
	s0 =	simm.s32 @p2 $0x1  }
0x17: {  	s4 =	simm.s32 $0x1BF5;
	[smem:$0x3FBC] =	sst s0  }
0x18: {  	s0 =	sld [smem:$0x3F9F];
	_ =	swait.ge [sflag:s4], $0x0  }
0x19: {  	s7 =	sld [smem:$0x3FA0]  }
0x1a: {  	s8 =	sadd.s32 $0xFFFFE003, lr  }
0x1b: {  	s9 =	sadd.s32 $0xFFFFFEF7, lr;
	s5 =	simm.s32 $0xFFFFFFFF;
	p2 =	slt.u32 s8, $0xFFFFF086  }
0x1c: {  	p1 =	slt.u32 s9, $0xF7A;
	s5 =	simm.s32 @!p2 $0x0  }
0x1d: {  	s5 =	simm.s32 @p1 $0x1;
	p0 =	seq.s32 s7, s2  }
0x1e: {  	s7 =	smul.u32 @!p0 $0xF7A, s2;
	p2 =	seq.s32 @!p0 s5, $0x0  }
0x1f: {  	s9 =	smul.u32 $0xF7A, s1;
	s8 =	simm.s32 @!p0 $0x1BF5;
	p2 =	por !p2, p0  }
0x20: {  	[sflag:s8] =	ssyncset.s32 @!p0 $0xFFFFF086;
	s6 =	sadd.s32 @!p0 s3, s7;
	s7 =	simm.s32 @!p0 $0x108  }
0x21: {  	s3 =	sadd.s32 s3, s9;
	s6 =	sadd.s32 @!p0 $0x88, s6;
	s7 =	simm.s32 @p2 $0x1082  }
0x22: {  	[simem:s7], [sflag:s8] =	dma.local @!p0 [hbm:s6], $0xF7A  }
0x23: {  	s9 =	sor.u32 $0xD0000000, s2;
	s6 =	simm.s32 $0x108;
	_ =	swait.ge @!p0 [sflag:s8], $0x0  }
0x24: {  	s3 =	sadd.s32 $0x88, s3;
	s6 =	simm.s32 @!p1 $0x1082;
	[sflag:s4] =	ssyncset.s32 $0xFFFFF086  }
0x25: {  	[simem:s6], [sflag:s4] =	dma.local [hbm:s3], $0xF7A  }
0x26: {  	[smem:$0x3FA0] =	sst s1;
	(tag) =	ssettag s2;
	_ =	strace s9  }
0x27: {  	s1 =	sld [smem:$0x3FB0]  }
0x28: {  	s2 =	sld [smem:$0x3FB1]  }
0x29: {  	s4 =	sld [smem:$0x3FB3]  }
0x2a: {  	p0 =	seq.s32 s5, $0x0;
	s5 =	sld [smem:$0x3FB4]  }
0x2b: {  	s6 =	sld [smem:$0x3FB5]  }
0x2c: {  	s7 =	sld [smem:$0x3FB6]  }
0x2d: {  	s3 =	simm.s32 $0x108;
	s8 =	sld [smem:$0x3FB7]  }
0x2e: {  	s3 =	simm.s32 @!p0 $0x1082;
	s9 =	sld [smem:$0x3FB8]  }
0x2f: {  	lr =	sadd.s32 s0, s3;
	s0 =	sld [smem:$0x3FAF]  }
0x30: {  	s3 =	sld [smem:$0x3FB2]  }
0x31: {  	[smem:$0x3FBB] =	sst s10  }
0x32: {  	s10 =	sld [smem:$0x3FB9];
	_ =	sdelay $0x3  }
0x33: {  	p0 =	seq.s32 s10, $0x1;
	s10 =	sld [smem:$0x3FBB];
	_ =	sdelay $0x3  }
0x34: {  	[smem:$0x3FBB] =	sst s10  }
0x35: {  	s10 =	sld [smem:$0x3FBA];
	_ =	sdelay $0x3  }
0x36: {  	p1 =	seq.s32 s10, $0x1;
	s10 =	sld [smem:$0x3FBB];
	_ =	sdelay $0x3  }
0x37: {  	[smem:$0x3FBB] =	sst s10  }
0x38: {  	s10 =	sld [smem:$0x3FBC]  }
0x39: {  	_ = 	snop;
	(pc) =	sbr.ind lr, $3  }
0x3a: {  	_ = 	snop  }
0x3b: {  	_ = 	snop  }
0x3c: {  	p2 =	seq.s32 s10, $0x1;
	s10 =	sld [smem:$0x3FBB]  }
0x3d: {  	_ =	shalt  }
0x3e: {  	_ =	shalt  }
0x3f: {  	_ =	shalt  }
0x40: {  	_ =	shalt  }
0x41: {  	_ =	shalt  }
0x42: {  	_ =	shalt  }
0x43: {  	_ =	shalt  }
0x44: {  	_ =	shalt  }
0x45: {  	_ =	shalt  }
0x46: {  	_ =	shalt  }
0x47: {  	_ =	shalt  }
0x48: {  	_ =	shalt  }
0x49: {  	_ =	shalt  }
0x4a: {  	_ =	shalt  }
0x4b: {  	_ =	shalt  }
0x4c: {  	_ =	shalt  }
0x4d: {  	_ =	shalt  }
0x4e: {  	_ =	shalt  }
0x4f: {  	_ =	shalt  }
0x50: {  	_ =	shalt  }
0x51: {  	_ =	shalt  }
0x52: {  	_ =	shalt  }
0x53: {  	_ =	shalt  }
0x54: {  	_ =	shalt  }
0x55: {  	_ =	shalt  }
0x56: {  	_ =	shalt  }
0x57: {  	_ =	shalt  }
0x58: {  	_ =	shalt  }
0x59: {  	_ =	shalt  }
0x5a: {  	_ =	shalt  }
0x5b: {  	_ =	shalt  }
0x5c: {  	_ =	shalt  }
0x5d: {  	_ =	shalt  }
0x5e: {  	_ =	shalt  }
0x5f: {  	_ =	shalt  }
0x60: {  	_ =	shalt  }
0x61: {  	_ =	shalt  }
0x62: {  	_ =	shalt  }
0x63: {  	_ =	shalt  }
0x64: {  	_ =	shalt  }
0x65: {  	_ =	shalt  }
0x66: {  	_ =	shalt  }
0x67: {  	_ =	shalt  }
0x68: {  	_ =	shalt  }
0x69: {  	_ =	shalt  }
0x6a: {  	_ =	shalt  }
0x6b: {  	_ =	shalt  }
0x6c: {  	_ =	shalt  }
0x6d: {  	_ =	shalt  }
0x6e: {  	_ =	shalt  }
0x6f: {  	_ =	shalt  }
0x70: {  	_ =	shalt  }
0x71: {  	_ =	shalt  }
0x72: {  	_ =	shalt  }
0x73: {  	_ =	shalt  }
0x74: {  	_ =	shalt  }
0x75: {  	_ =	shalt  }
0x76: {  	_ =	shalt  }
0x77: {  	_ =	shalt  }
0x78: {  	_ =	shalt  }
0x79: {  	_ =	shalt  }
0x7a: {  	_ =	shalt  }
0x7b: {  	_ =	shalt  }
0x7c: {  	_ =	shalt  }
0x7d: {  	_ =	shalt  }
0x7e: {  	_ =	shalt  }
0x7f: {  	_ =	shalt  }
0x80: {  	_ =	shalt  }
0x81: {  	_ =	shalt  }
0x82: {  	_ =	shalt  }
0x83: {  	_ =	shalt  }
0x84: {  	_ =	shalt  }
0x85: {  	_ =	shalt  }
0x86: {  	_ =	shalt  }
0x87: {  	_ =	shalt  }
.Lfunc_end0:
.L_simem_size_0:
called_computation_lowered:
.L_overlay_start_0:
0x88: {  	s2 =	sld [smem:$0x3FD9]  }
0x89: {  	s3 =	sld [smem:$0x3FFE];
	_ =	sdelay $0x1  }
0x8a: {  	s1 =	srdreg.scid  }
0x8b: {  	s0 =	sand.u32 $0x1, s1  }
0x8c: {  	s17 =	sshll.u32 s0, $0xA;
	s2 =	sadd.s32 s3, s2  }
0x8d: {  	s2 =	sadd.s32 s2, s17  }
0x8e: {  	[smem:$0x3FC7] =	sst s2  }
0x8f: {  	_ = 	snop  }
0x90: {  	s2 =	sld [smem:$0x3FD0];
	(tm) =	ssettm $0x1  }
0x91: {  	s18 =	sld [smem:$0x3FFB];
	_ =	sdelay $0x3  }
0x92: {  	_ =	strace s18  }
0x93: {  	s3 =	sld [smem:$0x3FFC];
	_ =	sdelay $0x3  }
0x94: {  	_ =	strace s3  }
0x95: {  	s3 =	sld [smem:$0x3FFD];
	_ =	sdelay $0x3  }
0x96: {  	_ =	strace s3  }
0x97: {  	_ =	strace $0x8FFFFFFF  }
0x98: {  	s19 =	sld [smem:$0x3FDB];
	_ =	sdelay $0x1  }
0x99: {  	s4 =	simm.s32 $_scs_section_size  }
0x9a: {  	s5 =	simm.s32 $_size__tile_overlayer_lowered;
	s6 =	simm.s32 $_tile_overlayer_lowered  }
0x9b: {  	s22 =	simm.s32 $0x1BFF;
	s21 =	sshll.u32 s6, $0x1;
	s3 =	sadd.s32 s4, s19  }
0x9c: {  	s7 =	simm.s32 $0x0;
	s20 =	sshll.u32 s5, $0x1;
	s5 =	sadd.s32 s21, s3  }
0x9d: {  	[timem:s7], [sflag:s22] =	dma.local [hbm:s5], s20  }
0x9e: {  	_ =	swait.ge [sflag:s22], s20  }
0x9f: {  	s4 =	ssub.s32 $0x0, s20;
	[sflag:s22] =	ssyncset.done $0x0  }
0xa0: {  	[sflag:s22] =	ssyncadd.s32 s4;
	_ =	sdelay $0x1  }
0xa1: {  	s23 =	simm.s32 $0x1B8B  }
0xa2: {  	_ =	swait.ge [sflag:s23], $0x1  }
0xa3: {  	[sflag:s23] =	ssyncset.done $0x0  }
0xa4: {  	s25 =	simm.s32 $0x1B8E;
	s24 =	sld [smem:$0x3FFE];
	[sflag:s23] =	ssyncadd.s32 $0xFFFFFFFF  }
0xa5: {  	s26 =	simm.s32 $execute0_lowered;
	[smem:$0x3FD2] =	sst s25  }
0xa6: {  	s5 =	sshll.u32 s26, $0x1;
	_ =	strace $0x80000046;
	[dreg:$0x1] =	wrdreg $0xFFFFFFFF  }
0xa7: {  	s28 =	simm.s32 $_size_execute0_lowered;
	s3 =	sadd.s32 s3, s5;
	[dreg:$0x0] =	wrdreg $0x0  }
0xa8: {  	s5 =	sshll.u32 s28, $0x1;
	[dreg:$0x2] =	wrdreg s3  }
0xa9: {  	[dreg:$0x3] =	wrdreg s5  }
0xaa: {  	[dreg:$0x4] =	wrdreg $0xC0  }
0xab: {  	_ =	task [dreg:s7], $0x5FFFF  }
0xac: {  	[dreg:$0x1] =	wrdreg $0xFFFFFFFF  }
0xad: {  	[dreg:$0x0] =	wrdreg $0x60  }
0xae: {  	[dreg:$0x2] =	wrdreg s24  }
0xaf: {  	[dreg:$0x3] =	wrdreg s2  }
0xb0: {  	[dreg:$0x4] =	wrdreg $0x10C800  }
0xb1: {  	[dreg:$0x5] =	wrdreg $0x1ACC00  }
0xb2: {  	[dreg:$0x6] =	wrdreg $0x1ADC00  }
0xb3: {  	[dreg:$0x7] =	wrdreg $0x1AFE00  }
0xb4: {  	[dreg:$0x8] =	wrdreg $0x9  }
0xb5: {  	_ =	task.clear_ibuf [dreg:s7], $0x9FFFF;
	_ =	strace $0x90000046  }
0xb6: {  	s29 =	simm.s32 $0x9;
	_ =	strace $0x80000048  }
0xb7: {  	_ =	swait.ge [sflag:s29], $0x1  }
0xb8: {  	[sflag:s29] =	ssyncadd.s32 $0xFFFFFFFF  }
0xb9: {  	_ =	strace $0x90000048  }
0xba: {  	_ =	sfence  }
0xbb: {  	s30 =	sld [smem:$0x0];
	_ =	sdelay $0x2  }
0xbc: {  	s31 =	sshll.u32 s1, $0xD;
	s1 =	sshrl.u32 s1, $0x2  }
0xbd: {  	s3 =	sand.u32 $0x4000, s31;
	s1 =	sadd.s32 s1, s30  }
0xbe: {  	s0 =	sor.u32 s3, s0;
	s1 =	sshll.u32 s1, $0x11  }
0xbf: {  	s0 =	sor.u32 s1, s0  }
0xc0: {  	s0 =	sadd.s32 $0x8F2B, s0  }
0xc1: {  	[sflag:s0] =	ssyncadd.remote.s32 $0x1  }
0xc2: {  	_ =	sfence.sel $0xFFFF  }
0xc3: {  	[dreg:$0x0] =	wrdreg $0xFFFFFFFF;
	(pc) =	sbr.abs _section_cstart, $3  }
0xc4: {  	[dreg:$0x1] =	wrdreg $0xFFFFFFFF  }
0xc5: {  	_ =	task.clear_ibuf [dreg:s7], $0x2FFFF;
	_ =	strace $0x9FFFFFFF  }
0xc6: {  	(tm) =	ssettm $0x7FFFFFFF  }
0xc7: {  	_ =	shalt  }
tec
execute0_lowered:
.L_overlay_start_1:
0x0: {  	(tag) =	ssettag $0x1  }
0x1: {  	s0 =	rddreg [dreg:$0x0]  }
0x2: {  	s2 =	rddreg [dreg:$0x1]  }
0x3: {  	s1 =	rddreg [dreg:$0x2]  }
0x4: {  	s5 =	rddreg [dreg:$0x3]  }
0x5: {  	s8 =	rddreg [dreg:$0x4]  }
0x6: {  	s9 =	rddreg [dreg:$0x5];
	s3 =	simm.s32 $0x0  }
0x7: {  	s10 =	simm.s32 $0x0;
	s18 =	srdreg.scid;
	s12 =	stileid.u32  }
0x8: {  	s28 =	simm.s32 $0x6980;
	s29 =	simm.s32 $0x8980;
	s17 =	simm.s32 $0x10  }
0x9: {  	s31 =	simm.s32 $0x3100;
	[smem:$0x7FF] =	sst s3;
	s20 =	smul.u32 $0x310, s12  }
0xa: {  	s4 =	sadd.s32 $0x600, s0;
	s3 =	sand.u32 $0x1, s18;
	s7 =	smul.u32 $0x28000, s12  }
0xb: {  	s0 =	sadd.s32 $0x18E00, s0;
	s23 =	sshll.u32 s12, $0x8;
	s24 =	smul.u32 $0x220, s12  }
0xc: {  	s16 =	sshll.u32 s12, $0x5;
	_ =	strace $0x80000047;
	[dreg:$0x7] =	wrdreg s4  }
0xd: {  	[dreg:$0x8] =	wrdreg s0;
	s19 =	ssub.s32 $0x2, s3;
	s3 =	sshll.u32 s3, $0x6  }
0xe: {  	s25 =	sadd.s32 s23, s5;
	s23 =	simm.s32 $0x3;
	s6 =	sshrl.u32 s19, $0x1  }
0xf: {  	v0 =	vimm.s32 $0xEFCDAB89;
	v1 =	vimm.s32 $0x67452301;
	s2 =	sadd.s32 s2, s20;
	s21 =	sor.u32 s12, s3;
	[dreg:$0xb] =	wrdreg s25  }
0x10: {  	v2 =	vunpack.c.l.s4.s8 v0;
	v1 =	vunpack.c.l.s4.s8 v1;
	s22 =	sshrl.u32 s7, $0x2;
	s3 =	smul.u32 $0xA000, s12;
	[dreg:$0x9] =	wrdreg s2  }
0x11: {  	s26 =	sadd.s32 s24, s8;
	s30 =	sadd.s32 s24, s9;
	[dreg:$0xa] =	wrdreg s21  }
0x12: {  	v0 =	vlaneseq.u32;
	s24 =	simm.s32 $0x4980;
	s25 =	simm.s32 $0x1;
	v4 =	vunpack.c.0.s8.s32 v2;
	v5 =	vunpack.c.0.s8.s32 v1;
	[dreg:$0xc] =	wrdreg s26  }
0x13: {  	v3 =	vimm.s32 $0x1;
	v8 =	vmov s12;
	v1 =	vmul.u32 $0x100, v0;
	s0 =	ssub.s32 s19, s6;
	s11 =	sadd.s32 s22, s1;
	[dreg:$0xd] =	wrdreg s30  }
0x14: {  	v6 =	vmul.u32 $0xFFFFFFFF, v0;
	vm0 =	veq.s32 v8, v0;
	s22 =	simm.s32 $0x1880;
	s26 =	simm.s32 $0x2;
	s2 =	simm.s32 $0x0;
	v7 =	vcombine.low v5, v4  }
0x15: {  	v8 =	vimm.s32 $0xFFFFFFFF;
	v2 =	vimm.s32 $0x0;
	s0 =	smax.u32 s0, $0x1;
	s18 =	sadd.s32 $0x2000, s11;
	s19 =	sadd.s32 $0x4000, s11;
	v4 =	vor.u32 $0x1000, v1  }
0x16: {  	s20 =	sadd.s32 $0x6000, s11;
	s21 =	sadd.s32 $0x8000, s11;
	v5 =	vadd.s32 $0xF, v6;
	v6 =	vor.u32 $0x80000000, v0;
	[dreg:$0xe] =	wrdreg s0;
	v7 =	vand.u32 $0xF, v7  }
.LBB2_1:
0x17: {  	[dreg:$0xf] =	wrdreg s2  }
0x18: {  	s0 =	rddreg [dreg:$0x9]  }
0x19: {  	[tilespmem:s22], [sflag:$0x3] =	stream.linear.gather [hbm4b:s0+s10], $0x1880, $0x38;
	[tilespmem:$0x1B200] =	vst v63  }
0x1a: {  	_ =	swait.ge [sflag:s23], $0x1880  }
0x1b: {  	[sflag:s23] =	ssyncset.done $0x0  }
0x1c: {  	s0 =	simm.s32 $0x0;
	[sflag:s23] =	ssyncadd.s32 $0xFFFFE780  }
.LBB2_2:
0x1d: {  	s2 =	sshll.u32 s0, $0x4;
	s4 =	rddreg [dreg:$0xa]  }
0x1e: {  	s2 =	sadd.s32 s4, s2  }
0x1f: {  	s6 =	smul.u32 $0x310, s2  }
0x20: {  	s15 =	rddreg [dreg:$0x7]  }
0x21: {  	s30 =	simm.s32 $0x0;
	s2 =	sadd.s32 s15, s6  }
0x22: {  	[tilespmem:s30], [sflag:$0x2] =	stream.linear.gather [hbm4b:s2+s30], $0x1880, $0x38;
	[tilespmem:$0x1B200] =	vst v63  }
0x23: {  	s4 =	simm.s32 $0x0;
	s2 =	simm.s32 $0x40  }
.LBB2_3:
0x24: {  	p0 =	sne.s32 s2, $0x7FC0;
	[tilespmem:s4+$0x4980] =	vst v2;
	s4 =	smov.u32 s2;
	s2 =	sadd.s32 $0x40, s2  }
.Ltmp0:
0x25: {  	(pc) =	sbr.rel @p0 .LBB2_3-.Ltmp0, $2  }
0x26: {  	_ =	sdelay $0x2  }
0x27: {  	s4 =	sshra.s32 s4, $0x2  }
0x28: {  	[tilespmem:s4+$0x4980] =	vst v2  }
0x29: {  	[spmem:s11] =	stream.linear.scatter [tilespmem:s24], [sflag:$0x1], $0x2000, $0x38;
	[tilespmem:$0x1B200] =	vst v63  }
0x2a: {  	_ = 	snop  }
0x2b: {  	[spmem:s18] =	stream.linear.scatter [tilespmem:s24], [sflag:$0x1], $0x2000, $0x38;
	[tilespmem:$0x1B200] =	vst v63  }
0x2c: {  	_ = 	snop  }
0x2d: {  	[spmem:s19] =	stream.linear.scatter [tilespmem:s24], [sflag:$0x1], $0x2000, $0x38;
	[tilespmem:$0x1B200] =	vst v63  }
0x2e: {  	_ = 	snop  }
0x2f: {  	[spmem:s20] =	stream.linear.scatter [tilespmem:s24], [sflag:$0x1], $0x2000, $0x38;
	[tilespmem:$0x1B200] =	vst v63  }
0x30: {  	_ = 	snop  }
0x31: {  	[spmem:s21] =	stream.linear.scatter [tilespmem:s24], [sflag:$0x1], $0x2000, $0x38;
	[tilespmem:$0x1B200] =	vst v63  }
0x32: {  	_ =	swait.ge [sflag:s25], $0x2000  }
0x33: {  	[sflag:s25] =	ssyncset.done $0x0  }
0x34: {  	[sflag:s25] =	ssyncadd.s32 $0xFFFFE000  }
0x35: {  	_ =	swait.ge [sflag:s25], $0x2000  }
0x36: {  	[sflag:s25] =	ssyncset.done $0x0  }
0x37: {  	[sflag:s25] =	ssyncadd.s32 $0xFFFFE000  }
0x38: {  	_ =	swait.ge [sflag:s25], $0x2000  }
0x39: {  	[sflag:s25] =	ssyncset.done $0x0  }
0x3a: {  	[sflag:s25] =	ssyncadd.s32 $0xFFFFE000  }
0x3b: {  	_ =	swait.ge [sflag:s25], $0x2000  }
0x3c: {  	[sflag:s25] =	ssyncset.done $0x0  }
0x3d: {  	[sflag:s25] =	ssyncadd.s32 $0xFFFFE000  }
0x3e: {  	_ =	swait.ge [sflag:s25], $0x2000  }
0x3f: {  	[sflag:s25] =	ssyncset.done $0x0  }
0x40: {  	[sflag:s25] =	ssyncadd.s32 $0xFFFFE000  }
0x41: {  	_ =	swait.ge [sflag:s26], $0x1880  }
0x42: {  	[sflag:s26] =	ssyncset.done $0x0  }
0x43: {  	[sflag:s26] =	ssyncadd.s32 $0xFFFFE780  }
0x44: {  	s2 =	simm.s32 $0x0;
	[bflag:$0x0] =	sbarrier.arrive $0xFFFF  }
0x45: {  	[spmem:s1] =	stream.indirect.scatter.add.s32 [tilespmem:s22], [sflag:$0x3], $0x1, s2, s22, $0xb8;
	[tilespmem:$0x1B200] =	vst v63  }
0x46: {  	_ =	swait.ge [sflag:s23], $0x1880  }
0x47: {  	[sflag:s23] =	ssyncset.done $0x0  }
0x48: {  	[sflag:s23] =	ssyncadd.s32 $0xFFFFE780  }
0x49: {  	s4 =	simm.s32 $0x40;
	s7 =	simm.s32 $0x0;
	v10 =	vimm.s32 $0x0;
	[bflag:$0x0] =	sbarrier.arrive $0xFFFF  }
.LBB2_5:
0x4a: {  	p0 =	sne.s32 s4, $0x7FC0;
	[tilespmem:s7+$0x6980] =	vst v10;
	s8 =	smov.u32 s4;
	s4 =	sadd.s32 $0x40, s4  }
.Ltmp1:
0x4b: {  	[tilespmem:s7+$0x8980] =	vst v10;
	(pc) =	sbr.rel @p0 .LBB2_5-.Ltmp1, $2  }
0x4c: {  	_ =	sdelay $0x2  }
0x4d: {  	s7 =	sshra.s32 s8, $0x2  }
0x4e: {  	[tilespmem:s7+$0x6980] =	vst v10  }
0x4f: {  	[tilespmem:s7+$0x8980] =	vst v10;
	v9 =	vmov v10  }
.LBB2_7:
0x50: {  	s4 =	sshll.u32 s2, $0xD  }
0x51: {  	s4 =	sand.u32 $0x3FFFE000, s4  }
0x52: {  	s4 =	sadd.s32 s4, s11  }
0x53: {  	[tilespmem:s24], [sflag:$0x3] =	stream.linear.gather [spmem:s4], $0x2000, $0x38;
	[tilespmem:$0x1B200] =	vst v63  }
0x54: {  	_ =	swait.ge [sflag:s23], $0x2000  }
0x55: {  	[sflag:s23] =	ssyncset.done $0x0  }
0x56: {  	s30 =	simm.s32 $0x0;
	[sflag:s23] =	ssyncadd.s32 $0xFFFFE000  }
0x57: {  	v11 =	vld [tilespmem:s30+$0x4980]  }
0x58: {  	v12 =	vld [tilespmem:s30+$0x4990]  }
0x59: {  	v13 =	vld [tilespmem:s30+$0x49A0]  }
0x5a: {  	v14 =	vld [tilespmem:s30+$0x49B0];
	_ =	sdelay $0x2  }
0x5b: {  	vm1 =	vlt.s32 v11, $0xFF  }
0x5c: {  	v15 =	vnsel vm1, $0xFF, v11;
	vm1 =	vlt.s32 v12, $0xFF  }
0x5d: {  	vm2 =	vgt.s32 v13, v14;
	v16 =	vnsel vm1, $0xFF, v12;
	vm1 =	vlt.s32 v13, $0xFF  }
0x5e: {  	v15 =	vadd.s32 v1, v15;
	v17 =	vnsel vm1, $0xFF, v13;
	vm1 =	vgt.s32 v11, v12  }
0x5f: {  	v16 =	vadd.s32 v1, v16;
	v11 =	vsel vm1, v11, v12;
	v12 =	vsel vm2, v13, v14  }
0x60: {  	v17 =	vadd.s32 v4, v17;
	vm2 =	vlt.s32 v14, $0xFF;
	vm1 =	vgt.s32 v11, v12  }
0x61: {  	v11 =	vsel vm1, v11, v12;
	v12 =	vnsel vm2, $0xFF, v14  }
0x62: {  	v12 =	vadd.s32 v4, v12  }
0x63: {  	[tilespmem:v15+s28+$0x0] =	vst.idx.add.s32.msk $0xffff, v3  }
0x64: {  	vm1 =	vgt.s32 v10, v11;
	[tilespmem:v16+s29+$0x0] =	vst.idx.add.s32.msk $0xffff, v3  }
0x65: {  	s7 =	simm.s32 $0x200;
	s4 =	simm.s32 $0x100;
	v11 =	vsel vm1, v10, v11;
	[tilespmem:v17+s28+$0x0] =	vst.idx.add.s32.msk $0xffff, v3  }
.LBB2_8:
0x66: {  	p0 =	sne.s32 s7, $0x7F00  }
0x67: {  	s8 =	sshra.s32 s4, $0x2;
	[tilespmem:v12+s29+$0x0] =	vst.idx.add.s32.msk $0xffff, v3;
	s4 =	smov.u32 s7;
	s7 =	sadd.s32 $0x100, s7  }
0x68: {  	v13 =	vld [tilespmem:s8+$0x4980]  }
0x69: {  	v14 =	vld [tilespmem:s8+$0x4990]  }
0x6a: {  	v15 =	vld [tilespmem:s8+$0x49A0]  }
0x6b: {  	v16 =	vld [tilespmem:s8+$0x49B0];
	_ =	sdelay $0x1  }
0x6c: {  	vm1 =	vlt.s32 v13, $0xFF  }
0x6d: {  	v12 =	vnsel vm1, $0xFF, v13;
	vm1 =	vlt.s32 v14, $0xFF;
	vm2 =	vgt.s32 v13, v14  }
0x6e: {  	v17 =	vadd.s32 v1, v12;
	v12 =	vnsel vm1, $0xFF, v14;
	vm1 =	vlt.s32 v15, $0xFF  }
0x6f: {  	v18 =	vadd.s32 v1, v12;
	v12 =	vnsel vm1, $0xFF, v15;
	vm1 =	vlt.s32 v16, $0xFF  }
0x70: {  	v19 =	vadd.s32 v4, v12;
	v12 =	vnsel vm1, $0xFF, v16;
	vm1 =	vgt.s32 v15, v16  }
.Ltmp2:
0x71: {  	v13 =	vsel vm2, v13, v14;
	v12 =	vadd.s32 v4, v12;
	v14 =	vsel vm1, v15, v16;
	(pc) =	sbr.rel @p0 .LBB2_8-.Ltmp2, $4  }
0x72: {  	vm1 =	vgt.s32 v13, v14  }
0x73: {  	[tilespmem:v17+s28+$0x0] =	vst.idx.add.s32.msk $0xffff, v3;
	v13 =	vsel vm1, v13, v14  }
0x74: {  	[tilespmem:v18+s29+$0x0] =	vst.idx.add.s32.msk $0xffff, v3;
	vm1 =	vgt.s32 v11, v13  }
0x75: {  	[tilespmem:v19+s28+$0x0] =	vst.idx.add.s32.msk $0xffff, v3;
	v11 =	vsel vm1, v11, v13  }
0x76: {  	_ =	sdelay $0x3  }
0x77: {  	s4 =	sshra.s32 s4, $0x2;
	[tilespmem:v12+s29+$0x0] =	vst.idx.add.s32.msk $0xffff, v3  }
0x78: {  	v12 =	vld [tilespmem:s4+$0x4980]  }
0x79: {  	v13 =	vld [tilespmem:s4+$0x4990]  }
0x7a: {  	v14 =	vld [tilespmem:s4+$0x49A0]  }
0x7b: {  	v15 =	vld [tilespmem:s4+$0x49B0];
	_ =	sdelay $0x4  }
0x7c: {  	vm1 =	vgt.s32 v12, v13;
	vm2 =	vgt.s32 v14, v15  }
0x7d: {  	v16 =	vsel vm1, v12, v13;
	v17 =	vsel vm2, v14, v15  }
0x7e: {  	vm1 =	vgt.s32 v16, v17  }
0x7f: {  	v16 =	vsel vm1, v16, v17  }
0x80: {  	vm1 =	vgt.s32 v11, v16  }
0x81: {  	v11 =	vsel vm1, v11, v16  }
0x82: {  	v11 =	vxor.u32 $0x80000000, v11  }
0x83: {  	(xrf0) =	vmax.scan.msk.u32 $0xffff, v11;
	_ =	sdelay $0x5  }
0x84: {  	v11, _, _ =	vpop (xrf0)  }
0x85: {  	(v2sf) =	vpush v11, $0xF;
	_ =	sdelay $0x5  }
0x86: {  	vm1 =	vlt.s32 v12, $0xFF  }
0x87: {  	v11 =	vnsel vm1, $0xFF, v12  }
0x88: {  	v11 =	vadd.s32 v1, v11;
	_ =	sdelay $0x1  }
0x89: {  	vm1 =	vlt.s32 v13, $0xFF  }
0x8a: {  	v61 =	vnsel vm1, $0xFF, v13;
	vm1 =	vlt.s32 v14, $0xFF  }
0x8b: {  	v12 =	vadd.s32 v1, v61;
	v62 =	vnsel vm1, $0xFF, v14;
	vm1 =	vlt.s32 v15, $0xFF  }
0x8c: {  	v13 =	vadd.s32 v4, v62;
	v63 =	vnsel vm1, $0xFF, v15;
	[tilespmem:v11+s28+$0x0] =	vst.idx.add.s32.msk $0xffff, v3;
	v11 =	vmov s2;
	s2 =	sadd.s32 $0x1, s2  }
0x8d: {  	v14 =	vadd.s32 v4, v63;
	p0 =	sne.s32 s2, $0x5  }
.Ltmp3:
0x8e: {  	s30 =	spop (v2sf);
	(pc) =	sbr.rel @p0 .LBB2_7-.Ltmp3, $4  }
0x8f: {  	s4 =	sxor.u32 $0x80000000, s30  }
0x90: {  	[tilespmem:v12+s29+$0x0] =	vst.idx.add.s32.msk $0xffff, v3;
	vm1 =	veq.s32 v11, v0;
	v11 =	vmov s4  }
0x91: {  	[tilespmem:v13+s28+$0x0] =	vst.idx.add.s32.msk $0xffff, v3;
	v11 =	vnsel vm1, $0x0, v11  }
0x92: {  	[tilespmem:v14+s29+$0x0] =	vst.idx.add.s32.msk $0xffff, v3;
	v9 =	vadd.s32 v9, v11  }
0x93: {  	s2 =	simm.s32 $0x0  }
0x94: {  	v10 =	vld [tilespmem:s2+$0x6980]  }
0x95: {  	v11 =	vld [tilespmem:s2+$0x8980]  }
0x96: {  	v12 =	vld [tilespmem:s2+$0x7980]  }
0x97: {  	v13 =	vld [tilespmem:s2+$0x9980]  }
0x98: {  	v14 =	vld [tilespmem:s2+$0x6A80]  }
0x99: {  	v15 =	vld [tilespmem:s2+$0x8A80]  }
0x9a: {  	v16 =	vld [tilespmem:s2+$0x7A80];
	v10 =	vadd.s32 v10, v11  }
0x9b: {  	v11 =	vld [tilespmem:s2+$0x9A80];
	v10 =	vadd.s32 v12, v10  }
0x9c: {  	v12 =	vld [tilespmem:s2+$0x6B80];
	v10 =	vadd.s32 v13, v10  }
0x9d: {  	v13 =	vld [tilespmem:s2+$0x8B80];
	v10 =	vadd.s32 v14, v10  }
0x9e: {  	v14 =	vld [tilespmem:s2+$0x7B80];
	v10 =	vadd.s32 v15, v10  }
0x9f: {  	v15 =	vld [tilespmem:s2+$0x9B80];
	v10 =	vadd.s32 v16, v10  }
0xa0: {  	v16 =	vld [tilespmem:s2+$0x6C80];
	v10 =	vadd.s32 v11, v10  }
0xa1: {  	v11 =	vld [tilespmem:s2+$0x8C80];
	v10 =	vadd.s32 v12, v10  }
0xa2: {  	v12 =	vld [tilespmem:s2+$0x7C80];
	v10 =	vadd.s32 v13, v10  }
0xa3: {  	v13 =	vld [tilespmem:s2+$0x9C80];
	v10 =	vadd.s32 v14, v10  }
0xa4: {  	v14 =	vld [tilespmem:s2+$0x6D80];
	v10 =	vadd.s32 v15, v10  }
0xa5: {  	v15 =	vld [tilespmem:s2+$0x8D80];
	v10 =	vadd.s32 v16, v10  }
0xa6: {  	v16 =	vld [tilespmem:s2+$0x7D80];
	v10 =	vadd.s32 v11, v10  }
0xa7: {  	v11 =	vld [tilespmem:s2+$0x9D80];
	v10 =	vadd.s32 v12, v10  }
0xa8: {  	v12 =	vld [tilespmem:s2+$0x6E80];
	v10 =	vadd.s32 v13, v10  }
0xa9: {  	v13 =	vld [tilespmem:s2+$0x8E80];
	v10 =	vadd.s32 v14, v10  }
0xaa: {  	v14 =	vld [tilespmem:s2+$0x7E80];
	v10 =	vadd.s32 v15, v10  }
0xab: {  	v15 =	vld [tilespmem:s2+$0x9E80];
	v10 =	vadd.s32 v16, v10  }
0xac: {  	v16 =	vld [tilespmem:s2+$0x6F80];
	v10 =	vadd.s32 v11, v10  }
0xad: {  	v11 =	vld [tilespmem:s2+$0x8F80];
	v10 =	vadd.s32 v12, v10  }
0xae: {  	v12 =	vld [tilespmem:s2+$0x7F80];
	v10 =	vadd.s32 v13, v10  }
0xaf: {  	v13 =	vld [tilespmem:s2+$0x9F80];
	v10 =	vadd.s32 v14, v10  }
0xb0: {  	v14 =	vld [tilespmem:s2+$0x7080];
	v10 =	vadd.s32 v15, v10  }
0xb1: {  	v15 =	vld [tilespmem:s2+$0x9080];
	v10 =	vadd.s32 v16, v10  }
0xb2: {  	v16 =	vld [tilespmem:s2+$0x8080];
	v10 =	vadd.s32 v11, v10  }
0xb3: {  	v11 =	vld [tilespmem:s2+$0xA080];
	v10 =	vadd.s32 v12, v10  }
0xb4: {  	v12 =	vld [tilespmem:s2+$0x7180];
	v10 =	vadd.s32 v13, v10  }
0xb5: {  	v13 =	vld [tilespmem:s2+$0x9180];
	v10 =	vadd.s32 v14, v10  }
0xb6: {  	v14 =	vld [tilespmem:s2+$0x8180];
	v10 =	vadd.s32 v15, v10  }
0xb7: {  	v15 =	vld [tilespmem:s2+$0xA180];
	v10 =	vadd.s32 v16, v10  }
0xb8: {  	v16 =	vld [tilespmem:s2+$0x7280];
	v10 =	vadd.s32 v11, v10  }
0xb9: {  	v11 =	vld [tilespmem:s2+$0x9280];
	v10 =	vadd.s32 v12, v10  }
0xba: {  	v12 =	vld [tilespmem:s2+$0x8280];
	v10 =	vadd.s32 v13, v10  }
0xbb: {  	v13 =	vld [tilespmem:s2+$0xA280];
	v10 =	vadd.s32 v14, v10  }
0xbc: {  	v14 =	vld [tilespmem:s2+$0x7380];
	v10 =	vadd.s32 v15, v10  }
0xbd: {  	v15 =	vld [tilespmem:s2+$0x9380];
	v10 =	vadd.s32 v16, v10  }
0xbe: {  	v16 =	vld [tilespmem:s2+$0x8380];
	v10 =	vadd.s32 v11, v10  }
0xbf: {  	v11 =	vld [tilespmem:s2+$0xA380];
	v10 =	vadd.s32 v12, v10  }
0xc0: {  	v12 =	vld [tilespmem:s2+$0x7480];
	v10 =	vadd.s32 v13, v10  }
0xc1: {  	v13 =	vld [tilespmem:s2+$0x9480];
	v10 =	vadd.s32 v14, v10  }
0xc2: {  	v14 =	vld [tilespmem:s2+$0x8480];
	v10 =	vadd.s32 v15, v10  }
0xc3: {  	v15 =	vld [tilespmem:s2+$0xA480];
	v10 =	vadd.s32 v16, v10  }
0xc4: {  	v16 =	vld [tilespmem:s2+$0x7580];
	v10 =	vadd.s32 v11, v10  }
0xc5: {  	v11 =	vld [tilespmem:s2+$0x9580];
	v10 =	vadd.s32 v12, v10  }
0xc6: {  	v12 =	vld [tilespmem:s2+$0x8580];
	v10 =	vadd.s32 v13, v10  }
0xc7: {  	v13 =	vld [tilespmem:s2+$0xA580];
	v10 =	vadd.s32 v14, v10  }
0xc8: {  	v14 =	vld [tilespmem:s2+$0x7680];
	v10 =	vadd.s32 v15, v10  }
0xc9: {  	v15 =	vld [tilespmem:s2+$0x9680];
	v10 =	vadd.s32 v16, v10  }
0xca: {  	v16 =	vld [tilespmem:s2+$0x8680];
	v10 =	vadd.s32 v11, v10  }
0xcb: {  	v17 =	vld [tilespmem:s2+$0xA680];
	v10 =	vadd.s32 v12, v10  }
0xcc: {  	v18 =	vld [tilespmem:s2+$0x7780];
	v10 =	vadd.s32 v13, v10  }
0xcd: {  	v19 =	vld [tilespmem:s2+$0x9780];
	v10 =	vadd.s32 v14, v10  }
0xce: {  	v20 =	vld [tilespmem:s2+$0x8780];
	v10 =	vadd.s32 v15, v10  }
0xcf: {  	v15 =	vld [tilespmem:s2+$0xA780];
	v10 =	vadd.s32 v16, v10  }
0xd0: {  	v11 =	vld [tilespmem:s2+$0x7880];
	v10 =	vadd.s32 v17, v10  }
0xd1: {  	v12 =	vld [tilespmem:s2+$0x9880];
	v10 =	vadd.s32 v18, v10  }
0xd2: {  	v13 =	vld [tilespmem:s2+$0x8880];
	v10 =	vadd.s32 v19, v10  }
0xd3: {  	s7 =	simm.s32 $0x10;
	v14 =	vld [tilespmem:s2+$0xA880];
	v16 =	vadd.s32 v20, v10  }
0xd4: {  	s4 =	simm.s32 $0x80;
	v10 =	vld [tilespmem:s7+$0x6980];
	v15 =	vadd.s32 v15, v16  }
.LBB2_11:
0xd5: {  	p0 =	sne.s32 s4, $0x3C0;
	v16 =	vld [tilespmem:s7+$0x8980];
	v11 =	vadd.s32 v11, v15  }
0xd6: {  	v15 =	vld [tilespmem:s7+$0x7980];
	v11 =	vadd.s32 v12, v11  }
0xd7: {  	v12 =	vld [tilespmem:s7+$0x9980];
	v11 =	vadd.s32 v13, v11  }
0xd8: {  	v13 =	vld [tilespmem:s7+$0x6A80];
	v11 =	vadd.s32 v14, v11  }
0xd9: {  	v14 =	vld [tilespmem:s7+$0x8A80];
	[tilespmem:s2+$0xA980] =	vst v11;
	s2 =	smov.u32 s7  }
0xda: {  	v11 =	vld [tilespmem:s2+$0x7A80];
	v10 =	vadd.s32 v10, v16  }
0xdb: {  	v16 =	vld [tilespmem:s2+$0x9A80];
	v10 =	vadd.s32 v15, v10  }
0xdc: {  	v15 =	vld [tilespmem:s2+$0x6B80];
	v10 =	vadd.s32 v12, v10  }
0xdd: {  	v12 =	vld [tilespmem:s2+$0x8B80];
	v10 =	vadd.s32 v13, v10  }
0xde: {  	v13 =	vld [tilespmem:s2+$0x7B80];
	v10 =	vadd.s32 v14, v10  }
0xdf: {  	v14 =	vld [tilespmem:s2+$0x9B80];
	v10 =	vadd.s32 v11, v10  }
0xe0: {  	v11 =	vld [tilespmem:s2+$0x6C80];
	v10 =	vadd.s32 v16, v10  }
0xe1: {  	v16 =	vld [tilespmem:s2+$0x8C80];
	v10 =	vadd.s32 v15, v10  }
0xe2: {  	v15 =	vld [tilespmem:s2+$0x7C80];
	v10 =	vadd.s32 v12, v10  }
0xe3: {  	v12 =	vld [tilespmem:s2+$0x9C80];
	v10 =	vadd.s32 v13, v10  }
0xe4: {  	v13 =	vld [tilespmem:s2+$0x6D80];
	v10 =	vadd.s32 v14, v10  }
0xe5: {  	v14 =	vld [tilespmem:s2+$0x8D80];
	v10 =	vadd.s32 v11, v10  }
0xe6: {  	v11 =	vld [tilespmem:s2+$0x7D80];
	v10 =	vadd.s32 v16, v10  }
0xe7: {  	v16 =	vld [tilespmem:s2+$0x9D80];
	v10 =	vadd.s32 v15, v10  }
0xe8: {  	v15 =	vld [tilespmem:s2+$0x6E80];
	v10 =	vadd.s32 v12, v10  }
0xe9: {  	v12 =	vld [tilespmem:s2+$0x8E80];
	v10 =	vadd.s32 v13, v10  }
0xea: {  	v13 =	vld [tilespmem:s2+$0x7E80];
	v10 =	vadd.s32 v14, v10  }
0xeb: {  	v14 =	vld [tilespmem:s2+$0x9E80];
	v10 =	vadd.s32 v11, v10  }
0xec: {  	v11 =	vld [tilespmem:s2+$0x6F80];
	v10 =	vadd.s32 v16, v10  }
0xed: {  	v16 =	vld [tilespmem:s2+$0x8F80];
	v10 =	vadd.s32 v15, v10  }
0xee: {  	v15 =	vld [tilespmem:s2+$0x7F80];
	v10 =	vadd.s32 v12, v10  }
0xef: {  	v12 =	vld [tilespmem:s2+$0x9F80];
	v10 =	vadd.s32 v13, v10  }
0xf0: {  	v13 =	vld [tilespmem:s2+$0x7080];
	v10 =	vadd.s32 v14, v10  }
0xf1: {  	v14 =	vld [tilespmem:s2+$0x9080];
	v10 =	vadd.s32 v11, v10  }
0xf2: {  	v11 =	vld [tilespmem:s2+$0x8080];
	v10 =	vadd.s32 v16, v10  }
0xf3: {  	v16 =	vld [tilespmem:s2+$0xA080];
	v10 =	vadd.s32 v15, v10  }
0xf4: {  	v15 =	vld [tilespmem:s2+$0x7180];
	v10 =	vadd.s32 v12, v10  }
0xf5: {  	v12 =	vld [tilespmem:s2+$0x9180];
	v10 =	vadd.s32 v13, v10  }
0xf6: {  	v13 =	vld [tilespmem:s2+$0x8180];
	v10 =	vadd.s32 v14, v10  }
0xf7: {  	v14 =	vld [tilespmem:s2+$0xA180];
	v10 =	vadd.s32 v11, v10  }
0xf8: {  	v11 =	vld [tilespmem:s2+$0x7280];
	v10 =	vadd.s32 v16, v10  }
0xf9: {  	v16 =	vld [tilespmem:s2+$0x9280];
	v10 =	vadd.s32 v15, v10  }
0xfa: {  	v15 =	vld [tilespmem:s2+$0x8280];
	v10 =	vadd.s32 v12, v10  }
0xfb: {  	v12 =	vld [tilespmem:s2+$0xA280];
	v10 =	vadd.s32 v13, v10  }
0xfc: {  	v13 =	vld [tilespmem:s2+$0x7380];
	v10 =	vadd.s32 v14, v10  }
0xfd: {  	v14 =	vld [tilespmem:s2+$0x9380];
	v10 =	vadd.s32 v11, v10  }
0xfe: {  	v11 =	vld [tilespmem:s2+$0x8380];
	v10 =	vadd.s32 v16, v10  }
0xff: {  	v16 =	vld [tilespmem:s2+$0xA380];
	v10 =	vadd.s32 v15, v10  }
0x100: {  	v15 =	vld [tilespmem:s2+$0x7480];
	v10 =	vadd.s32 v12, v10  }
0x101: {  	v12 =	vld [tilespmem:s2+$0x9480];
	v10 =	vadd.s32 v13, v10  }
0x102: {  	v13 =	vld [tilespmem:s2+$0x8480];
	v10 =	vadd.s32 v14, v10  }
0x103: {  	v14 =	vld [tilespmem:s2+$0xA480];
	v10 =	vadd.s32 v11, v10  }
0x104: {  	v11 =	vld [tilespmem:s2+$0x7580];
	v10 =	vadd.s32 v16, v10  }
0x105: {  	v16 =	vld [tilespmem:s2+$0x9580];
	v10 =	vadd.s32 v15, v10  }
0x106: {  	v15 =	vld [tilespmem:s2+$0x8580];
	v10 =	vadd.s32 v12, v10  }
0x107: {  	v12 =	vld [tilespmem:s2+$0xA580];
	v10 =	vadd.s32 v13, v10  }
0x108: {  	v13 =	vld [tilespmem:s2+$0x7680];
	v10 =	vadd.s32 v14, v10  }
0x109: {  	v14 =	vld [tilespmem:s2+$0x9680];
	v10 =	vadd.s32 v11, v10  }
0x10a: {  	v11 =	vld [tilespmem:s2+$0x8680];
	v10 =	vadd.s32 v16, v10  }
0x10b: {  	v16 =	vld [tilespmem:s2+$0xA680];
	v10 =	vadd.s32 v15, v10  }
0x10c: {  	v15 =	vld [tilespmem:s2+$0x7780];
	v10 =	vadd.s32 v12, v10  }
0x10d: {  	v17 =	vld [tilespmem:s2+$0x9780];
	v10 =	vadd.s32 v13, v10  }
0x10e: {  	v18 =	vld [tilespmem:s2+$0x8780];
	v10 =	vadd.s32 v14, v10  }
0x10f: {  	v19 =	vld [tilespmem:s2+$0xA780];
	v10 =	vadd.s32 v11, v10  }
.Ltmp4:
0x110: {  	v11 =	vld [tilespmem:s2+$0x7880];
	v10 =	vadd.s32 v16, v10;
	(pc) =	sbr.rel @p0 .LBB2_11-.Ltmp4, $4  }
0x111: {  	v12 =	vld [tilespmem:s2+$0x9880];
	v10 =	vadd.s32 v15, v10  }
0x112: {  	v13 =	vld [tilespmem:s2+$0x8880];
	v10 =	vadd.s32 v17, v10  }
0x113: {  	s7 =	sshra.s32 s4, $0x2;
	v14 =	vld [tilespmem:s2+$0xA880];
	v15 =	vadd.s32 v18, v10  }
0x114: {  	s4 =	sadd.s32 $0x40, s4;
	v10 =	vld [tilespmem:s7+$0x6980];
	v15 =	vadd.s32 v19, v15  }
0x115: {  	v16 =	vld [tilespmem:s7+$0x8980];
	v11 =	vadd.s32 v11, v15  }
0x116: {  	v44 =	vld [tilespmem:s7+$0x7980];
	v11 =	vadd.s32 v12, v11  }
0x117: {  	v45 =	vld [tilespmem:s7+$0x9980];
	v11 =	vadd.s32 v13, v11  }
0x118: {  	v46 =	vld [tilespmem:s7+$0x6A80];
	v11 =	vadd.s32 v14, v11  }
0x119: {  	v47 =	vld [tilespmem:s7+$0x8A80];
	[tilespmem:s2+$0xA980] =	vst v11  }
0x11a: {  	v11 =	vld [tilespmem:s7+$0x7A80];
	v10 =	vadd.s32 v10, v16  }
0x11b: {  	v48 =	vld [tilespmem:s7+$0x9A80];
	v10 =	vadd.s32 v44, v10  }
0x11c: {  	v49 =	vld [tilespmem:s7+$0x6B80];
	v10 =	vadd.s32 v45, v10  }
0x11d: {  	v50 =	vld [tilespmem:s7+$0x8B80];
	v10 =	vadd.s32 v46, v10  }
0x11e: {  	v51 =	vld [tilespmem:s7+$0x7B80];
	v10 =	vadd.s32 v47, v10  }
0x11f: {  	v52 =	vld [tilespmem:s7+$0x9B80];
	v10 =	vadd.s32 v11, v10  }
0x120: {  	v11 =	vld [tilespmem:s7+$0x6C80];
	v10 =	vadd.s32 v48, v10  }
0x121: {  	v53 =	vld [tilespmem:s7+$0x8C80];
	v10 =	vadd.s32 v49, v10  }
0x122: {  	v54 =	vld [tilespmem:s7+$0x7C80];
	v10 =	vadd.s32 v50, v10  }
0x123: {  	v55 =	vld [tilespmem:s7+$0x9C80];
	v10 =	vadd.s32 v51, v10  }
0x124: {  	v56 =	vld [tilespmem:s7+$0x6D80];
	v10 =	vadd.s32 v52, v10  }
0x125: {  	v57 =	vld [tilespmem:s7+$0x8D80];
	v10 =	vadd.s32 v11, v10  }
0x126: {  	v11 =	vld [tilespmem:s7+$0x7D80];
	v10 =	vadd.s32 v53, v10  }
0x127: {  	v58 =	vld [tilespmem:s7+$0x9D80];
	v10 =	vadd.s32 v54, v10  }
0x128: {  	v59 =	vld [tilespmem:s7+$0x6E80];
	v10 =	vadd.s32 v55, v10  }
0x129: {  	v60 =	vld [tilespmem:s7+$0x8E80];
	v10 =	vadd.s32 v56, v10  }
0x12a: {  	v61 =	vld [tilespmem:s7+$0x7E80];
	v10 =	vadd.s32 v57, v10  }
0x12b: {  	v62 =	vld [tilespmem:s7+$0x9E80];
	v10 =	vadd.s32 v11, v10  }
0x12c: {  	v11 =	vld [tilespmem:s7+$0x6F80];
	v10 =	vadd.s32 v58, v10  }
0x12d: {  	v63 =	vld [tilespmem:s7+$0x8F80];
	v10 =	vadd.s32 v59, v10  }
0x12e: {  	v20 =	vld [tilespmem:s7+$0x7F80];
	v10 =	vadd.s32 v60, v10  }
0x12f: {  	v21 =	vld [tilespmem:s7+$0x9F80];
	v10 =	vadd.s32 v61, v10  }
0x130: {  	v22 =	vld [tilespmem:s7+$0x7080];
	v10 =	vadd.s32 v62, v10  }
0x131: {  	v23 =	vld [tilespmem:s7+$0x9080];
	v10 =	vadd.s32 v11, v10  }
0x132: {  	v11 =	vld [tilespmem:s7+$0x8080];
	v10 =	vadd.s32 v63, v10  }
0x133: {  	v24 =	vld [tilespmem:s7+$0xA080];
	v10 =	vadd.s32 v20, v10  }
0x134: {  	v25 =	vld [tilespmem:s7+$0x7180];
	v10 =	vadd.s32 v21, v10  }
0x135: {  	v26 =	vld [tilespmem:s7+$0x9180];
	v10 =	vadd.s32 v22, v10  }
0x136: {  	v27 =	vld [tilespmem:s7+$0x8180];
	v10 =	vadd.s32 v23, v10  }
0x137: {  	v28 =	vld [tilespmem:s7+$0xA180];
	v10 =	vadd.s32 v11, v10  }
0x138: {  	v11 =	vld [tilespmem:s7+$0x7280];
	v10 =	vadd.s32 v24, v10  }
0x139: {  	v29 =	vld [tilespmem:s7+$0x9280];
	v10 =	vadd.s32 v25, v10  }
0x13a: {  	v30 =	vld [tilespmem:s7+$0x8280];
	v10 =	vadd.s32 v26, v10  }
0x13b: {  	v31 =	vld [tilespmem:s7+$0xA280];
	v10 =	vadd.s32 v27, v10  }
0x13c: {  	v32 =	vld [tilespmem:s7+$0x7380];
	v10 =	vadd.s32 v28, v10  }
0x13d: {  	v33 =	vld [tilespmem:s7+$0x9380];
	v10 =	vadd.s32 v11, v10  }
0x13e: {  	v11 =	vld [tilespmem:s7+$0x8380];
	v10 =	vadd.s32 v29, v10  }
0x13f: {  	v34 =	vld [tilespmem:s7+$0xA380];
	v10 =	vadd.s32 v30, v10  }
0x140: {  	v35 =	vld [tilespmem:s7+$0x7480];
	v10 =	vadd.s32 v31, v10  }
0x141: {  	v36 =	vld [tilespmem:s7+$0x9480];
	v10 =	vadd.s32 v32, v10  }
0x142: {  	v37 =	vld [tilespmem:s7+$0x8480];
	v10 =	vadd.s32 v33, v10  }
0x143: {  	v38 =	vld [tilespmem:s7+$0xA480];
	v10 =	vadd.s32 v11, v10  }
0x144: {  	v11 =	vld [tilespmem:s7+$0x7580];
	v10 =	vadd.s32 v34, v10  }
0x145: {  	v39 =	vld [tilespmem:s7+$0x9580];
	v10 =	vadd.s32 v35, v10  }
0x146: {  	v40 =	vld [tilespmem:s7+$0x8580];
	v10 =	vadd.s32 v36, v10  }
0x147: {  	v41 =	vld [tilespmem:s7+$0xA580];
	v10 =	vadd.s32 v37, v10  }
0x148: {  	v42 =	vld [tilespmem:s7+$0x7680];
	v10 =	vadd.s32 v38, v10  }
0x149: {  	v43 =	vld [tilespmem:s7+$0x9680];
	v10 =	vadd.s32 v11, v10  }
0x14a: {  	v11 =	vld [tilespmem:s7+$0x8680];
	v10 =	vadd.s32 v39, v10  }
0x14b: {  	v44 =	vld [tilespmem:s7+$0xA680];
	v10 =	vadd.s32 v40, v10  }
0x14c: {  	v45 =	vld [tilespmem:s7+$0x7780];
	v10 =	vadd.s32 v41, v10  }
0x14d: {  	v46 =	vld [tilespmem:s7+$0x9780];
	v10 =	vadd.s32 v42, v10  }
0x14e: {  	v47 =	vld [tilespmem:s7+$0x8780];
	v10 =	vadd.s32 v43, v10  }
0x14f: {  	v48 =	vld [tilespmem:s7+$0xA780];
	v10 =	vadd.s32 v11, v10  }
0x150: {  	v11 =	vld [tilespmem:s7+$0x7880];
	v10 =	vadd.s32 v44, v10  }
0x151: {  	v49 =	vld [tilespmem:s7+$0x9880];
	v10 =	vadd.s32 v45, v10  }
0x152: {  	v50 =	vld [tilespmem:s7+$0x8880];
	v10 =	vadd.s32 v46, v10  }
0x153: {  	v51 =	vld [tilespmem:s7+$0xA880];
	v10 =	vadd.s32 v47, v10  }
0x154: {  	v10 =	vadd.s32 v48, v10  }
0x155: {  	v10 =	vadd.s32 v11, v10  }
0x156: {  	v10 =	vadd.s32 v49, v10  }
0x157: {  	v10 =	vadd.s32 v50, v10  }
0x158: {  	v10 =	vadd.s32 v51, v10  }
0x159: {  	s12 =	rddreg [dreg:$0xb];
	s4 =	simm.s32 $0xA980;
	[tilespmem:s7+$0xA980] =	vst v10  }
0x15a: {  	[spmem:s12] =	stream.linear.scatter [tilespmem:s4], [sflag:$0x3], $0x100, $0x38;
	[tilespmem:$0x1B200] =	vst v63  }
0x15b: {  	_ =	swait.ge [sflag:s23], $0x100  }
0x15c: {  	[sflag:s23] =	ssyncset.done $0x0  }
0x15d: {  	[sflag:s23] =	ssyncadd.s32 $0xFFFFFF00  }
0x15e: {  	[bflag:$0x0] =	sbarrier.arrive $0xFFFF  }
0x15f: {  	s13 =	simm.s32 $0xAA80;
	s14 =	rddreg [dreg:$0x3]  }
0x160: {  	[tilespmem:s13], [sflag:$0x3] =	stream.linear.gather [spmem:s14], $0x1000, $0x38;
	[tilespmem:$0x1B200] =	vst v63  }
0x161: {  	_ =	swait.ge [sflag:s23], $0x1000  }
0x162: {  	s2 =	simm.s32 $0x0;
	[sflag:s23] =	ssyncset.done $0x0  }
0x163: {  	s15 =	sand.u32 $0xF0, s2;
	[sflag:s23] =	ssyncadd.s32 $0xFFFFF000  }
0x164: {  	v10 =	vld [tilespmem:s15+$0xAB80]  }
0x165: {  	v11 =	vld [tilespmem:s13+$0x0]  }
0x166: {  	v52 =	vld [tilespmem:s15+$0xAC80]  }
0x167: {  	v53 =	vld [tilespmem:s15+$0xAD80]  }
0x168: {  	v54 =	vld [tilespmem:s15+$0xAE80]  }
0x169: {  	v55 =	vld [tilespmem:s15+$0xAF80]  }
0x16a: {  	v10 =	vadd.s32 v11, v10;
	v11 =	vld [tilespmem:s15+$0xB080]  }
0x16b: {  	v56 =	vld [tilespmem:s15+$0xB180];
	v10 =	vadd.s32 v52, v10  }
0x16c: {  	v57 =	vld [tilespmem:s15+$0xB280];
	v10 =	vadd.s32 v53, v10  }
0x16d: {  	v58 =	vld [tilespmem:s15+$0xB380];
	v10 =	vadd.s32 v54, v10  }
0x16e: {  	v59 =	vld [tilespmem:s15+$0xB480];
	v10 =	vadd.s32 v55, v10  }
0x16f: {  	v10 =	vadd.s32 v11, v10;
	v11 =	vld [tilespmem:s15+$0xB580]  }
0x170: {  	v60 =	vld [tilespmem:s15+$0xB680];
	v10 =	vadd.s32 v56, v10  }
0x171: {  	v61 =	vld [tilespmem:s15+$0xB780];
	v10 =	vadd.s32 v57, v10  }
0x172: {  	v62 =	vld [tilespmem:s15+$0xB880];
	v10 =	vadd.s32 v58, v10  }
0x173: {  	v63 =	vld [tilespmem:s15+$0xB980];
	v10 =	vadd.s32 v59, v10  }
0x174: {  	v10 =	vadd.s32 v11, v10  }
0x175: {  	v10 =	vadd.s32 v60, v10  }
0x176: {  	v10 =	vadd.s32 v61, v10  }
0x177: {  	v10 =	vadd.s32 v62, v10  }
0x178: {  	s30 =	simm.s32 $0x10;
	s4 =	simm.s32 $0xBA80;
	v10 =	vadd.s32 v63, v10  }
0x179: {  	s7 =	sand.u32 $0xF0, s30;
	[tilespmem:s4+$0x0] =	vst v10  }
0x17a: {  	s9 =	simm.s32 $0x20;
	s8 =	simm.s32 $0xAA90;
	v10 =	vld [tilespmem:s7+$0xAB80]  }
.LBB2_13:
0x17b: {  	p0 =	sne.s32 s9, $0xF0;
	v11 =	vld [tilespmem:s8+$0x0]  }
0x17c: {  	v12 =	vld [tilespmem:s7+$0xAC80]  }
0x17d: {  	v13 =	vld [tilespmem:s7+$0xAD80]  }
0x17e: {  	v14 =	vld [tilespmem:s7+$0xAE80]  }
0x17f: {  	v15 =	vld [tilespmem:s7+$0xAF80]  }
0x180: {  	v10 =	vadd.s32 v11, v10;
	v11 =	vld [tilespmem:s7+$0xB080]  }
0x181: {  	v10 =	vadd.s32 v12, v10;
	v12 =	vld [tilespmem:s7+$0xB180]  }
0x182: {  	v10 =	vadd.s32 v13, v10;
	v13 =	vld [tilespmem:s7+$0xB280]  }
0x183: {  	v10 =	vadd.s32 v14, v10;
	v14 =	vld [tilespmem:s7+$0xB380]  }
0x184: {  	v10 =	vadd.s32 v15, v10;
	v15 =	vld [tilespmem:s7+$0xB480]  }
0x185: {  	v10 =	vadd.s32 v11, v10;
	v11 =	vld [tilespmem:s7+$0xB580]  }
0x186: {  	v10 =	vadd.s32 v12, v10;
	v12 =	vld [tilespmem:s7+$0xB680]  }
0x187: {  	v10 =	vadd.s32 v13, v10;
	v13 =	vld [tilespmem:s7+$0xB780]  }
0x188: {  	v10 =	vadd.s32 v14, v10;
	v14 =	vld [tilespmem:s7+$0xB880]  }
0x189: {  	v10 =	vadd.s32 v15, v10;
	v15 =	vld [tilespmem:s7+$0xB980]  }
0x18a: {  	v10 =	vadd.s32 v11, v10  }
0x18b: {  	v10 =	vadd.s32 v12, v10  }
.Ltmp5:
0x18c: {  	v10 =	vadd.s32 v13, v10;
	(pc) =	sbr.rel @p0 .LBB2_13-.Ltmp5, $4  }
0x18d: {  	v10 =	vadd.s32 v14, v10  }
0x18e: {  	s4 =	sadd.s32 $0x10, s4;
	v10 =	vadd.s32 v15, v10  }
0x18f: {  	s7 =	sand.u32 $0xF0, s9;
	[tilespmem:s4+$0x0] =	vst v10  }
0x190: {  	s8 =	sadd.s32 $0x10, s8;
	s9 =	sadd.s32 $0x10, s9;
	v10 =	vld [tilespmem:s7+$0xAB80]  }
0x191: {  	v11 =	vld [tilespmem:s8+$0x0]  }
0x192: {  	v12 =	vld [tilespmem:s7+$0xAC80]  }
0x193: {  	v13 =	vld [tilespmem:s7+$0xAD80]  }
0x194: {  	v14 =	vld [tilespmem:s7+$0xAE80]  }
0x195: {  	v15 =	vld [tilespmem:s7+$0xAF80]  }
0x196: {  	v10 =	vadd.s32 v11, v10;
	v11 =	vld [tilespmem:s7+$0xB080]  }
0x197: {  	v10 =	vadd.s32 v12, v10;
	v12 =	vld [tilespmem:s7+$0xB180]  }
0x198: {  	v10 =	vadd.s32 v13, v10;
	v13 =	vld [tilespmem:s7+$0xB280]  }
0x199: {  	v10 =	vadd.s32 v14, v10;
	v14 =	vld [tilespmem:s7+$0xB380]  }
0x19a: {  	v10 =	vadd.s32 v15, v10;
	v15 =	vld [tilespmem:s7+$0xB480]  }
0x19b: {  	v10 =	vadd.s32 v11, v10;
	v11 =	vld [tilespmem:s7+$0xB580]  }
0x19c: {  	v10 =	vadd.s32 v12, v10;
	v12 =	vld [tilespmem:s7+$0xB680]  }
0x19d: {  	v10 =	vadd.s32 v13, v10;
	v13 =	vld [tilespmem:s7+$0xB780]  }
0x19e: {  	v10 =	vadd.s32 v14, v10;
	v14 =	vld [tilespmem:s7+$0xB880]  }
0x19f: {  	v10 =	vadd.s32 v15, v10;
	v15 =	vld [tilespmem:s7+$0xB980]  }
0x1a0: {  	v10 =	vadd.s32 v11, v10  }
0x1a1: {  	v10 =	vadd.s32 v12, v10  }
0x1a2: {  	v10 =	vadd.s32 v13, v10  }
0x1a3: {  	v10 =	vadd.s32 v14, v10  }
0x1a4: {  	s4 =	sadd.s32 $0x10, s4;
	v10 =	vadd.s32 v15, v10  }
0x1a5: {  	s7 =	simm.s32 $0xF0;
	[tilespmem:s4+$0x0] =	vst v10  }
0x1a6: {  	v10 =	vld [tilespmem:s7+$0xBA80];
	_ =	sdelay $0x1  }
0x1a7: {  	s4 =	simm.s32 $0xE0  }
0x1a8: {  	v11 =	vld [tilespmem:s4+$0xBA80];
	_ =	sdelay $0x1  }
0x1a9: {  	v12 =	vperm.xlane v10, v5  }
0x1aa: {  	(xrf0) =	vadd.scan.msk.s32 $0xffff, v10  }
0x1ab: {  	(xrf0) =	vadd.scan.msk.s32 $0xffff, v12  }
0x1ac: {  	v10 =	vperm.xlane v11, v5;
	(xrf0) =	vadd.scan.msk.s32 $0xffff, v11;
	_ =	sdelay $0x3  }
0x1ad: {  	(xrf0) =	vadd.scan.msk.s32 $0xffff, v10;
	v10, _, _ =	vpop (xrf0)  }
0x1ae: {  	s8 =	simm.s32 $0xD0;
	v12, _, _ =	vpop (xrf0)  }
0x1af: {  	v11 =	vld [tilespmem:s8+$0xBA80];
	(v2sf) =	vpush v10, $0xF;
	v14, _, _ =	vpop (xrf0)  }
0x1b0: {  	(v2sf) =	vpush v14, $0xF;
	_ =	sdelay $0x3  }
0x1b1: {  	s9 =	simm.s32 $0xC0;
	v13 =	vperm.xlane v11, v5;
	(xrf0) =	vadd.scan.msk.s32 $0xffff, v11  }
0x1b2: {  	v11 =	vld [tilespmem:s9+$0xBA80]  }
0x1b3: {  	(xrf0) =	vadd.scan.msk.s32 $0xffff, v13  }
0x1b4: {  	v15, _, _ =	vpop (xrf0)  }
0x1b5: {  	v10 =	vperm.xlane v12, v5;
	v12 =	vperm.xlane v15, v5  }
0x1b6: {  	s10 =	simm.s32 $0x2C0  }
.LBB2_15:
0x1b7: {  	s12 =	sshra.s32 s10, $0x2;
	p0 =	sne.s32 s10, $0x0;
	s10 =	sadd.s32 $0xFFFFFFC0, s10;
	v13 =	vperm.xlane v11, v5;
	(xrf0) =	vadd.scan.msk.s32 $0xffff, v11;
	v14, _, _ =	vpop (xrf0);
	v15 =	vadd.s32 s2, v10;
	v10 =	vmov v12  }
.Ltmp6:
0x1b8: {  	v11 =	vld [tilespmem:s12+$0xBA80];
	(v2sf) =	vpush v14, $0xF;
	[tilespmem:s7+$0xBB80] =	vst v15;
	s7 =	smov.u32 s4;
	s4 =	smov.u32 s8;
	(pc) =	sbr.rel @p0 .LBB2_15-.Ltmp6, $4  }
0x1b9: {  	s8 =	smov.u32 s9;
	s9 =	smov.u32 s12;
	(xrf0) =	vadd.scan.msk.s32 $0xffff, v13;
	v12, _, _ =	vpop (xrf0)  }
0x1ba: {  	v12 =	vperm.xlane v12, v5  }
0x1bb: {  	s12 =	spop (v2sf)  }
0x1bc: {  	s2 =	sadd.s32 s2, s12  }
0x1bd: {  	v13, _, _ =	vpop (xrf0)  }
0x1be: {  	(v2sf) =	vpush v13, $0xF;
	_ =	sdelay $0x5  }
0x1bf: {  	v59 =	vperm.xlane v11, v5  }
0x1c0: {  	(xrf0) =	vadd.scan.msk.s32 $0xffff, v11  }
0x1c1: {  	(xrf0) =	vadd.scan.msk.s32 $0xffff, v59;
	_ =	sdelay $0x3  }
0x1c2: {  	v11, _, _ =	vpop (xrf0)  }
0x1c3: {  	s10 =	spop (v2sf);
	v60, _, _ =	vpop (xrf0)  }
0x1c4: {  	v10 =	vadd.s32 s2, v10;
	s14 =	sadd.s32 s2, s10;
	v11 =	vperm.xlane v11, v5;
	v14, _, _ =	vpop (xrf0);
	s15 =	spop (v2sf)  }
0x1c5: {  	[tilespmem:s7+$0xBB80] =	vst v10;
	v10 =	vadd.s32 s14, v12;
	v61 =	vperm.xlane v14, v5;
	s2 =	sadd.s32 s14, s15;
	s30 =	spop (v2sf)  }
0x1c6: {  	[tilespmem:s4+$0xBB80] =	vst v10;
	v10 =	vadd.s32 s2, v11;
	s2 =	sadd.s32 s2, s30  }
0x1c7: {  	[tilespmem:s8+$0xBB80] =	vst v10;
	v10 =	vadd.s32 s2, v61  }
0x1c8: {  	s5 =	simm.s32 $0xBB80;
	[tilespmem:s9+$0xBB80] =	vst v10  }
0x1c9: {  	v10 =	vld [tilespmem:s5+$0x0];
	_ =	sdelay $0x3  }
0x1ca: {  	s2 =	simm.s32 $0x0  }
0x1cb: {  	vm1 =	vgt.s32 v10, $0x1FF;
	v10 =	vor.u32 s2, v6  }
0x1cc: {  	v10 =	vnsel vm1, $0x80000000, v10  }
0x1cd: {  	(xrf0) =	vmax.scan.msk.u32 $0xffff, v10;
	_ =	sdelay $0x4  }
0x1ce: {  	s7 =	simm.s32 $0xBB90  }
0x1cf: {  	(v2sf) =	vpush v60, $0xF;
	s8 =	simm.s32 $0xBBA0;
	v11 =	vld [tilespmem:s7+$0x0];
	v10, _, _ =	vpop (xrf0)  }
0x1d0: {  	(v2sf) =	vpush v10, $0xF;
	v10 =	vld [tilespmem:s8+$0x0];
	_ =	sdelay $0x2  }
0x1d1: {  	s9 =	simm.s32 $0x10  }
0x1d2: {  	s10 =	simm.s32 $0x20;
	vm1 =	vgt.s32 v11, $0x1FF;
	v11 =	vor.u32 s9, v6  }
0x1d3: {  	v11 =	vnsel vm1, $0x80000000, v11;
	vm1 =	vgt.s32 v10, $0x1FF;
	v10 =	vor.u32 s10, v6  }
0x1d4: {  	(xrf0) =	vmax.scan.msk.u32 $0xffff, v11;
	v10 =	vnsel vm1, $0x80000000, v10  }
0x1d5: {  	(xrf0) =	vmax.scan.msk.u32 $0xffff, v10;
	_ =	sdelay $0x3  }
0x1d6: {  	s12 =	simm.s32 $0xBBB0  }
0x1d7: {  	v11 =	vld [tilespmem:s12+$0x0];
	v62, _, _ =	vpop (xrf0)  }
0x1d8: {  	(v2sf) =	vpush v62, $0xF;
	v63, _, _ =	vpop (xrf0)  }
0x1d9: {  	s15 =	spop (v2sf);
	(v2sf) =	vpush v63, $0xF;
	_ =	sdelay $0x1  }
0x1da: {  	s13 =	simm.s32 $0xBBC0;
	s14 =	simm.s32 $0x30  }
0x1db: {  	vm1 =	vgt.s32 v11, $0x1FF;
	v11 =	vor.u32 s14, v6;
	v10 =	vld [tilespmem:s13+$0x0]  }
0x1dc: {  	v11 =	vnsel vm1, $0x80000000, v11  }
0x1dd: {  	(xrf0) =	vmax.scan.msk.u32 $0xffff, v11;
	_ =	sdelay $0x1  }
0x1de: {  	s30 =	simm.s32 $0x40  }
0x1df: {  	s4 =	simm.s32 $0x50;
	s7 =	simm.s32 $0xBBD0;
	vm1 =	vgt.s32 v10, $0x1FF;
	v10 =	vor.u32 s30, v6;
	s8 =	spop (v2sf)  }
.LBB2_17:
0x1e0: {  	s9 =	smov.u32 s2;
	p0 =	sne.s32 s4, $0xF0  }
0x1e1: {  	v12 =	vnsel vm1, $0x80000000, v10;
	s2 =	sxor.u32 $0x80000000, s8;
	s8 =	smov.u32 s4;
	s4 =	sadd.s32 $0x10, s4;
	v11 =	vld [tilespmem:s7+$0x0]  }
.Ltmp7:
0x1e2: {  	p1 =	sgt.s32 s9, s2;
	(xrf0) =	vmax.scan.msk.u32 $0xffff, v12;
	v10, _, _ =	vpop (xrf0);
	(pc) =	sbr.rel @p0 .LBB2_17-.Ltmp7, $2  }
0x1e3: {  	s2 =	smov.u32 @p1 s9;
	(v2sf) =	vpush v10, $0xF;
	_ =	sdelay $0x2  }
0x1e4: {  	s7 =	sadd.s32 $0x10, s7;
	v10 =	vor.u32 s8, v6;
	vm1 =	vgt.s32 v11, $0x1FF;
	s8 =	spop (v2sf)  }
0x1e5: {  	v10 =	vnsel vm1, $0x80000000, v10  }
0x1e6: {  	(xrf0) =	vmax.scan.msk.u32 $0xffff, v10;
	_ =	sdelay $0x3  }
0x1e7: {  	v10, _, _ =	vpop (xrf0)  }
0x1e8: {  	(v2sf) =	vpush v10, $0xF  }
0x1e9: {  	v10, _, _ =	vpop (xrf0)  }
0x1ea: {  	(v2sf) =	vpush v10, $0xF;
	_ =	sdelay $0x7  }
0x1eb: {  	s4 =	sxor.u32 $0x80000000, s8  }
0x1ec: {  	s7 =	spop (v2sf);
	p0 =	sgt.s32 s2, s4  }
0x1ed: {  	s4 =	smov.u32 @p0 s2;
	s2 =	sxor.u32 $0x80000000, s7  }
0x1ee: {  	p0 =	sgt.s32 s4, s2;
	s12 =	spop (v2sf)  }
0x1ef: {  	s2 =	smov.u32 @p0 s4;
	s4 =	sxor.u32 $0x80000000, s12  }
0x1f0: {  	p0 =	sgt.s32 s2, s4;
	s13 =	spop (v2sf)  }
0x1f1: {  	s4 =	smov.u32 @p0 s2;
	s7 =	sxor.u32 $0x80000000, s13  }
0x1f2: {  	p0 =	sgt.s32 s4, s7;
	s14 =	spop (v2sf)  }
0x1f3: {  	s7 =	smov.u32 @p0 s4;
	s2 =	sxor.u32 $0x80000000, s14  }
0x1f4: {  	s15 =	simm.s32 $0xBB80;
	p0 =	sgt.s32 s7, s2  }
0x1f5: {  	v11 =	vld [tilespmem:s15+$0x0];
	s2 =	smov.u32 @p0 s7  }
0x1f6: {  	p0 =	sgt.s32 s2, $0x1  }
0x1f7: {  	s4 =	simm.s32 $0x0;
	s2 =	simm.s32 @!p0 $0x1  }
0x1f8: {  	v12 =	vmov s4;
	s30 =	sadd.s32 $0x1, s2  }
0x1f9: {  	v13 =	vor.u32 s4, v0;
	vm1 =	veq.s32 v12, v7;
	v10 =	vmov s30  }
0x1fa: {  	v12 =	vnsel vm1, $0x0, v11;
	vm2 =	veq.s32 v13, v10  }
0x1fb: {  	(xrf0) =	vadd.scan.msk.s32 $0xffff, v12;
	v11 =	vnsel vm2, $0x0, v11  }
0x1fc: {  	(xrf0) =	vadd.scan.msk.s32 $0xffff, v11;
	_ =	sdelay $0x2  }
0x1fd: {  	s5 =	simm.s32 $0xBB90  }
0x1fe: {  	v11 =	vld [tilespmem:s5+$0x0]  }
0x1ff: {  	v12, _, _ =	vpop (xrf0)  }
0x200: {  	s8 =	simm.s32 $0xBBA0;
	s9 =	simm.s32 $0x10;
	(v2sf) =	vpush v12, $0xF;
	v13, _, _ =	vpop (xrf0)  }
0x201: {  	v12 =	vld [tilespmem:s8+$0x0];
	(v2sf) =	vpush v13, $0xF;
	v13 =	vmov s9  }
0x202: {  	v14 =	vor.u32 s9, v0;
	vm1 =	veq.s32 v13, v7  }
0x203: {  	s10 =	simm.s32 $0x20;
	vm2 =	veq.s32 v14, v10;
	v13 =	vnsel vm1, $0x0, v11  }
0x204: {  	v14 =	vmov s10;
	v11 =	vnsel vm2, $0x0, v11;
	(xrf0) =	vadd.scan.msk.s32 $0xffff, v13  }
0x205: {  	vm1 =	veq.s32 v14, v7;
	(xrf0) =	vadd.scan.msk.s32 $0xffff, v11;
	v11 =	vor.u32 s10, v0  }
0x206: {  	v13 =	vnsel vm1, $0x0, v12;
	vm1 =	veq.s32 v11, v10  }
0x207: {  	s12 =	simm.s32 $0xBBB0;
	(xrf0) =	vadd.scan.msk.s32 $0xffff, v13;
	v11 =	vnsel vm1, $0x0, v12  }
0x208: {  	v12 =	vld [tilespmem:s12+$0x0];
	(xrf0) =	vadd.scan.msk.s32 $0xffff, v11  }
0x209: {  	s13 =	simm.s32 $0x30  }
0x20a: {  	v13 =	vmov s13  }
0x20b: {  	v11, _, _ =	vpop (xrf0)  }
0x20c: {  	vm1 =	veq.s32 v13, v7;
	v15, _, _ =	vpop (xrf0);
	(v2sf) =	vpush v11, $0xF;
	v11 =	vor.u32 s13, v0  }
0x20d: {  	(v2sf) =	vpush v15, $0xF;
	vm2 =	veq.s32 v11, v10;
	v11 =	vnsel vm1, $0x0, v12;
	v13, _, _ =	vpop (xrf0)  }
0x20e: {  	(v2sf) =	vpush v13, $0xF;
	(xrf0) =	vadd.scan.msk.s32 $0xffff, v11;
	v11 =	vnsel vm2, $0x0, v12;
	v12, _, _ =	vpop (xrf0)  }
0x20f: {  	s30 =	spop (v2sf);
	(v2sf) =	vpush v12, $0xF;
	_ =	sdelay $0x1  }
0x210: {  	s14 =	simm.s32 $0xBBC0  }
0x211: {  	v14 =	vld [tilespmem:s14+$0x0];
	_ =	sdelay $0x1  }
0x212: {  	s15 =	simm.s32 $0x40;
	(xrf0) =	vadd.scan.msk.s32 $0xffff, v11  }
0x213: {  	v15 =	vor.u32 s15, v0;
	v13 =	vmov s15  }
0x214: {  	s8 =	simm.s32 $0x50;
	vm1 =	veq.s32 v15, v10;
	vm2 =	veq.s32 v13, v7  }
0x215: {  	s9 =	simm.s32 $0xBBD0;
	s7 =	sadd.s32 $0x0, s30;
	v11 =	vnsel vm1, $0x0, v14;
	v12 =	vnsel vm2, $0x0, v14;
	s10 =	spop (v2sf)  }
.LBB2_19:
0x216: {  	p0 =	sne.s32 s8, $0xF0  }
0x217: {  	v13 =	vld [tilespmem:s9+$0x0];
	(xrf0) =	vadd.scan.msk.s32 $0xffff, v12;
	v12, _, _ =	vpop (xrf0);
	s4 =	sadd.s32 s4, s10;
	s10 =	smov.u32 s8;
	s8 =	sadd.s32 $0x10, s8  }
.Ltmp8:
0x218: {  	(xrf0) =	vadd.scan.msk.s32 $0xffff, v11;
	v11, _, _ =	vpop (xrf0);
	(v2sf) =	vpush v12, $0xF;
	(pc) =	sbr.rel @p0 .LBB2_19-.Ltmp8, $4  }
0x219: {  	(v2sf) =	vpush v11, $0xF  }
0x21a: {  	v12 =	vor.u32 s10, v0;
	v11 =	vmov s10  }
0x21b: {  	vm1 =	veq.s32 v12, v10;
	vm2 =	veq.s32 v11, v7;
	s10 =	spop (v2sf)  }
0x21c: {  	s9 =	sadd.s32 $0x10, s9;
	v11 =	vnsel vm1, $0x0, v13;
	v12 =	vnsel vm2, $0x0, v13;
	s7 =	sadd.s32 s7, s10;
	s10 =	spop (v2sf)  }
0x21d: {  	(xrf0) =	vadd.scan.msk.s32 $0xffff, v12  }
0x21e: {  	(xrf0) =	vadd.scan.msk.s32 $0xffff, v11;
	_ =	sdelay $0x2  }
0x21f: {  	v10, _, _ =	vpop (xrf0)  }
0x220: {  	v11, _, _ =	vpop (xrf0);
	(v2sf) =	vpush v10, $0xF  }
0x221: {  	(v2sf) =	vpush v11, $0xF;
	v10, _, _ =	vpop (xrf0)  }
0x222: {  	v11, _, _ =	vpop (xrf0);
	(v2sf) =	vpush v10, $0xF  }
0x223: {  	(v2sf) =	vpush v11, $0xF;
	_ =	sdelay $0x7  }
0x224: {  	s8 =	spop (v2sf)  }
0x225: {  	s9 =	spop (v2sf)  }
0x226: {  	s12 =	spop (v2sf)  }
0x227: {  	s13 =	spop (v2sf)  }
0x228: {  	s4 =	sadd.s32 s4, s10;
	s7 =	sadd.s32 s7, s8;
	s10 =	spop (v2sf)  }
0x229: {  	s8 =	simm.s32 $0x0;
	s4 =	sadd.s32 s4, s9;
	s14 =	spop (v2sf)  }
0x22a: {  	s7 =	sadd.s32 s7, s12;
	s4 =	sadd.s32 s4, s13;
	s15 =	spop (v2sf)  }
0x22b: {  	s7 =	sadd.s32 s7, s10;
	s4 =	sadd.s32 s4, s14;
	s30 =	spop (v2sf)  }
0x22c: {  	v12 =	vimm.s32 $0x0;
	v10 =	vimm.s32 $0x0;
	v11 =	vmov s2;
	s9 =	sadd.s32 s7, s15;
	s7 =	simm.s32 $0x0;
	s4 =	sadd.s32 s4, s30  }
.LBB2_21:
0x22d: {  	s10 =	sshll.u32 s8, $0x8  }
0x22e: {  	s10 =	sand.u32 $0x3FFFFF00, s10  }
0x22f: {  	s12 =	sand.u32 $0x80, s7;
	s10 =	sadd.s32 $0xAA80, s10  }
0x230: {  	s13 =	sand.u32 $0x70, s7;
	s12 =	sadd.s32 s12, s10  }
0x231: {  	s14 =	simm.s32 $0x10;
	s12 =	sadd.s32 s13, s12  }
0x232: {  	s5 =	sand.u32 $0x80, s14;
	v13 =	vld [tilespmem:s12+$0x0]  }
0x233: {  	s15 =	sand.u32 $0x70, s14;
	s12 =	sadd.s32 s5, s10  }
0x234: {  	s12 =	sadd.s32 s15, s12  }
0x235: {  	s13 =	simm.s32 $0x20;
	v14 =	vld [tilespmem:s12+$0x0]  }
0x236: {  	v15 =	vor.u32 s7, v0;
	s15 =	sand.u32 $0x80, s13  }
0x237: {  	vm1 =	vgt.u32 v15, v11;
	vm2 =	veq.s32 v15, v11;
	s5 =	sand.u32 $0x70, s13;
	s15 =	sadd.s32 s15, s10;
	v15 =	vshll.u32 v13, $0x12  }
0x238: {  	s12 =	sadd.s32 s5, s15;
	v13 =	vnsel vm1, $0x0, v13;
	v15 =	vnsel vm2, $0x0, v15  }
0x239: {  	v16 =	vld [tilespmem:s12+$0x0];
	v13 =	vadd.s32 v13, v15;
	v15 =	vor.u32 s14, v0  }
0x23a: {  	vm1 =	vgt.u32 v15, v11;
	vm2 =	veq.s32 v15, v11;
	v15 =	vshll.u32 v14, $0x12  }
0x23b: {  	(xrf0) =	vadd.scan.msk.s32 $0xffff, v13;
	v14 =	vnsel vm1, $0x0, v14;
	v15 =	vnsel vm2, $0x0, v15  }
0x23c: {  	v17 =	vor.u32 s13, v0;
	v13 =	vadd.s32 v14, v15  }
0x23d: {  	vm1 =	vgt.u32 v17, v11;
	(xrf0) =	vadd.scan.msk.s32 $0xffff, v13  }
0x23e: {  	v14 =	vnsel vm1, $0x0, v16  }
0x23f: {  	vm2 =	veq.s32 v17, v11;
	v62 =	vshll.u32 v16, $0x12  }
0x240: {  	s12 =	simm.s32 $0x30;
	v63 =	vnsel vm2, $0x0, v62  }
0x241: {  	s15 =	sand.u32 $0x80, s12;
	v13 =	vadd.s32 v14, v63;
	v14, _, _ =	vpop (xrf0)  }
0x242: {  	s5 =	sand.u32 $0x70, s12;
	s14 =	sadd.s32 s15, s10;
	(v2sf) =	vpush v14, $0xF  }
0x243: {  	s5 =	sadd.s32 s5, s14;
	v14, _, _ =	vpop (xrf0)  }
0x244: {  	v15 =	vld [tilespmem:s5+$0x0];
	(v2sf) =	vpush v14, $0xF;
	_ =	sdelay $0x1  }
0x245: {  	(xrf0) =	vadd.scan.msk.s32 $0xffff, v13  }
0x246: {  	s13 =	simm.s32 $0x40  }
0x247: {  	s14 =	sand.u32 $0x80, s13;
	v13 =	vor.u32 s12, v0  }
0x248: {  	s15 =	sand.u32 $0x70, s13;
	s12 =	sadd.s32 s14, s10;
	vm1 =	vgt.u32 v13, v11;
	vm2 =	veq.s32 v13, v11;
	v13 =	vshll.u32 v15, $0x12  }
0x249: {  	s12 =	sadd.s32 s15, s12;
	v15 =	vnsel vm1, $0x0, v15;
	v13 =	vnsel vm2, $0x0, v13  }
0x24a: {  	v15 =	vadd.s32 v15, v13;
	v13 =	vld [tilespmem:s12+$0x0]  }
0x24b: {  	s30 =	simm.s32 $0x50;
	s12 =	simm.s32 $0x0;
	(xrf0) =	vadd.scan.msk.s32 $0xffff, v15;
	v14, _, _ =	vpop (xrf0)  }
.LBB2_22:
0x24c: {  	s14 =	sand.u32 $0x80, s30  }
0x24d: {  	p0 =	sne.s32 s30, $0xF0;
	(v2sf) =	vpush v14, $0xF;
	s15 =	smov.u32 s30;
	s30 =	sadd.s32 $0x10, s30  }
.Ltmp9:
0x24e: {  	v14 =	vor.u32 s13, v0;
	s5 =	sand.u32 $0x70, s15;
	s14 =	sadd.s32 s14, s10;
	(pc) =	sbr.rel @p0 .LBB2_22-.Ltmp9, $4  }
0x24f: {  	vm1 =	vgt.u32 v14, v11;
	vm2 =	veq.s32 v14, v11;
	s13 =	smov.u32 s15;
	s5 =	sadd.s32 s5, s14;
	v14 =	vshll.u32 v13, $0x12  }
0x250: {  	v15 =	vnsel vm1, $0x0, v13;
	v13 =	vld [tilespmem:s5+$0x0];
	v16 =	vnsel vm2, $0x0, v14;
	s5 =	spop (v2sf)  }
0x251: {  	v15 =	vadd.s32 v15, v16;
	s12 =	sadd.s32 s12, s5  }
0x252: {  	(xrf0) =	vadd.scan.msk.s32 $0xffff, v15;
	v14, _, _ =	vpop (xrf0)  }
0x253: {  	_ = 	snop  }
0x254: {  	v15 =	vor.u32 s13, v0  }
0x255: {  	vm1 =	vgt.u32 v15, v11;
	vm2 =	veq.s32 v15, v11;
	v15 =	vshll.u32 v13, $0x12  }
0x256: {  	v13 =	vnsel vm1, $0x0, v13;
	v15 =	vnsel vm2, $0x0, v15  }
0x257: {  	v13 =	vadd.s32 v13, v15  }
0x258: {  	(xrf0) =	vadd.scan.msk.s32 $0xffff, v13;
	_ =	sdelay $0x4  }
0x259: {  	(v2sf) =	vpush v14, $0xF;
	v13, _, _ =	vpop (xrf0)  }
0x25a: {  	(v2sf) =	vpush v13, $0xF;
	v13, _, _ =	vpop (xrf0)  }
0x25b: {  	(v2sf) =	vpush v13, $0xF;
	_ =	sdelay $0xa  }
0x25c: {  	s5 =	spop (v2sf)  }
0x25d: {  	s5 =	sadd.s32 s12, s5;
	s10 =	spop (v2sf)  }
0x25e: {  	s5 =	sadd.s32 s5, s10;
	s12 =	spop (v2sf)  }
0x25f: {  	s5 =	sadd.s32 s5, s12;
	s13 =	spop (v2sf)  }
0x260: {  	s5 =	sadd.s32 s5, s13;
	s14 =	spop (v2sf)  }
0x261: {  	s5 =	sadd.s32 s5, s14  }
0x262: {  	s10 =	sand.u32 $0x3FFFF, s5  }
0x263: {  	s15 =	sshra.s32 s5, $0x1F;
	p0 =	slt.s32 s5, $0x1;
	p1 =	sne.s32 s10, $0x0  }
0x264: {  	s30 =	sshrl.u32 s15, $0xE;
	p0 =	por !p0, !p1  }
0x265: {  	s12 =	simm.s32 $0x1;
	s10 =	sadd.s32 s30, s5;
	p0 =	por !p0, !p0  }
0x266: {  	v13 =	vmov s8;
	s8 =	sadd.s32 $0x1, s8;
	s10 =	sshra.s32 s10, $0x12;
	s12 =	simm.s32 @!p0 $0x0  }
0x267: {  	p0 =	seq.s32 s8, $0x10;
	s10 =	ssub.s32 s10, s12  }
.Ltmp10:
0x268: {  	s12 =	sshll.u32 s10, $0x12;
	(pc) =	sbr.rel @!p0 .LBB2_21-.Ltmp10, $4  }
0x269: {  	s5 =	ssub.s32 s5, s12  }
0x26a: {  	vm1 =	veq.s32 v13, v0;
	v14 =	vmov s10;
	v13 =	vmov s5  }
0x26b: {  	v14 =	vnsel vm1, $0x0, v14;
	v13 =	vnsel vm1, $0x0, v13  }
0x26c: {  	v12 =	vadd.s32 v12, v14;
	v10 =	vadd.s32 v10, v13  }
0x26d: {  	s7 =	simm.s32 $0x40;
	s8 =	simm.s32 $0x0  }
.LBB2_25:
0x26e: {  	p0 =	seq.s32 s7, $0x840;
	[tilespmem:s8+$0xBC80] =	vst v2;
	s5 =	smov.u32 s7;
	s7 =	sadd.s32 $0x40, s7  }
.Ltmp11:
0x26f: {  	[tilespmem:s8+$0xBF00] =	vst v2;
	(pc) =	sbr.rel @!p0 .LBB2_25-.Ltmp11, $2  }
0x270: {  	_ =	sdelay $0x2  }
0x271: {  	s8 =	sshra.s32 s5, $0x2  }
0x272: {  	(xrf0) =	vadd.scan.msk.s32 $0xffff, v12;
	_ =	sdelay $0x4  }
0x273: {  	s4 =	ssub.s32 $0x200, s4  }
0x274: {  	v14 =	vadd.s32 s4, v12;
	v13, _, _ =	vpop (xrf0)  }
0x275: {  	v13 =	vsub.s32 v14, v13  }
0x276: {  	vm1 =	vgt.s32 v13, $0x0  }
0x277: {  	v13 =	vnsel vm1, $0x0, v13  }
0x278: {  	vm1 =	vlt.s32 v13, v12  }
0x279: {  	v12 =	vsel vm1, v13, v12  }
0x27a: {  	v13 =	vnsel vm0, $0x0, v12  }
0x27b: {  	(xrf0) =	vadd.scan.msk.s32 $0xffff, v13;
	_ =	sdelay $0x2  }
.Ltmp12:
0x27c: {  	_ = 	snop;
	(pc) =	sbr.rel .LBB2_27-.Ltmp12, $4  }
0x27d: {  	_ = 	snop  }
0x27e: {  	[tilespmem:s8+$0xBC80] =	vst v2  }
0x27f: {  	[tilespmem:s8+$0xBF00] =	vst v2;
	s8 =	simm.s32 $0x0;
	v13, _, _ =	vpop (xrf0)  }
0x280: {  	s13 =	smov.u32 s3;
	s7 =	simm.s32 $0x0;
	s4 =	simm.s32 $0x0;
	v13 =	vbroadcast v13, $0xF  }
.LBB2_30:
0x281: {  	[tilespmem:s12+$0xBF00] =	vst.msk vm1, v14  }
.LBB2_31:
0x282: {  	s4 =	sadd.s32 $0x1, s4  }
0x283: {  	p0 =	sne.s32 s4, $0x5  }
.Ltmp13:
0x284: {  	_ = 	snop;
	(pc) =	sbr.rel @!p0 .LBB2_32-.Ltmp13, $2  }
0x285: {  	_ =	sdelay $0x2  }
0x286: {  	s13 =	sadd.s32 $0x2000, s13  }
.LBB2_27:
0x287: {  	v14 =	vmov s4  }
0x288: {  	vm1 =	veq.s32 v14, v0  }
0x289: {  	v14 =	vnsel vm1, $0x0, v9  }
0x28a: {  	(xrf0) =	vadd.scan.msk.s32 $0xffff, v14;
	_ =	sdelay $0x5  }
0x28b: {  	v14, _, _ =	vpop (xrf0)  }
0x28c: {  	(v2sf) =	vpush v14, $0xF;
	_ =	sdelay $0xe  }
0x28d: {  	s5 =	spop (v2sf)  }
0x28e: {  	p0 =	slt.s32 s5, s2  }
.Ltmp14:
0x28f: {  	_ = 	snop;
	(pc) =	sbr.rel @p0 .LBB2_31-.Ltmp14, $1  }
0x290: {  	_ =	sdelay $0x3  }
0x291: {  	s5 =	sshll.u32 s4, $0xD  }
0x292: {  	s5 =	sadd.s32 s3, s5  }
0x293: {  	s5 =	sadd.s32 s5, s1  }
0x294: {  	[tilespmem:s24], [sflag:$0x3] =	stream.linear.gather [spmem:s5], $0x2000, $0x38;
	[tilespmem:$0x1B200] =	vst v63  }
0x295: {  	_ =	swait.ge [sflag:s23], $0x2000  }
0x296: {  	[sflag:s23] =	ssyncset.done $0x0  }
0x297: {  	s30 =	simm.s32 $0x49A0;
	[sflag:s23] =	ssyncadd.s32 $0xFFFFE000  }
0x298: {  	v15 =	vld [tilespmem:s30+$0xFFFFFFE0];
	_ =	sdelay $0x1  }
0x299: {  	v16 =	vld [tilespmem:s30+$0xFFFFFFF0]  }
0x29a: {  	v17 =	vld [tilespmem:s30+$0x0];
	_ =	sdelay $0x1  }
0x29b: {  	vm3 =	veq.s32 v15, v11  }
0x29c: {  	v14 =	vmpcnt.ones.xlane vm3  }
0x29d: {  	vm2 =	veq.s32 v16, v11  }
0x29e: {  	vm1 =	veq.s32 v17, v11;
	v18 =	vmpcnt.ones.xlane vm2;
	(v2sf) =	vpush v14, $0x0  }
0x29f: {  	v19 =	vmpcnt.ones.xlane vm1  }
0x2a0: {  	v14 =	vsel vm3, $0x1, v2;
	(v2sf) =	vpush v18, $0x0  }
0x2a1: {  	(xrf0) =	vadd.scan.msk.s32 $0xffff, v14;
	(v2sf) =	vpush v19, $0x0;
	_ =	sdelay $0x1  }
0x2a2: {  	v14 =	vld [tilespmem:s30+$0x10];
	_ =	sdelay $0x2  }
0x2a3: {  	v47 =	vsel vm2, $0x1, v2  }
0x2a4: {  	v46 =	vsel vm3, $0xFFFFFFFF, v2;
	v20, _, _ =	vpop (xrf0);
	(xrf0) =	vadd.scan.msk.s32 $0xffff, v47  }
0x2a5: {  	v21 =	vsel vm1, $0x1, v2;
	v18 =	vadd.s32 s8, v46;
	vm4 =	veq.s32 v14, v11  }
0x2a6: {  	v48 =	vsel vm4, $0x1, v2;
	v18 =	vadd.s32 v20, v18;
	(xrf0) =	vadd.scan.msk.s32 $0xffff, v21  }
0x2a7: {  	vm5 =	vlt.s32 v18, v13;
	(xrf0) =	vadd.scan.msk.s32 $0xffff, v48  }
0x2a8: {  	vm10 =	vgt.s32 v15, v11;
	vm3 =	vmand vm3, vm5  }
0x2a9: {  	vm11 =	vgt.s32 v16, v11;
	vm3 =	vmor vm10, vm3  }
0x2aa: {  	vm14 =	vgt.s32 v17, v11;
	v52 =	vsel vm2, $0xFFFFFFFF, v2;
	v49 =	vmpcnt.ones.xlane vm3;
	v51, _, _ =	vpop (xrf0);
	s10 =	spop (v2sf)  }
0x2ab: {  	v53 =	vsel vm1, $0xFFFFFFFF, v2;
	v50 =	vmpcnt.ones.xlane vm4;
	v18 =	vadd.s32 v52, v51;
	s5 =	sadd.s32 s8, s10  }
0x2ac: {  	v55 =	vsel vm4, $0xFFFFFFFF, v2;
	(v2sf) =	vpush v49, $0x0;
	v54, _, _ =	vpop (xrf0);
	s12 =	spop (v2sf);
	v18 =	vadd.s32 s5, v18  }
0x2ad: {  	(v2sf) =	vpush v50, $0x0;
	v19 =	vadd.s32 v53, v54;
	v56, _, _ =	vpop (xrf0);
	s5 =	sadd.s32 s12, s5;
	s14 =	spop (v2sf);
	vm6 =	vlt.s32 v18, v13  }
0x2ae: {  	v58 =	vadd.s32 v55, v56;
	v57 =	vadd.s32 s5, v19;
	s5 =	sadd.s32 s14, s5;
	vm2 =	vmand vm2, vm6  }
0x2af: {  	vm12 =	vlt.s32 v57, v13;
	v59 =	vadd.s32 s5, v58;
	vm2 =	vmor vm11, vm2  }
0x2b0: {  	vm1 =	vmand vm1, vm12;
	vm13 =	vlt.s32 v59, v13;
	v60 =	vmpcnt.ones.xlane vm2  }
0x2b1: {  	vm4 =	vmand vm4, vm13;
	vm15 =	vmor vm14, vm1;
	vm1 =	vgt.s32 v14, v11  }
0x2b2: {  	v61 =	vmpcnt.ones.xlane vm15;
	vm1 =	vmor vm1, vm4;
	(v2sf) =	vpush v60, $0x0  }
0x2b3: {  	v62 =	vmpcnt.ones.xlane vm1  }
0x2b4: {  	(v2sf) =	vpush v61, $0x0  }
0x2b5: {  	(v2sf) =	vpush v62, $0x0;
	_ =	sdelay $0x7  }
0x2b6: {  	s8 =	sadd.s32 $0x0, s13  }
0x2b7: {  	v63 =	vor.u32 s8, v0  }
0x2b8: {  	s12 =	sadd.s32 $0x10, s8;
	[tilespmem:s7+$0xBC80] =	vst.msk vm3, v63;
	s10 =	spop (v2sf)  }
0x2b9: {  	[tilespmem:s7+$0xBF00] =	vst.msk vm3, v15;
	v15 =	vor.u32 s12, v0;
	s14 =	spop (v2sf);
	s7 =	sadd.s32 s7, s10  }
0x2ba: {  	s10 =	sadd.s32 $0x20, s8;
	[tilespmem:s7+$0xBC80] =	vst.msk vm2, v15;
	s15 =	spop (v2sf)  }
0x2bb: {  	v15 =	vor.u32 s10, v0;
	[tilespmem:s7+$0xBF00] =	vst.msk vm2, v16;
	s7 =	sadd.s32 s7, s15  }
0x2bc: {  	s8 =	sadd.s32 $0x30, s8;
	s12 =	spop (v2sf);
	[tilespmem:s7+$0xBC80] =	vst.msk vm15, v15  }
0x2bd: {  	s12 =	sadd.s32 s7, s12;
	v15 =	vor.u32 s8, v0;
	s15 =	spop (v2sf);
	[tilespmem:s7+$0xBF00] =	vst.msk vm15, v17  }
0x2be: {  	s10 =	simm.s32 $0x40;
	s8 =	sadd.s32 s14, s5;
	s7 =	sadd.s32 s12, s15;
	[tilespmem:s12+$0xBC80] =	vst.msk vm1, v15  }
.LBB2_29:
0x2bf: {  	p0 =	sne.s32 s10, $0x1FC0  }
0x2c0: {  	[tilespmem:s12+$0xBF00] =	vst.msk vm1, v14;
	s30 =	sadd.s32 $0x40, s30;
	s12 =	smov.u32 s10;
	s10 =	sadd.s32 $0x40, s10  }
0x2c1: {  	v17 =	vld [tilespmem:s30+$0xFFFFFFE0]  }
0x2c2: {  	v16 =	vld [tilespmem:s30+$0xFFFFFFF0]  }
0x2c3: {  	v15 =	vld [tilespmem:s30+$0x0];
	_ =	sdelay $0x2  }
0x2c4: {  	vm2 =	veq.s32 v17, v11  }
0x2c5: {  	vm3 =	veq.s32 v16, v11;
	v14 =	vsel vm2, $0x1, v2;
	v18 =	vmpcnt.ones.xlane vm2  }
0x2c6: {  	vm1 =	veq.s32 v15, v11;
	v19 =	vsel vm3, $0x1, v2;
	v20 =	vmpcnt.ones.xlane vm3;
	(xrf0) =	vadd.scan.msk.s32 $0xffff, v14  }
0x2c7: {  	v21 =	vsel vm1, $0x1, v2;
	v14 =	vmpcnt.ones.xlane vm1;
	(xrf0) =	vadd.scan.msk.s32 $0xffff, v19;
	(v2sf) =	vpush v18, $0x0  }
0x2c8: {  	(v2sf) =	vpush v20, $0x0  }
0x2c9: {  	(v2sf) =	vpush v14, $0x0;
	_ =	sdelay $0x1  }
0x2ca: {  	v18 =	vsel vm2, $0xFFFFFFFF, v2;
	v14 =	vld [tilespmem:s30+$0x10]  }
0x2cb: {  	v18 =	vadd.s32 s8, v18;
	v19, _, _ =	vpop (xrf0)  }
0x2cc: {  	v18 =	vadd.s32 v19, v18;
	v19, _, _ =	vpop (xrf0)  }
0x2cd: {  	vm4 =	vlt.s32 v18, v13  }
0x2ce: {  	vm5 =	vgt.s32 v17, v11;
	vm2 =	vmand vm2, vm4  }
0x2cf: {  	vm4 =	veq.s32 v14, v11;
	vm2 =	vmor vm5, vm2  }
0x2d0: {  	v18 =	vsel vm4, $0x1, v2;
	v20 =	vmpcnt.ones.xlane vm2;
	(xrf0) =	vadd.scan.msk.s32 $0xffff, v21  }
0x2d1: {  	v21 =	vmpcnt.ones.xlane vm4;
	(xrf0) =	vadd.scan.msk.s32 $0xffff, v18  }
0x2d2: {  	(v2sf) =	vpush v20, $0x0  }
0x2d3: {  	(v2sf) =	vpush v21, $0x0;
	_ =	sdelay $0x1  }
0x2d4: {  	v18 =	vsel vm3, $0xFFFFFFFF, v2;
	s5 =	spop (v2sf)  }
0x2d5: {  	vm5 =	vgt.s32 v16, v11;
	v18 =	vadd.s32 v18, v19;
	v19 =	vsel vm1, $0xFFFFFFFF, v2;
	s5 =	sadd.s32 s8, s5;
	v20, _, _ =	vpop (xrf0);
	s8 =	spop (v2sf)  }
0x2d6: {  	v19 =	vadd.s32 v19, v20;
	v20 =	vsel vm4, $0xFFFFFFFF, v2;
	v18 =	vadd.s32 s5, v18;
	s5 =	sadd.s32 s8, s5;
	v21, _, _ =	vpop (xrf0);
	s8 =	spop (v2sf)  }
0x2d7: {  	v20 =	vadd.s32 v20, v21;
	vm6 =	vlt.s32 v18, v13;
	v18 =	vadd.s32 s5, v19;
	s5 =	sadd.s32 s8, s5  }
0x2d8: {  	vm3 =	vmand vm3, vm6;
	vm6 =	vlt.s32 v18, v13;
	v18 =	vadd.s32 s5, v20  }
0x2d9: {  	vm3 =	vmor vm5, vm3;
	vm1 =	vmand vm1, vm6;
	vm5 =	vlt.s32 v18, v13  }
0x2da: {  	vm6 =	vgt.s32 v15, v11;
	v18 =	vmpcnt.ones.xlane vm3;
	vm5 =	vmand vm4, vm5  }
0x2db: {  	vm4 =	vmor vm6, vm1;
	vm1 =	vgt.s32 v14, v11  }
0x2dc: {  	v19 =	vmpcnt.ones.xlane vm4;
	vm1 =	vmor vm1, vm5;
	(v2sf) =	vpush v18, $0x0  }
0x2dd: {  	v18 =	vmpcnt.ones.xlane vm1  }
0x2de: {  	(v2sf) =	vpush v19, $0x0  }
0x2df: {  	(v2sf) =	vpush v18, $0x0  }
0x2e0: {  	s14 =	spop (v2sf)  }
0x2e1: {  	s8 =	spop (v2sf)  }
0x2e2: {  	s8 =	sadd.s32 s8, s5;
	_ =	sdelay $0x4  }
0x2e3: {  	s5 =	sadd.s32 s12, s13  }
0x2e4: {  	v18 =	vor.u32 s5, v0;
	s12 =	sadd.s32 $0x10, s5;
	s15 =	sadd.s32 $0x20, s5;
	s5 =	sadd.s32 $0x30, s5  }
0x2e5: {  	[tilespmem:s7+$0xBC80] =	vst.msk vm2, v18  }
0x2e6: {  	[tilespmem:s7+$0xBF00] =	vst.msk vm2, v17;
	s7 =	sadd.s32 s7, s14;
	v17 =	vor.u32 s12, v0  }
.Ltmp15:
0x2e7: {  	[tilespmem:s7+$0xBC80] =	vst.msk vm3, v17;
	s12 =	spop (v2sf);
	(pc) =	sbr.rel @p0 .LBB2_29-.Ltmp15, $4  }
0x2e8: {  	[tilespmem:s7+$0xBF00] =	vst.msk vm3, v16;
	s7 =	sadd.s32 s7, s12;
	v16 =	vor.u32 s15, v0  }
0x2e9: {  	[tilespmem:s7+$0xBC80] =	vst.msk vm4, v16;
	s12 =	spop (v2sf)  }
0x2ea: {  	[tilespmem:s7+$0xBF00] =	vst.msk vm4, v15;
	s12 =	sadd.s32 s7, s12;
	v15 =	vor.u32 s5, v0;
	s5 =	spop (v2sf)  }
0x2eb: {  	[tilespmem:s12+$0xBC80] =	vst.msk vm1, v15;
	s7 =	sadd.s32 s12, s5  }
.Ltmp16:
0x2ec: {  	_ = 	snop;
	(pc) =	sbr.rel .LBB2_30-.Ltmp16, $1  }
0x2ed: {  	_ =	sdelay $0x3  }
.LBB2_32:
0x2ee: {  	s2 =	rddreg [dreg:$0xc];
	s4 =	simm.s32 $0xBC80  }
0x2ef: {  	[spmem:s2] =	stream.linear.scatter [tilespmem:s4], [sflag:$0x3], $0x220, $0x38;
	[tilespmem:$0x1B200] =	vst v63  }
0x2f0: {  	_ =	swait.ge [sflag:s23], $0x220  }
0x2f1: {  	[sflag:s23] =	ssyncset.done $0x0  }
0x2f2: {  	s12 =	simm.s32 $0xBF00;
	s10 =	rddreg [dreg:$0xd];
	[sflag:s23] =	ssyncadd.s32 $0xFFFFFDE0  }
0x2f3: {  	[spmem:s10] =	stream.linear.scatter [tilespmem:s12], [sflag:$0x3], $0x220, $0x38;
	[tilespmem:$0x1B200] =	vst v63  }
0x2f4: {  	_ =	swait.ge [sflag:s23], $0x220  }
0x2f5: {  	[sflag:s23] =	ssyncset.done $0x0  }
0x2f6: {  	[sflag:s23] =	ssyncadd.s32 $0xFFFFFDE0  }
0x2f7: {  	[bflag:$0x0] =	sbarrier.arrive $0xFFFF  }
0x2f8: {  	s14 =	simm.s32 $0xC180;
	s13 =	rddreg [dreg:$0x4]  }
0x2f9: {  	[tilespmem:s14], [sflag:$0x3] =	stream.linear.gather [spmem:s13], $0x2200, $0x38;
	[tilespmem:$0x1B200] =	vst v63  }
0x2fa: {  	_ =	swait.ge [sflag:s23], $0x2200  }
0x2fb: {  	[sflag:s23] =	ssyncset.done $0x0  }
0x2fc: {  	[sflag:s23] =	ssyncadd.s32 $0xFFFFDE00  }
0x2fd: {  	s30 =	simm.s32 $0xE380;
	s15 =	rddreg [dreg:$0x5]  }
0x2fe: {  	[tilespmem:s30], [sflag:$0x3] =	stream.linear.gather [spmem:s15], $0x2200, $0x38;
	[tilespmem:$0x1B200] =	vst v63  }
0x2ff: {  	_ =	swait.ge [sflag:s23], $0x2200  }
0x300: {  	[sflag:s23] =	ssyncset.done $0x0  }
0x301: {  	s2 =	simm.s32 $0x40;
	s4 =	simm.s32 $0x0;
	[sflag:s23] =	ssyncadd.s32 $0xFFFFDE00  }
.LBB2_33:
0x302: {  	p0 =	sne.s32 s2, $0x7FC0;
	[tilespmem:s4+$0x4980] =	vst v8;
	s4 =	smov.u32 s2;
	s2 =	sadd.s32 $0x40, s2  }
.Ltmp17:
0x303: {  	(pc) =	sbr.rel @p0 .LBB2_33-.Ltmp17, $2  }
0x304: {  	_ =	sdelay $0x2  }
0x305: {  	s4 =	sshra.s32 s4, $0x2  }
0x306: {  	[tilespmem:s4+$0x4980] =	vst v8  }
0x307: {  	[spmem:s11] =	stream.linear.scatter [tilespmem:s24], [sflag:$0x1], $0x2000, $0x38;
	[tilespmem:$0x1B200] =	vst v63  }
0x308: {  	_ = 	snop  }
0x309: {  	[spmem:s18] =	stream.linear.scatter [tilespmem:s24], [sflag:$0x1], $0x2000, $0x38;
	[tilespmem:$0x1B200] =	vst v63  }
0x30a: {  	_ = 	snop  }
0x30b: {  	[spmem:s19] =	stream.linear.scatter [tilespmem:s24], [sflag:$0x1], $0x2000, $0x38;
	[tilespmem:$0x1B200] =	vst v63  }
0x30c: {  	_ = 	snop  }
0x30d: {  	[spmem:s20] =	stream.linear.scatter [tilespmem:s24], [sflag:$0x1], $0x2000, $0x38;
	[tilespmem:$0x1B200] =	vst v63  }
0x30e: {  	s2 =	simm.s32 $0x40;
	s4 =	simm.s32 $0x0  }
0x30f: {  	[spmem:s21] =	stream.linear.scatter [tilespmem:s24], [sflag:$0x1], $0x2000, $0x38;
	[tilespmem:$0x1B200] =	vst v63  }
.LBB2_35:
0x310: {  	p0 =	sne.s32 s2, $0x840;
	[tilespmem:s4+$0x10580] =	vst v2;
	s5 =	smov.u32 s2;
	s2 =	sadd.s32 $0x40, s2  }
.Ltmp18:
0x311: {  	[tilespmem:s4+$0x10800] =	vst v2;
	(pc) =	sbr.rel @p0 .LBB2_35-.Ltmp18, $2  }
0x312: {  	_ =	sdelay $0x2  }
0x313: {  	s4 =	sshra.s32 s5, $0x2  }
0x314: {  	v9 =	vadd.s32 v10, v12  }
0x315: {  	(xrf0) =	vadd.scan.msk.s32 $0xffff, v9;
	_ =	sdelay $0x5  }
0x316: {  	[tilespmem:s4+$0x10580] =	vst v2;
	s2 =	simm.s32 $0x0;
	v10, _, _ =	vpop (xrf0)  }
0x317: {  	[tilespmem:s4+$0x10800] =	vst v2;
	s4 =	simm.s32 $0xC180;
	s7 =	simm.s32 $0xE380;
	s8 =	simm.s32 $0x0;
	v11 =	vsub.s32 v10, v9  }
.LBB2_37:
0x318: {  	v12 =	vmov s8  }
0x319: {  	vm1 =	veq.s32 v12, v0  }
0x31a: {  	v12 =	vnsel vm1, $0x0, v9  }
0x31b: {  	(xrf0) =	vadd.scan.msk.s32 $0xffff, v12;
	v12 =	vnsel vm1, $0x0, v11  }
0x31c: {  	(xrf0) =	vadd.scan.msk.s32 $0xffff, v12;
	_ =	sdelay $0x4  }
0x31d: {  	v12, _, _ =	vpop (xrf0)  }
0x31e: {  	v13, _, _ =	vpop (xrf0)  }
0x31f: {  	(v2sf) =	vpush v13, $0xF;
	_ =	sdelay $0xd  }
0x320: {  	v13 =	vld [tilespmem:s4+$0x0]  }
0x321: {  	v14 =	vld [tilespmem:s7+$0x0];
	s5 =	spop (v2sf)  }
0x322: {  	v12 =	vbroadcast v12, $0xF;
	s5 =	sshll.u32 s5, $0x2  }
0x323: {  	v15 =	vor.u32 s2, v0;
	s5 =	sshra.s32 s5, $0x2  }
0x324: {  	vm1 =	vlt.s32 v15, v12;
	s12 =	sadd.s32 $0x10580, s5  }
0x325: {  	s10 =	sadd.s32 $0x10800, s5;
	[tilespmem:s12+$0x0] =	vst.msk vm1, v13  }
0x326: {  	s13 =	sadd.s32 $0x10, s4;
	[tilespmem:s10+$0x0] =	vst.msk vm1, v14  }
0x327: {  	s30 =	sadd.s32 $0x10, s7;
	v13 =	vld [tilespmem:s13+$0x0]  }
0x328: {  	s14 =	simm.s32 $0x10;
	s15 =	simm.s32 $0x20;
	v14 =	vld [tilespmem:s30+$0x0]  }
.LBB2_38:
0x329: {  	p0 =	sne.s32 s15, $0x210  }
0x32a: {  	v15 =	vor.u32 s14, v0;
	s14 =	smov.u32 s15  }
.Ltmp19:
0x32b: {  	s12 =	sadd.s32 $0x10, s12;
	vm1 =	vlt.s32 v15, v12;
	(pc) =	sbr.rel @p0 .LBB2_38-.Ltmp19, $4  }
0x32c: {  	s10 =	sadd.s32 $0x10, s10;
	[tilespmem:s12+$0x0] =	vst.msk vm1, v13  }
0x32d: {  	s13 =	sadd.s32 $0x10, s13;
	[tilespmem:s10+$0x0] =	vst.msk vm1, v14  }
0x32e: {  	s30 =	sadd.s32 $0x10, s30;
	v13 =	vld [tilespmem:s13+$0x0]  }
0x32f: {  	s15 =	sadd.s32 $0x10, s15;
	v14 =	vld [tilespmem:s30+$0x0]  }
0x330: {  	s8 =	sadd.s32 $0x1, s8  }
0x331: {  	p0 =	seq.s32 s8, $0x10  }
.Ltmp20:
0x332: {  	_ = 	snop;
	(pc) =	sbr.rel @!p0 .LBB2_37-.Ltmp20, $4  }
0x333: {  	v15 =	vor.u32 s14, v0  }
0x334: {  	s5 =	sadd.s32 $0x10, s12;
	vm1 =	vlt.s32 v15, v12  }
0x335: {  	s30 =	sadd.s32 $0x10, s10;
	[tilespmem:s5+$0x0] =	vst.msk vm1, v13  }
0x336: {  	s4 =	sadd.s32 $0x220, s4;
	s7 =	sadd.s32 $0x220, s7;
	[tilespmem:s30+$0x0] =	vst.msk vm1, v14  }
0x337: {  	(v2sf) =	vpush v10, $0xF;
	_ =	sdelay $0xd  }
0x338: {  	v9 =	vimm.s32 $0x0  }
0x339: {  	s4 =	simm.s32 $0x0;
	p0 =	sgt.s32 s9, $0x200;
	v10 =	vimm.s32 $0x0;
	v11 =	vimm.s32 $0x0;
	v12 =	vimm.s32 $0x0;
	s2 =	spop (v2sf)  }
.LBB2_41:
0x33a: {  	s7 =	sadd.s32 s16, s4;
	s8 =	sand.u32 $0xF, s4  }
0x33b: {  	p1 =	seq.s32 s7, $0x0;
	p2 =	sne.s32 s8, $0x0  }
0x33c: {  	p1 =	por !p1, !p2  }
0x33d: {  	s5 =	simm.s32 $0xFFFFFFFF;
	p1 =	por !p1, !p1  }
0x33e: {  	s5 =	simm.s32 @!p1 $0x0  }
0x33f: {  	s5 =	sshll.u32 s5, $0x4  }
0x340: {  	s5 =	sadd.s32 s7, s5  }
0x341: {  	s5 =	sand.u32 $0xFFFFFFF0, s5  }
0x342: {  	v13 =	vld [tilespmem:s5+$0x10800]  }
0x343: {  	v14 =	vld [tilespmem:s5+$0x10580]  }
0x344: {  	s5 =	ssub.s32 s7, s5  }
0x345: {  	v15 =	vmov s5  }
0x346: {  	vm1 =	veq.s32 v15, v0  }
0x347: {  	v13 =	vnsel vm1, $0x0, v13  }
0x348: {  	(xrf0) =	vadd.scan.msk.s32 $0xffff, v13;
	v13 =	vnsel vm1, $0x0, v14  }
0x349: {  	(xrf0) =	vadd.scan.msk.s32 $0xffff, v13;
	_ =	sdelay $0x1  }
0x34a: {  	s12 =	simm.s32 $0x0  }
0x34b: {  	v16 =	vld [tilespmem:s12+$0x10800]  }
0x34c: {  	s13 =	simm.s32 $0x10;
	v17 =	vld [tilespmem:s12+$0x10580]  }
0x34d: {  	v18 =	vld [tilespmem:s13+$0x10800];
	v14, _, _ =	vpop (xrf0)  }
0x34e: {  	s14 =	simm.s32 $0x20;
	v19 =	vld [tilespmem:s13+$0x10580];
	v13, _, _ =	vpop (xrf0)  }
0x34f: {  	v20 =	vld [tilespmem:s14+$0x10800];
	v14 =	vbroadcast v14, $0xF;
	v15 =	vbroadcast v13, $0xF  }
0x350: {  	v21 =	vld [tilespmem:s14+$0x10580]  }
0x351: {  	vm2 =	veq.s32 v16, v14;
	vm3 =	vgt.s32 v16, v14;
	vm1 =	vlt.s32 v17, v15  }
0x352: {  	v16 =	vsel vm3, $0x1, v2;
	vm3 =	vgt.s32 v18, v14;
	vm1 =	vmand vm2, vm1  }
0x353: {  	vm2 =	vlt.s32 v19, v15;
	v17 =	vsel vm1, $0x1, v2;
	vm1 =	veq.s32 v18, v14  }
0x354: {  	v16 =	vadd.s32 v16, v17;
	vm1 =	vmand vm1, vm2;
	v17 =	vsel vm3, $0x1, v2  }
0x355: {  	vm2 =	veq.s32 v20, v14;
	vm3 =	vlt.s32 v21, v15;
	v19 =	vsel vm1, $0x1, v2;
	(xrf0) =	vadd.scan.msk.s32 $0xffff, v16  }
0x356: {  	vm1 =	vgt.s32 v20, v14;
	vm2 =	vmand vm2, vm3;
	v16 =	vadd.s32 v17, v19  }
0x357: {  	v17 =	vsel vm1, $0x1, v2;
	v19 =	vsel vm2, $0x1, v2;
	(xrf0) =	vadd.scan.msk.s32 $0xffff, v16  }
0x358: {  	v16 =	vadd.s32 v17, v19;
	_ =	sdelay $0x1  }
0x359: {  	s15 =	simm.s32 $0x30  }
0x35a: {  	v18 =	vld [tilespmem:s15+$0x10800];
	(xrf0) =	vadd.scan.msk.s32 $0xffff, v16;
	v16, _, _ =	vpop (xrf0)  }
0x35b: {  	v20 =	vld [tilespmem:s15+$0x10580];
	(v2sf) =	vpush v16, $0xF  }
0x35c: {  	v19, _, _ =	vpop (xrf0)  }
0x35d: {  	(v2sf) =	vpush v19, $0xF;
	_ =	sdelay $0x2  }
0x35e: {  	vm1 =	veq.s32 v18, v14;
	vm2 =	vlt.s32 v20, v15  }
0x35f: {  	s30 =	simm.s32 $0x40;
	vm3 =	vgt.s32 v18, v14;
	vm1 =	vmand vm1, vm2  }
0x360: {  	v17 =	vsel vm3, $0x1, v2;
	v18 =	vsel vm1, $0x1, v2;
	v16 =	vld [tilespmem:s30+$0x10800]  }
0x361: {  	v18 =	vadd.s32 v17, v18;
	v17 =	vld [tilespmem:s30+$0x10580];
	_ =	sdelay $0x2  }
0x362: {  	s10 =	simm.s32 $0x140;
	s9 =	simm.s32 $0x0;
	(xrf0) =	vadd.scan.msk.s32 $0xffff, v18;
	v18, _, _ =	vpop (xrf0)  }
.LBB2_42:
0x363: {  	s5 =	sshra.s32 s10, $0x2;
	(v2sf) =	vpush v18, $0xF;
	v18 =	vmov v16;
	p1 =	sne.s32 s10, $0x840  }
.Ltmp21:
0x364: {  	s10 =	sadd.s32 $0x40, s10;
	v16 =	vld [tilespmem:s5+$0x10800];
	vm1 =	veq.s32 v18, v14;
	vm2 =	vlt.s32 v17, v15;
	(pc) =	sbr.rel @p1 .LBB2_42-.Ltmp21, $4  }
0x365: {  	vm3 =	vgt.s32 v18, v14;
	v17 =	vld [tilespmem:s5+$0x10580];
	vm1 =	vmand vm1, vm2  }
0x366: {  	v20 =	vsel vm3, $0x1, v2;
	v19 =	vsel vm1, $0x1, v2;
	s5 =	spop (v2sf)  }
0x367: {  	v19 =	vadd.s32 v20, v19;
	s9 =	sadd.s32 s9, s5  }
0x368: {  	(xrf0) =	vadd.scan.msk.s32 $0xffff, v19;
	v18, _, _ =	vpop (xrf0)  }
0x369: {  	_ = 	snop  }
0x36a: {  	vm2 =	veq.s32 v16, v14;
	vm1 =	vlt.s32 v17, v15  }
0x36b: {  	vm3 =	vgt.s32 v16, v14;
	vm1 =	vmand vm2, vm1  }
0x36c: {  	v14 =	vsel vm3, $0x1, v2;
	v15 =	vsel vm1, $0x1, v2  }
0x36d: {  	v14 =	vadd.s32 v14, v15  }
0x36e: {  	(xrf0) =	vadd.scan.msk.s32 $0xffff, v14;
	_ =	sdelay $0x4  }
0x36f: {  	(v2sf) =	vpush v18, $0xF;
	v14, _, _ =	vpop (xrf0)  }
0x370: {  	(v2sf) =	vpush v14, $0xF;
	v14, _, _ =	vpop (xrf0)  }
0x371: {  	(v2sf) =	vpush v14, $0xF;
	_ =	sdelay $0x1  }
0x372: {  	(v2sf) =	vpush v13, $0xF;
	_ =	sdelay $0x8  }
0x373: {  	s5 =	spop (v2sf)  }
0x374: {  	s5 =	sadd.s32 s9, s5;
	s10 =	spop (v2sf)  }
0x375: {  	s5 =	sadd.s32 s5, s10;
	s14 =	spop (v2sf)  }
0x376: {  	p1 =	slt.s32 s7, s2;
	s5 =	sadd.s32 s5, s14;
	s15 =	spop (v2sf)  }
0x377: {  	p6 =	slt.u32 s4, $0x10;
	s5 =	sadd.s32 s5, s15;
	s30 =	spop (v2sf)  }
0x378: {  	s4 =	sadd.s32 $0x1, s4;
	s9 =	smov.u32 s7;
	s5 =	sadd.s32 s5, s30  }
0x379: {  	s7 =	sor.u32 $0xA0000, s7;
	v13 =	vmov s8;
	s9 =	smov.u32 @p0 s5;
	s5 =	spop (v2sf)  }
0x37a: {  	vm1 =	veq.s32 v13, v0;
	v13 =	vmov s9;
	s7 =	smov.u32 @p1 s5;
	p1 =	sne.s32 s4, $0x20  }
.Ltmp22:
0x37b: {  	v13 =	vnsel vm1, $0x0, v13;
	(pc) =	sbr.rel @p1 .LBB2_41-.Ltmp22, $4  }
0x37c: {  	v15 =	vmov s7;
	v14 =	vpsel !p6, $0x0, v13  }
0x37d: {  	v12 =	vadd.s32 v12, v14;
	v14 =	vnsel vm1, $0x0, v15  }
0x37e: {  	v13 =	vpsel p6, $0x0, v13;
	v15 =	vpsel !p6, $0x0, v14;
	v14 =	vpsel p6, $0x0, v14  }
0x37f: {  	v10 =	vadd.s32 v10, v13;
	v11 =	vadd.s32 v11, v15;
	v9 =	vadd.s32 v9, v14  }
0x380: {  	[tilespmem:$0x10A80] =	vst v12  }
0x381: {  	[tilespmem:$0x10B00] =	vst v10  }
0x382: {  	[tilespmem:$0x10B80] =	vst v11  }
0x383: {  	[tilespmem:$0x10C00] =	vst v9  }
0x384: {  	_ =	swait.ge [sflag:s25], $0x2000  }
0x385: {  	[sflag:s25] =	ssyncset.done $0x0  }
0x386: {  	[sflag:s25] =	ssyncadd.s32 $0xFFFFE000  }
0x387: {  	_ =	swait.ge [sflag:s25], $0x2000  }
0x388: {  	[sflag:s25] =	ssyncset.done $0x0  }
0x389: {  	[sflag:s25] =	ssyncadd.s32 $0xFFFFE000  }
0x38a: {  	_ =	swait.ge [sflag:s25], $0x2000  }
0x38b: {  	[sflag:s25] =	ssyncset.done $0x0  }
0x38c: {  	[sflag:s25] =	ssyncadd.s32 $0xFFFFE000  }
0x38d: {  	_ =	swait.ge [sflag:s25], $0x2000  }
0x38e: {  	[sflag:s25] =	ssyncset.done $0x0  }
0x38f: {  	[sflag:s25] =	ssyncadd.s32 $0xFFFFE000  }
0x390: {  	_ =	swait.ge [sflag:s25], $0x2000  }
0x391: {  	[sflag:s25] =	ssyncset.done $0x0  }
0x392: {  	[sflag:s25] =	ssyncadd.s32 $0xFFFFE000  }
0x393: {  	s2 =	simm.s32 $0x10B80;
	s4 =	simm.s32 $0x10A80;
	[bflag:$0x0] =	sbarrier.arrive $0xFFFF  }
0x394: {  	[spmem:s1] =	stream.indirect.scatter [tilespmem:s4], [sflag:$0x3], $0x1, s2, s17, $0xb8;
	[tilespmem:$0x1B200] =	vst v63  }
0x395: {  	_ =	swait.ge [sflag:s23], $0x10  }
0x396: {  	[sflag:s23] =	ssyncset.done $0x0  }
0x397: {  	s13 =	simm.s32 $0x10C00;
	s14 =	simm.s32 $0x10B00;
	[sflag:s23] =	ssyncadd.s32 $0xFFFFFFF0  }
0x398: {  	[spmem:s1] =	stream.indirect.scatter [tilespmem:s14], [sflag:$0x3], $0x1, s13, s17, $0xb8;
	[tilespmem:$0x1B200] =	vst v63  }
0x399: {  	_ =	swait.ge [sflag:s23], $0x10  }
0x39a: {  	[sflag:s23] =	ssyncset.done $0x0  }
0x39b: {  	[sflag:s23] =	ssyncadd.s32 $0xFFFFFFF0  }
0x39c: {  	s15 =	simm.s32 $0x0;
	[bflag:$0x0] =	sbarrier.arrive $0xFFFF  }
0x39d: {  	[tilespmem:s31], [sflag:$0x3] =	stream.indirect.gather [spmem:s1], $0x1, s15, s22, $0xb8;
	[tilespmem:$0x1B200] =	vst v63  }
0x39e: {  	_ =	swait.ge [sflag:s23], $0x1880  }
0x39f: {  	s0 =	sadd.s32 $0x1, s0;
	[sflag:s23] =	ssyncset.done $0x0;
	s30 =	rddreg [dreg:$0x8]  }
0x3a0: {  	p0 =	sne.s32 s0, $0x4;
	[sflag:s23] =	ssyncadd.s32 $0xFFFFE780;
	s2 =	sadd.s32 s30, s6  }
0x3a1: {  	[hbm4b:s2+s15] =	stream.linear.scatter [tilespmem:s31], [sflag:$0x3], $0x1880, $0x38;
	[tilespmem:$0x1B200] =	vst v63  }
.Ltmp23:
0x3a2: {  	_ =	swait.ge [sflag:s23], $0x1880;
	(pc) =	sbr.rel @p0 .LBB2_2-.Ltmp23, $4  }
0x3a3: {  	[sflag:s23] =	ssyncset.done $0x0  }
0x3a4: {  	[sflag:s23] =	ssyncadd.s32 $0xFFFFE780  }
0x3a5: {  	[bflag:$0x0] =	sbarrier.arrive $0xFFFF  }
0x3a6: {  	s10 =	simm.s32 $0x0  }
0x3a7: {  	s2 =	rddreg [dreg:$0xf]  }
0x3a8: {  	s0 =	rddreg [dreg:$0xe];
	s2 =	sadd.s32 $0x1, s2  }
0x3a9: {  	p0 =	sne.s32 s2, s0  }
.Ltmp24:
0x3aa: {  	_ = 	snop;
	(pc) =	sbr.rel @p0 .LBB2_1-.Ltmp24, $1  }
0x3ab: {  	_ =	sdelay $0x3  }
0x3ac: {  	_ =	sfence.sel $0x180000  }
0x3ad: {  	[bflag:$0x0] =	sbarrier.arrive $0xFFFF  }
0x3ae: {  	_ =	strace $0x90000047  }
0x3af: {  	s0 =	stileid.u32;
	[bflag:$0x2] =	sbarrier.arrive $0xFFFF  }
0x3b0: {  	p0 =	sne.s32 s0, $0x0;
	s0 =	rddreg [dreg:$0x6]  }
0x3b1: {  	s0 =	sadd.s32 @!p0 $0x100000, s0  }
0x3b2: {  	[sflag:s0] =	ssyncadd.tile.s32 @!p0 $0x1;
	_ =	shalt  }
.Lfunc_end2:
_tile_overlayer_lowered:
.L_overlay_start_2:
0x3b3: {  	(tag) =	ssettag $0x2  }
0x3b4: {  	s0 =	rddreg [dreg:$0x0];
	s2 =	stileid.u32  }
0x3b5: {  	s1 =	rddreg [dreg:$0x1];
	p0 =	sne.s32 s2, $0x0  }
0x3b6: {  	s3 =	rddreg [dreg:$0x2];
	[bflag:$0x3] =	sbarrier.arrive $0xFFFF;
	s2 =	simm.s32 @!p0 $0x1C03  }
0x3b7: {  	[timem:s3], [sflag:s2] =	dma.local @!p0 [hbm:s0], s1  }
0x3b8: {  	s0 =	simm.s32 @!p0 $0x3  }
0x3b9: {  	_ =	swait.ge @!p0 [sflag:s0], s1  }
0x3ba: {  	s1 =	ssub.s32 @!p0 $0x0, s1;
	[sflag:s0] =	ssyncset.done @!p0 $0x0  }
0x3bb: {  	[sflag:s0] =	ssyncadd.s32 @!p0 s1  }
0x3bc: {  	[bflag:$0x3] =	sbarrier.arrive $0xFFFF  }
0x3bd: {  	_ =	shalt  }

</sc_bundles>
